<compile_context>
chip_gen: v7x
topology: tpu7x:2x2x1
jax: 0.10.2.dev20260603
libtpu: 0.0.44.dev20260713+nightly
codegen_flags: <defaults>
</compile_context>

<pallas_src>
import functools

import jax
import jax.numpy as jnp
from jax import lax
from jax.experimental import pallas as pl
from jax.experimental.pallas import tpu as pltpu
from jax.experimental.pallas import tpu_sc as plsc

N = 10000
E = 320000
H = 128
L = 4

_NC = 2
_NS = 16
_NW = _NC * _NS
_EPW = E // _NW
_C = 80
_NCHUNK = _EPW // _C
_NP = 10240
_RPT = _NP // _NS
_ZROWS = 128


_CH = 128
_NCH = 80
_EPAD = _NW * _NCH * _CH


def _sc_segment_sum(h, src1, dst3):
    mesh = plsc.VectorSubcoreMesh(core_axis_name="c", subcore_axis_name="s")

    @functools.partial(
        pl.kernel,
        out_type=jax.ShapeDtypeStruct((2 * _NP, H), jnp.float32),
        mesh=mesh,
        scratch_types=[
            pltpu.VMEM((_CH,), jnp.int32),
            pltpu.VMEM((_CH,), jnp.int32),
            pltpu.VMEM((_NCH, _CH), jnp.int32),
            pltpu.VMEM((_CH, H), jnp.float32),
            pltpu.VMEM((_CH, H), jnp.float32),
            pltpu.VMEM_SHARED((_NP, H), jnp.float32),
            pltpu.SemaphoreType.DMA,
            pltpu.SemaphoreType.DMA,
            pltpu.SemaphoreType.DMA,
            pltpu.SemaphoreType.DMA,
            pltpu.SemaphoreType.DMA,
            pltpu.SemaphoreType.DMA,
            pltpu.SemaphoreType.DMA,
        ],
    )
    def k(h_hbm, src_hbm, dst_hbm, out_hbm, s0, s1, dst_blk, rows0, rows1,
          agg_sh, gs0, gs1, ss0, ss1, is0, is1, dsem):
        cid = lax.axis_index("c")
        sid = lax.axis_index("s")
        wid = cid * _NS + sid
        base = wid * _NCH * _CH

        cp_d = pltpu.async_copy(dst_hbm.at[wid], dst_blk, dsem)

        z16 = jnp.zeros((16,), jnp.float32)

        def zrow(i, carry):
            for j in range(H // 16):
                rows0[i, pl.ds(j * 16, 16)] = z16
            return carry

        lax.fori_loop(0, _CH, zrow, 0)
        for t in range(_RPT // _CH):
            pltpu.sync_copy(
                rows0, agg_sh.at[pl.ds(sid * _RPT + t * _CH, _CH)])
        plsc.subcore_barrier()

        sb = (s0, s1)
        rows = (rows0, rows1)
        gsems = (gs0, gs1)
        ssems = (ss0, ss1)
        isems = (is0, is1)

        pltpu.async_copy(src_hbm.at[pl.ds(base, _CH)], s0, is0)
        pltpu.async_copy(src_hbm.at[pl.ds(base + _CH, _CH)], s1, is1)
        cp_d.wait()
        for b in range(2):
            pltpu.make_async_copy(
                src_hbm.at[pl.ds(base, _CH)], sb[b], isems[b]).wait()
            pltpu.async_copy(h_hbm.at[sb[b]], rows[b], gsems[b])

        def body(jj, carry):
            j = jj * 2
            for b in range(2):
                cj = j + b
                pltpu.make_async_copy(
                    h_hbm.at[sb[b]], rows[b], gsems[b]).wait()
                pltpu.async_copy(
                    rows[b], agg_sh.at[dst_blk.at[cj]], ssems[b], add=True)

                @pl.when(cj + 2 < _NCH)
                def _():
                    pltpu.async_copy(
                        src_hbm.at[pl.ds(base + (cj + 2) * _CH, _CH)],
                        sb[b], isems[b])

            for b in range(2):
                cj = j + b

                @pl.when(cj + 2 < _NCH)
                def _():
                    pltpu.make_async_copy(
                        rows[b], agg_sh.at[dst_blk.at[cj]], ssems[b]).wait()
                    pltpu.make_async_copy(
                        src_hbm.at[pl.ds(base, _CH)], sb[b], isems[b]).wait()
                    pltpu.async_copy(h_hbm.at[sb[b]], rows[b], gsems[b])

            return carry

        lax.fori_loop(0, _NCH // 2, body, 0)
        for b in range(2):
            pltpu.make_async_copy(
                rows[b], agg_sh.at[dst_blk.at[_NCH - 2 + b]],
                ssems[b]).wait()
        plsc.subcore_barrier()

        pltpu.sync_copy(
            agg_sh.at[pl.ds(sid * _RPT, _RPT)],
            out_hbm.at[pl.ds(cid * _NP + sid * _RPT, _RPT)])

    return k(h, src1, dst3)


def _embed_body(state_ref, emb_ref, out_ref):
    s = state_ref[...]
    e0 = emb_ref[0:1, :]
    e1 = emb_ref[1:2, :]
    out_ref[...] = jnp.where(s == 0, e0, e1)


def _tc_embed(state, emb):
    return pl.pallas_call(
        _embed_body,
        out_shape=jax.ShapeDtypeStruct((N, H), jnp.float32),
    )(state.reshape(N, 1), emb)


def _bn(z, g, b):
    m = jnp.mean(z, axis=0, keepdims=True)
    v = jnp.mean((z - m) ** 2, axis=0, keepdims=True)
    return (z - m) * lax.rsqrt(v + 1e-5) * g + b


def _layer_body(h_ref, p_ref, w1_ref, g1_ref, b1_ref, w2_ref, gbn_ref,
                bbn_ref, out_ref):
    rst = h_ref[...] + p_ref[0:N, :] + p_ref[_NP:_NP + N, :]
    z = jnp.dot(rst, w1_ref[...], preferred_element_type=jnp.float32)
    z = _bn(z, g1_ref[...], b1_ref[...])
    z = jnp.maximum(z, 0.0)
    z = jnp.dot(z, w2_ref[...], preferred_element_type=jnp.float32)
    z = _bn(z, gbn_ref[...], bbn_ref[...])
    out_ref[...] = jnp.maximum(z, 0.0)


def _tc_layer(h, parts, w1, g1, b1, w2, gbn, bbn):
    return pl.pallas_call(
        _layer_body,
        out_shape=jax.ShapeDtypeStruct((N, H), jnp.float32),
    )(h, parts, w1, g1.reshape(1, H), b1.reshape(1, H), w2,
      gbn.reshape(1, H), bbn.reshape(1, H))


def _readout_body(h0, h1, h2, h3, h4, wr1, br1, wr2, br2, out_ref):
    acc = jnp.dot(h0[...], wr1[0:H, :], preferred_element_type=jnp.float32)
    acc += jnp.dot(h1[...], wr1[H:2 * H, :], preferred_element_type=jnp.float32)
    acc += jnp.dot(h2[...], wr1[2 * H:3 * H, :], preferred_element_type=jnp.float32)
    acc += jnp.dot(h3[...], wr1[3 * H:4 * H, :], preferred_element_type=jnp.float32)
    acc += jnp.dot(h4[...], wr1[4 * H:5 * H, :], preferred_element_type=jnp.float32)
    hr = jnp.maximum(acc + br1[...], 0.0)
    out_ref[...] = jnp.dot(hr, wr2[...], preferred_element_type=jnp.float32) + br2[...]


def _tc_readout(hs, wr1, br1, wr2, br2):
    return pl.pallas_call(
        _readout_body,
        out_shape=jax.ShapeDtypeStruct((N, 1), jnp.float32),
    )(*hs, wr1, br1.reshape(1, H), wr2, br2.reshape(1, 1))


def kernel(edge_index, state, emb, W1, G1, B1, W2, GBN, BBN, Wr1, br1, Wr2,
           br2):
    src = edge_index[0]
    dst = edge_index[1]
    pad = _EPAD - E
    src1 = jnp.concatenate([src, jnp.zeros((pad,), jnp.int32)])
    dst3 = jnp.concatenate(
        [dst, jnp.full((pad,), N + 100, jnp.int32)]).reshape(_NW, _NCH, _CH)
    h = _tc_embed(state, emb)
    hs = [h]
    for i in range(L):
        parts = _sc_segment_sum(h, src1, dst3)
        h = _tc_layer(h, parts, W1[i], G1[i], B1[i], W2[i], GBN[i], BBN[i])
        hs.append(h)
    return _tc_readout(hs, Wr1, br1, Wr2, br2)

# --- scband reference (transcript-rebuilt; emitter-appended) ---
"""Pipeline reference for scband-gin-62208306316075 (READ-ONLY COPY).

The authoritative reference and input builder live on the scoring server;
editing this copy changes nothing except your own understanding.
"""

import jax, jax.numpy as jnp
import numpy as np

N = 10000
E = 320000
H = 128
L = 4  # num_layers - 1 GIN conv layers
OUT = 1
VOCAB = 2


def batch_norm(x, g, b, eps=1e-5):
    # training-mode batch norm (batch statistics), matching nn.BatchNorm1d in train mode
    m = jnp.mean(x, axis=0)
    v = jnp.mean((x - m) ** 2, axis=0)
    return (x - m) / jnp.sqrt(v + eps) * g + b


def setup_inputs(seed: int = 0) -> dict:
    key = jax.random.key(seed)
    ks = jax.random.split(key, 10)
    edge_index = jax.random.randint(ks[0], (2, E), 0, N, dtype=jnp.int32)
    state = jax.random.randint(ks[1], (N,), 0, VOCAB, dtype=jnp.int32)
    emb = jax.random.normal(ks[2], (VOCAB, H), dtype=jnp.float32) * 0.02
    # GIN layer MLP weights (bias=False linears), stacked over layers; [in, out] layout
    W1 = jax.random.normal(ks[3], (L, H, H), dtype=jnp.float32) * (1.0 / np.sqrt(H))
    G1 = jnp.ones((L, H), dtype=jnp.float32)
    B1 = jnp.zeros((L, H), dtype=jnp.float32)
    W2 = jax.random.normal(ks[4], (L, H, H), dtype=jnp.float32) * (1.0 / np.sqrt(H))
    # outer per-layer batch norms
    GBN = jnp.ones((L, H), dtype=jnp.float32)
    BBN = jnp.zeros((L, H), dtype=jnp.float32)
    # readout MLP: Linear((L+1)*H -> H) + ReLU + Linear(H -> OUT)
    Wr1 = jax.random.normal(ks[5], ((L + 1) * H, H), dtype=jnp.float32) * (1.0 / np.sqrt((L + 1) * H))
    br1 = jnp.zeros((H,), dtype=jnp.float32)
    Wr2 = jax.random.normal(ks[6], (H, OUT), dtype=jnp.float32) * (1.0 / np.sqrt(H))
    br2 = jnp.zeros((OUT,), dtype=jnp.float32)
    return {
        "edge_index": edge_index, "state": state, "emb": emb,
        "W1": W1, "G1": G1, "B1": B1, "W2": W2,
        "GBN": GBN, "BBN": BBN,
        "Wr1": Wr1, "br1": br1, "Wr2": Wr2, "br2": br2,
    }


def reference(edge_index, state, emb, W1, G1, B1, W2, GBN, BBN, Wr1, br1, Wr2, br2):
    # input embedding lookup
    h = jnp.take(emb, state, axis=0)  # [N, H]
    src = edge_index[0]
    dst = edge_index[1]
    hidden_rep = [h]
    for i in range(L):
        # GINConv, sum aggregator, eps=0 (learn_eps=False):
        # rst = (1 + eps) * h + sum_{j in N(i)} h_j
        msgs = jnp.take(h, src, axis=0)            # gather [E, H]
        agg = jax.ops.segment_sum(msgs, dst, num_segments=N)  # scatter-add [N, H]
        rst = h + agg
        # MLP_GIN: relu(BN(x @ W1)) @ W2
        z = batch_norm(rst @ W1[i], G1[i], B1[i])
        z = jax.nn.relu(z)
        z = z @ W2[i]
        # outer batch norm + relu
        z = batch_norm(z, GBN[i], BBN[i])
        h = jax.nn.relu(z)
        hidden_rep.append(h)
    cat = jnp.concatenate(hidden_rep, axis=-1)  # [N, (L+1)*H]
    hr = jax.nn.relu(cat @ Wr1 + br1)
    score_over_layer = hr @ Wr2 + br2  # [N, OUT]
    return score_over_layer

if __name__ == "__main__":
    import jax
    _d = setup_inputs()
    print(jax.jit(kernel)(*tuple(_d.values())))

</pallas_src>

<mosaic_0001>
#map = affine_map<(d0, d1) -> (0, 0)>
#map1 = affine_map<(d0, d1) -> (0)>
#map2 = affine_map<(d0, d1) -> (0, 0, 0)>
module attributes {stable_mosaic.version = 14 : i64} {
  func.func @k(%arg0: i32, %arg1: i32, %arg2: memref<10000x128xf32, #tpu.memory_space<hbm>>, %arg3: memref<327680xi32, #tpu.memory_space<hbm>>, %arg4: memref<32x80x128xi32, #tpu.memory_space<hbm>>, %arg5: memref<20480x128xf32, #tpu.memory_space<hbm>>, %arg6: memref<128xi32, #tpu.memory_space<vmem>>, %arg7: memref<128xi32, #tpu.memory_space<vmem>>, %arg8: memref<80x128xi32, #tpu.memory_space<vmem>>, %arg9: memref<128x128xf32, #tpu.memory_space<vmem>>, %arg10: memref<128x128xf32, #tpu.memory_space<vmem>>, %arg11: memref<10240x128xf32, #tpu.memory_space<vmem_shared>>, %arg12: memref<!tpu.dma_semaphore, #tpu.memory_space<semaphore_mem>>, %arg13: memref<!tpu.dma_semaphore, #tpu.memory_space<semaphore_mem>>, %arg14: memref<!tpu.dma_semaphore, #tpu.memory_space<semaphore_mem>>, %arg15: memref<!tpu.dma_semaphore, #tpu.memory_space<semaphore_mem>>, %arg16: memref<!tpu.dma_semaphore, #tpu.memory_space<semaphore_mem>>, %arg17: memref<!tpu.dma_semaphore, #tpu.memory_space<semaphore_mem>>, %arg18: memref<!tpu.dma_semaphore, #tpu.memory_space<semaphore_mem>>) attributes {dimension_semantics = [#tpu.dimension_semantics<core_parallel>, #tpu.dimension_semantics<subcore_parallel>], iteration_bounds = array<i64: 2, 16>, scalar_prefetch = 0 : i64, scratch_operands = 13 : i64, tpu.core_type = #tpu.core_type<sc_vector_subcore>, window_params = [{transform_indices = #map}, {transform_indices = #map1}, {transform_indices = #map2}, {transform_indices = #map}]} {
    %mul3A = arith.constant 16 : i32
    %mul3A_0 = arith.muli %arg0, %mul3A : i32
    %add3A = arith.addi %mul3A_0, %arg1 : i32
    %mul3A_1 = arith.constant 80 : i32
    %mul3A_2 = arith.muli %add3A, %mul3A_1 : i32
    %mul3A_3 = arith.constant 128 : i32
    %mul3A_4 = arith.muli %mul3A_2, %mul3A_3 : i32
    %dma_start3A = arith.constant 0 : i32
    %dma_start3A_5 = arith.constant 0 : i32
    %dma_start3A_6 = tpu.memref_slice %arg4[%add3A, %dma_start3A, %dma_start3A_5] : memref<32x80x128xi32, #tpu.memory_space<hbm>> -> memref<1x80x128xi32, #tpu.memory_space<hbm>>
    %dma_start3A_7 = tpu.memref_squeeze %dma_start3A_6 : memref<1x80x128xi32, #tpu.memory_space<hbm>> -> memref<80x128xi32, #tpu.memory_space<hbm>>
    %dma_start3A_8 = arith.constant 0 : i32
    %dma_start3A_9 = arith.constant 0 : i32
    %dma_start3A_10 = tpu.memref_slice %arg4[%add3A, %dma_start3A_8, %dma_start3A_9] : memref<32x80x128xi32, #tpu.memory_space<hbm>> -> memref<1x80x128xi32, #tpu.memory_space<hbm>>
    %dma_start3A_11 = tpu.memref_squeeze %dma_start3A_10 : memref<1x80x128xi32, #tpu.memory_space<hbm>> -> memref<80x128xi32, #tpu.memory_space<hbm>>
    tpu.enqueue_dma source(%dma_start3A_11 : memref<80x128xi32, #tpu.memory_space<hbm>>) target(%arg8 : memref<80x128xi32, #tpu.memory_space<vmem>>) target_semaphore(%arg18 : memref<!tpu.dma_semaphore, #tpu.memory_space<semaphore_mem>>)
    %broadcast_in_dim3A = arith.constant 0.000000e+00 : f32
    %broadcast_in_dim3A_12 = vector.broadcast %broadcast_in_dim3A : f32 to vector<16xf32>
    %scan3A = arith.constant 0 : i32
    %scan3A_13 = arith.constant 0 : i32
    %scan3A_14 = arith.constant 128 : i32
    %scan3A_15 = arith.addi %scan3A_13, %scan3A_14 : i32
    %scan3A_16 = arith.constant 1 : i32
    scf.for %scan3A_89 = %scan3A_13 to %scan3A_15 step %scan3A_16  : i32 {
      %swap3A = arith.index_cast %scan3A_89 : i32 to index
      %swap3A_90 = arith.constant 0 : index
      %swap3A_91 = tpu.vector_load %arg9[%swap3A, %swap3A_90] {strides = array<i32>} : memref<128x128xf32, #tpu.memory_space<vmem>>, vector<1x16xf32>,
      %swap3A_92 = vector.shape_cast %swap3A_91 : vector<1x16xf32> to vector<16xf32>
      %swap3A_93 = vector.shape_cast %broadcast_in_dim3A_12 : vector<16xf32> to vector<1x16xf32>
      tpu.vector_store %arg9[%swap3A, %swap3A_90], %swap3A_93 {strides = array<i32>} : memref<128x128xf32, #tpu.memory_space<vmem>>, vector<1x16xf32>,
      %swap3A_94 = arith.index_cast %scan3A_89 : i32 to index
      %swap3A_95 = arith.constant 16 : index
      %swap3A_96 = tpu.vector_load %arg9[%swap3A_94, %swap3A_95] {strides = array<i32>} : memref<128x128xf32, #tpu.memory_space<vmem>>, vector<1x16xf32>,
      %swap3A_97 = vector.shape_cast %swap3A_96 : vector<1x16xf32> to vector<16xf32>
      %swap3A_98 = vector.shape_cast %broadcast_in_dim3A_12 : vector<16xf32> to vector<1x16xf32>
      tpu.vector_store %arg9[%swap3A_94, %swap3A_95], %swap3A_98 {strides = array<i32>} : memref<128x128xf32, #tpu.memory_space<vmem>>, vector<1x16xf32>,
      %swap3A_99 = arith.index_cast %scan3A_89 : i32 to index
      %swap3A_100 = arith.constant 32 : index
      %swap3A_101 = tpu.vector_load %arg9[%swap3A_99, %swap3A_100] {strides = array<i32>} : memref<128x128xf32, #tpu.memory_space<vmem>>, vector<1x16xf32>,
      %swap3A_102 = vector.shape_cast %swap3A_101 : vector<1x16xf32> to vector<16xf32>
      %swap3A_103 = vector.shape_cast %broadcast_in_dim3A_12 : vector<16xf32> to vector<1x16xf32>
      tpu.vector_store %arg9[%swap3A_99, %swap3A_100], %swap3A_103 {strides = array<i32>} : memref<128x128xf32, #tpu.memory_space<vmem>>, vector<1x16xf32>,
      %swap3A_104 = arith.index_cast %scan3A_89 : i32 to index
      %swap3A_105 = arith.constant 48 : index
      %swap3A_106 = tpu.vector_load %arg9[%swap3A_104, %swap3A_105] {strides = array<i32>} : memref<128x128xf32, #tpu.memory_space<vmem>>, vector<1x16xf32>,
      %swap3A_107 = vector.shape_cast %swap3A_106 : vector<1x16xf32> to vector<16xf32>
      %swap3A_108 = vector.shape_cast %broadcast_in_dim3A_12 : vector<16xf32> to vector<1x16xf32>
      tpu.vector_store %arg9[%swap3A_104, %swap3A_105], %swap3A_108 {strides = array<i32>} : memref<128x128xf32, #tpu.memory_space<vmem>>, vector<1x16xf32>,
      %swap3A_109 = arith.index_cast %scan3A_89 : i32 to index
      %swap3A_110 = arith.constant 64 : index
      %swap3A_111 = tpu.vector_load %arg9[%swap3A_109, %swap3A_110] {strides = array<i32>} : memref<128x128xf32, #tpu.memory_space<vmem>>, vector<1x16xf32>,
      %swap3A_112 = vector.shape_cast %swap3A_111 : vector<1x16xf32> to vector<16xf32>
      %swap3A_113 = vector.shape_cast %broadcast_in_dim3A_12 : vector<16xf32> to vector<1x16xf32>
      tpu.vector_store %arg9[%swap3A_109, %swap3A_110], %swap3A_113 {strides = array<i32>} : memref<128x128xf32, #tpu.memory_space<vmem>>, vector<1x16xf32>,
      %swap3A_114 = arith.index_cast %scan3A_89 : i32 to index
      %swap3A_115 = arith.constant 80 : index
      %swap3A_116 = tpu.vector_load %arg9[%swap3A_114, %swap3A_115] {strides = array<i32>} : memref<128x128xf32, #tpu.memory_space<vmem>>, vector<1x16xf32>,
      %swap3A_117 = vector.shape_cast %swap3A_116 : vector<1x16xf32> to vector<16xf32>
      %swap3A_118 = vector.shape_cast %broadcast_in_dim3A_12 : vector<16xf32> to vector<1x16xf32>
      tpu.vector_store %arg9[%swap3A_114, %swap3A_115], %swap3A_118 {strides = array<i32>} : memref<128x128xf32, #tpu.memory_space<vmem>>, vector<1x16xf32>,
      %swap3A_119 = arith.index_cast %scan3A_89 : i32 to index
      %swap3A_120 = arith.constant 96 : index
      %swap3A_121 = tpu.vector_load %arg9[%swap3A_119, %swap3A_120] {strides = array<i32>} : memref<128x128xf32, #tpu.memory_space<vmem>>, vector<1x16xf32>,
      %swap3A_122 = vector.shape_cast %swap3A_121 : vector<1x16xf32> to vector<16xf32>
      %swap3A_123 = vector.shape_cast %broadcast_in_dim3A_12 : vector<16xf32> to vector<1x16xf32>
      tpu.vector_store %arg9[%swap3A_119, %swap3A_120], %swap3A_123 {strides = array<i32>} : memref<128x128xf32, #tpu.memory_space<vmem>>, vector<1x16xf32>,
      %swap3A_124 = arith.index_cast %scan3A_89 : i32 to index
      %swap3A_125 = arith.constant 112 : index
      %swap3A_126 = tpu.vector_load %arg9[%swap3A_124, %swap3A_125] {strides = array<i32>} : memref<128x128xf32, #tpu.memory_space<vmem>>, vector<1x16xf32>,
      %swap3A_127 = vector.shape_cast %swap3A_126 : vector<1x16xf32> to vector<16xf32>
      %swap3A_128 = vector.shape_cast %broadcast_in_dim3A_12 : vector<16xf32> to vector<1x16xf32>
      tpu.vector_store %arg9[%swap3A_124, %swap3A_125], %swap3A_128 {strides = array<i32>} : memref<128x128xf32, #tpu.memory_space<vmem>>, vector<1x16xf32>,
    }
    %scan3A_17 = arith.constant 128 : i32
    %mul3A_18 = arith.constant 640 : i32
    %mul3A_19 = arith.muli %arg1, %mul3A_18 : i32
    %add3A_20 = arith.constant 0 : i32
    %add3A_21 = arith.addi %mul3A_19, %add3A_20 : i32
    "tpu.region"() ({
      %run_scoped3A = tpu.sem_alloc : memref<!tpu.dma_semaphore, #tpu.memory_space<semaphore_mem>>
      %dma_start3A_89 = arith.constant 0 : i32
      %dma_start3A_90 = tpu.memref_slice %arg11[%add3A_21, %dma_start3A_89] : memref<10240x128xf32, #tpu.memory_space<vmem_shared>> -> memref<128x128xf32, #tpu.memory_space<vmem_shared>>
      %dma_start3A_91 = arith.constant 0 : i32
      %dma_start3A_92 = tpu.memref_slice %arg11[%add3A_21, %dma_start3A_91] : memref<10240x128xf32, #tpu.memory_space<vmem_shared>> -> memref<128x128xf32, #tpu.memory_space<vmem_shared>>
      tpu.enqueue_dma source(%arg9 : memref<128x128xf32, #tpu.memory_space<vmem>>) target(%dma_start3A_92 : memref<128x128xf32, #tpu.memory_space<vmem_shared>>) target_semaphore(%run_scoped3A : memref<!tpu.dma_semaphore, #tpu.memory_space<semaphore_mem>>)
      %dma_wait3A_93 = arith.constant 0 : i32
      %dma_wait3A_94 = tpu.memref_slice %arg11[%add3A_21, %dma_wait3A_93] : memref<10240x128xf32, #tpu.memory_space<vmem_shared>> -> memref<128x128xf32, #tpu.memory_space<vmem_shared>>
      %dma_wait3A_95 = arith.constant 0 : i32
      %dma_wait3A_96 = tpu.memref_slice %arg11[%add3A_21, %dma_wait3A_95] : memref<10240x128xf32, #tpu.memory_space<vmem_shared>> -> memref<128x128xf32, #tpu.memory_space<vmem_shared>>
      tpu.wait_dma2 semaphore(%run_scoped3A : memref<!tpu.dma_semaphore, #tpu.memory_space<semaphore_mem>>) src(%arg9 : memref<128x128xf32, #tpu.memory_space<vmem>>) dst(%dma_wait3A_96 : memref<128x128xf32, #tpu.memory_space<vmem_shared>>)
      tpu.yield
    }) : () -> ()
    %mul3A_22 = arith.constant 640 : i32
    %mul3A_23 = arith.muli %arg1, %mul3A_22 : i32
    %add3A_24 = arith.constant 128 : i32
    %add3A_25 = arith.addi %mul3A_23, %add3A_24 : i32
    "tpu.region"() ({
      %run_scoped3A = tpu.sem_alloc : memref<!tpu.dma_semaphore, #tpu.memory_space<semaphore_mem>>
      %dma_start3A_89 = arith.constant 0 : i32
      %dma_start3A_90 = tpu.memref_slice %arg11[%add3A_25, %dma_start3A_89] : memref<10240x128xf32, #tpu.memory_space<vmem_shared>> -> memref<128x128xf32, #tpu.memory_space<vmem_shared>>
      %dma_start3A_91 = arith.constant 0 : i32
      %dma_start3A_92 = tpu.memref_slice %arg11[%add3A_25, %dma_start3A_91] : memref<10240x128xf32, #tpu.memory_space<vmem_shared>> -> memref<128x128xf32, #tpu.memory_space<vmem_shared>>
      tpu.enqueue_dma source(%arg9 : memref<128x128xf32, #tpu.memory_space<vmem>>) target(%dma_start3A_92 : memref<128x128xf32, #tpu.memory_space<vmem_shared>>) target_semaphore(%run_scoped3A : memref<!tpu.dma_semaphore, #tpu.memory_space<semaphore_mem>>)
      %dma_wait3A_93 = arith.constant 0 : i32
      %dma_wait3A_94 = tpu.memref_slice %arg11[%add3A_25, %dma_wait3A_93] : memref<10240x128xf32, #tpu.memory_space<vmem_shared>> -> memref<128x128xf32, #tpu.memory_space<vmem_shared>>
      %dma_wait3A_95 = arith.constant 0 : i32
      %dma_wait3A_96 = tpu.memref_slice %arg11[%add3A_25, %dma_wait3A_95] : memref<10240x128xf32, #tpu.memory_space<vmem_shared>> -> memref<128x128xf32, #tpu.memory_space<vmem_shared>>
      tpu.wait_dma2 semaphore(%run_scoped3A : memref<!tpu.dma_semaphore, #tpu.memory_space<semaphore_mem>>) src(%arg9 : memref<128x128xf32, #tpu.memory_space<vmem>>) dst(%dma_wait3A_96 : memref<128x128xf32, #tpu.memory_space<vmem_shared>>)
      tpu.yield
    }) : () -> ()
    %mul3A_26 = arith.constant 640 : i32
    %mul3A_27 = arith.muli %arg1, %mul3A_26 : i32
    %add3A_28 = arith.constant 256 : i32
    %add3A_29 = arith.addi %mul3A_27, %add3A_28 : i32
    "tpu.region"() ({
      %run_scoped3A = tpu.sem_alloc : memref<!tpu.dma_semaphore, #tpu.memory_space<semaphore_mem>>
      %dma_start3A_89 = arith.constant 0 : i32
      %dma_start3A_90 = tpu.memref_slice %arg11[%add3A_29, %dma_start3A_89] : memref<10240x128xf32, #tpu.memory_space<vmem_shared>> -> memref<128x128xf32, #tpu.memory_space<vmem_shared>>
      %dma_start3A_91 = arith.constant 0 : i32
      %dma_start3A_92 = tpu.memref_slice %arg11[%add3A_29, %dma_start3A_91] : memref<10240x128xf32, #tpu.memory_space<vmem_shared>> -> memref<128x128xf32, #tpu.memory_space<vmem_shared>>
      tpu.enqueue_dma source(%arg9 : memref<128x128xf32, #tpu.memory_space<vmem>>) target(%dma_start3A_92 : memref<128x128xf32, #tpu.memory_space<vmem_shared>>) target_semaphore(%run_scoped3A : memref<!tpu.dma_semaphore, #tpu.memory_space<semaphore_mem>>)
      %dma_wait3A_93 = arith.constant 0 : i32
      %dma_wait3A_94 = tpu.memref_slice %arg11[%add3A_29, %dma_wait3A_93] : memref<10240x128xf32, #tpu.memory_space<vmem_shared>> -> memref<128x128xf32, #tpu.memory_space<vmem_shared>>
      %dma_wait3A_95 = arith.constant 0 : i32
      %dma_wait3A_96 = tpu.memref_slice %arg11[%add3A_29, %dma_wait3A_95] : memref<10240x128xf32, #tpu.memory_space<vmem_shared>> -> memref<128x128xf32, #tpu.memory_space<vmem_shared>>
      tpu.wait_dma2 semaphore(%run_scoped3A : memref<!tpu.dma_semaphore, #tpu.memory_space<semaphore_mem>>) src(%arg9 : memref<128x128xf32, #tpu.memory_space<vmem>>) dst(%dma_wait3A_96 : memref<128x128xf32, #tpu.memory_space<vmem_shared>>)
      tpu.yield
    }) : () -> ()
    %mul3A_30 = arith.constant 640 : i32
    %mul3A_31 = arith.muli %arg1, %mul3A_30 : i32
    %add3A_32 = arith.constant 384 : i32
    %add3A_33 = arith.addi %mul3A_31, %add3A_32 : i32
    "tpu.region"() ({
      %run_scoped3A = tpu.sem_alloc : memref<!tpu.dma_semaphore, #tpu.memory_space<semaphore_mem>>
      %dma_start3A_89 = arith.constant 0 : i32
      %dma_start3A_90 = tpu.memref_slice %arg11[%add3A_33, %dma_start3A_89] : memref<10240x128xf32, #tpu.memory_space<vmem_shared>> -> memref<128x128xf32, #tpu.memory_space<vmem_shared>>
      %dma_start3A_91 = arith.constant 0 : i32
      %dma_start3A_92 = tpu.memref_slice %arg11[%add3A_33, %dma_start3A_91] : memref<10240x128xf32, #tpu.memory_space<vmem_shared>> -> memref<128x128xf32, #tpu.memory_space<vmem_shared>>
      tpu.enqueue_dma source(%arg9 : memref<128x128xf32, #tpu.memory_space<vmem>>) target(%dma_start3A_92 : memref<128x128xf32, #tpu.memory_space<vmem_shared>>) target_semaphore(%run_scoped3A : memref<!tpu.dma_semaphore, #tpu.memory_space<semaphore_mem>>)
      %dma_wait3A_93 = arith.constant 0 : i32
      %dma_wait3A_94 = tpu.memref_slice %arg11[%add3A_33, %dma_wait3A_93] : memref<10240x128xf32, #tpu.memory_space<vmem_shared>> -> memref<128x128xf32, #tpu.memory_space<vmem_shared>>
      %dma_wait3A_95 = arith.constant 0 : i32
      %dma_wait3A_96 = tpu.memref_slice %arg11[%add3A_33, %dma_wait3A_95] : memref<10240x128xf32, #tpu.memory_space<vmem_shared>> -> memref<128x128xf32, #tpu.memory_space<vmem_shared>>
      tpu.wait_dma2 semaphore(%run_scoped3A : memref<!tpu.dma_semaphore, #tpu.memory_space<semaphore_mem>>) src(%arg9 : memref<128x128xf32, #tpu.memory_space<vmem>>) dst(%dma_wait3A_96 : memref<128x128xf32, #tpu.memory_space<vmem_shared>>)
      tpu.yield
    }) : () -> ()
    %mul3A_34 = arith.constant 640 : i32
    %mul3A_35 = arith.muli %arg1, %mul3A_34 : i32
    %add3A_36 = arith.constant 512 : i32
    %add3A_37 = arith.addi %mul3A_35, %add3A_36 : i32
    "tpu.region"() ({
      %run_scoped3A = tpu.sem_alloc : memref<!tpu.dma_semaphore, #tpu.memory_space<semaphore_mem>>
      %dma_start3A_89 = arith.constant 0 : i32
      %dma_start3A_90 = tpu.memref_slice %arg11[%add3A_37, %dma_start3A_89] : memref<10240x128xf32, #tpu.memory_space<vmem_shared>> -> memref<128x128xf32, #tpu.memory_space<vmem_shared>>
      %dma_start3A_91 = arith.constant 0 : i32
      %dma_start3A_92 = tpu.memref_slice %arg11[%add3A_37, %dma_start3A_91] : memref<10240x128xf32, #tpu.memory_space<vmem_shared>> -> memref<128x128xf32, #tpu.memory_space<vmem_shared>>
      tpu.enqueue_dma source(%arg9 : memref<128x128xf32, #tpu.memory_space<vmem>>) target(%dma_start3A_92 : memref<128x128xf32, #tpu.memory_space<vmem_shared>>) target_semaphore(%run_scoped3A : memref<!tpu.dma_semaphore, #tpu.memory_space<semaphore_mem>>)
      %dma_wait3A_93 = arith.constant 0 : i32
      %dma_wait3A_94 = tpu.memref_slice %arg11[%add3A_37, %dma_wait3A_93] : memref<10240x128xf32, #tpu.memory_space<vmem_shared>> -> memref<128x128xf32, #tpu.memory_space<vmem_shared>>
      %dma_wait3A_95 = arith.constant 0 : i32
      %dma_wait3A_96 = tpu.memref_slice %arg11[%add3A_37, %dma_wait3A_95] : memref<10240x128xf32, #tpu.memory_space<vmem_shared>> -> memref<128x128xf32, #tpu.memory_space<vmem_shared>>
      tpu.wait_dma2 semaphore(%run_scoped3A : memref<!tpu.dma_semaphore, #tpu.memory_space<semaphore_mem>>) src(%arg9 : memref<128x128xf32, #tpu.memory_space<vmem>>) dst(%dma_wait3A_96 : memref<128x128xf32, #tpu.memory_space<vmem_shared>>)
      tpu.yield
    }) : () -> ()
    %barrier3A = arith.constant 0 : index
    tpu.barrier barrier_id(%barrier3A)
    %dma_start3A_38 = tpu.memref_slice %arg3[%mul3A_4] : memref<327680xi32, #tpu.memory_space<hbm>> -> memref<128xi32, #tpu.memory_space<hbm>>
    %dma_start3A_39 = tpu.memref_slice %arg3[%mul3A_4] : memref<327680xi32, #tpu.memory_space<hbm>> -> memref<128xi32, #tpu.memory_space<hbm>>
    tpu.enqueue_dma source(%dma_start3A_39 : memref<128xi32, #tpu.memory_space<hbm>>) target(%arg6 : memref<128xi32, #tpu.memory_space<vmem>>) target_semaphore(%arg16 : memref<!tpu.dma_semaphore, #tpu.memory_space<semaphore_mem>>)
    %add3A_40 = arith.constant 128 : i32
    %add3A_41 = arith.addi %mul3A_4, %add3A_40 : i32
    %dma_start3A_42 = tpu.memref_slice %arg3[%add3A_41] : memref<327680xi32, #tpu.memory_space<hbm>> -> memref<128xi32, #tpu.memory_space<hbm>>
    %dma_start3A_43 = tpu.memref_slice %arg3[%add3A_41] : memref<327680xi32, #tpu.memory_space<hbm>> -> memref<128xi32, #tpu.memory_space<hbm>>
    tpu.enqueue_dma source(%dma_start3A_43 : memref<128xi32, #tpu.memory_space<hbm>>) target(%arg7 : memref<128xi32, #tpu.memory_space<vmem>>) target_semaphore(%arg17 : memref<!tpu.dma_semaphore, #tpu.memory_space<semaphore_mem>>)
    %dma_wait3A = arith.constant 0 : i32
    %dma_wait3A_44 = arith.constant 0 : i32
    %dma_wait3A_45 = tpu.memref_slice %arg4[%add3A, %dma_wait3A, %dma_wait3A_44] : memref<32x80x128xi32, #tpu.memory_space<hbm>> -> memref<1x80x128xi32, #tpu.memory_space<hbm>>
    %dma_wait3A_46 = tpu.memref_squeeze %dma_wait3A_45 : memref<1x80x128xi32, #tpu.memory_space<hbm>> -> memref<80x128xi32, #tpu.memory_space<hbm>>
    %dma_wait3A_47 = arith.constant 0 : i32
    %dma_wait3A_48 = arith.constant 0 : i32
    %dma_wait3A_49 = tpu.memref_slice %arg4[%add3A, %dma_wait3A_47, %dma_wait3A_48] : memref<32x80x128xi32, #tpu.memory_space<hbm>> -> memref<1x80x128xi32, #tpu.memory_space<hbm>>
    %dma_wait3A_50 = tpu.memref_squeeze %dma_wait3A_49 : memref<1x80x128xi32, #tpu.memory_space<hbm>> -> memref<80x128xi32, #tpu.memory_space<hbm>>
    tpu.wait_dma2 semaphore(%arg18 : memref<!tpu.dma_semaphore, #tpu.memory_space<semaphore_mem>>) src(%dma_wait3A_50 : memref<80x128xi32, #tpu.memory_space<hbm>>) dst(%arg8 : memref<80x128xi32, #tpu.memory_space<vmem>>)
    %dma_wait3A_51 = tpu.memref_slice %arg3[%mul3A_4] : memref<327680xi32, #tpu.memory_space<hbm>> -> memref<128xi32, #tpu.memory_space<hbm>>
    %dma_wait3A_52 = tpu.memref_slice %arg3[%mul3A_4] : memref<327680xi32, #tpu.memory_space<hbm>> -> memref<128xi32, #tpu.memory_space<hbm>>
    tpu.wait_dma2 semaphore(%arg16 : memref<!tpu.dma_semaphore, #tpu.memory_space<semaphore_mem>>) src(%dma_wait3A_52 : memref<128xi32, #tpu.memory_space<hbm>>) dst(%arg6 : memref<128xi32, #tpu.memory_space<vmem>>)
    %dma_start3A_53 = arith.constant 0 : i32
    %dma_start3A_54 = arith.constant 0 : i32
    %dma_start3A_55 = tpu.memref_slice %arg2[%dma_start3A_53, %dma_start3A_54] : memref<10000x128xf32, #tpu.memory_space<hbm>> -> memref<10000x128xf32, #tpu.memory_space<hbm>>
    tpu.enqueue_indirect_dma source(%dma_start3A_55 : memref<10000x128xf32, #tpu.memory_space<hbm>>) target(%arg9 : memref<128x128xf32, #tpu.memory_space<vmem>>) offsets(%arg6 : memref<128xi32, #tpu.memory_space<vmem>>) semaphore(%arg12 : memref<!tpu.dma_semaphore, #tpu.memory_space<semaphore_mem>>)
    %dma_wait3A_56 = tpu.memref_slice %arg3[%mul3A_4] : memref<327680xi32, #tpu.memory_space<hbm>> -> memref<128xi32, #tpu.memory_space<hbm>>
    %dma_wait3A_57 = tpu.memref_slice %arg3[%mul3A_4] : memref<327680xi32, #tpu.memory_space<hbm>> -> memref<128xi32, #tpu.memory_space<hbm>>
    tpu.wait_dma2 semaphore(%arg17 : memref<!tpu.dma_semaphore, #tpu.memory_space<semaphore_mem>>) src(%dma_wait3A_57 : memref<128xi32, #tpu.memory_space<hbm>>) dst(%arg7 : memref<128xi32, #tpu.memory_space<vmem>>)
    %dma_start3A_58 = arith.constant 0 : i32
    %dma_start3A_59 = arith.constant 0 : i32
    %dma_start3A_60 = tpu.memref_slice %arg2[%dma_start3A_58, %dma_start3A_59] : memref<10000x128xf32, #tpu.memory_space<hbm>> -> memref<10000x128xf32, #tpu.memory_space<hbm>>
    tpu.enqueue_indirect_dma source(%dma_start3A_60 : memref<10000x128xf32, #tpu.memory_space<hbm>>) target(%arg10 : memref<128x128xf32, #tpu.memory_space<vmem>>) offsets(%arg7 : memref<128xi32, #tpu.memory_space<vmem>>) semaphore(%arg13 : memref<!tpu.dma_semaphore, #tpu.memory_space<semaphore_mem>>)
    %scan3A_61 = arith.constant 0 : i32
    %scan3A_62 = arith.constant 0 : i32
    %scan3A_63 = arith.constant 40 : i32
    %scan3A_64 = arith.addi %scan3A_62, %scan3A_63 : i32
    %scan3A_65 = arith.constant 1 : i32
    scf.for %scan3A_89 = %scan3A_62 to %scan3A_64 step %scan3A_65  : i32 {
      %mul3A_90 = arith.constant 2 : i32
      %mul3A_91 = arith.muli %scan3A_89, %mul3A_90 : i32
      %add3A_92 = arith.constant 0 : i32
      %add3A_93 = arith.addi %mul3A_91, %add3A_92 : i32
      %dma_wait3A_94 = arith.constant 0 : i32
      %dma_wait3A_95 = arith.constant 0 : i32
      %dma_wait3A_96 = tpu.memref_slice %arg2[%dma_wait3A_94, %dma_wait3A_95] : memref<10000x128xf32, #tpu.memory_space<hbm>> -> memref<10000x128xf32, #tpu.memory_space<hbm>>
      tpu.wait_indirect_dma semaphore(%arg12 : memref<!tpu.dma_semaphore, #tpu.memory_space<semaphore_mem>>) src(%dma_wait3A_96 : memref<10000x128xf32, #tpu.memory_space<hbm>>) dst(%arg9 : memref<128x128xf32, #tpu.memory_space<vmem>>)
      %dma_start3A_97 = arith.constant 0 : i32
      %dma_start3A_98 = tpu.memref_slice %arg8[%add3A_93, %dma_start3A_97] : memref<80x128xi32, #tpu.memory_space<vmem>> -> memref<1x128xi32, #tpu.memory_space<vmem>>
      %dma_start3A_99 = tpu.memref_squeeze %dma_start3A_98 : memref<1x128xi32, #tpu.memory_space<vmem>> -> memref<128xi32, #tpu.memory_space<vmem>>
      %dma_start3A_100 = arith.constant 0 : i32
      %dma_start3A_101 = arith.constant 0 : i32
      %dma_start3A_102 = tpu.memref_slice %arg11[%dma_start3A_100, %dma_start3A_101] : memref<10240x128xf32, #tpu.memory_space<vmem_shared>> -> memref<10240x128xf32, #tpu.memory_space<vmem_shared>>
      tpu.enqueue_indirect_dma source(%arg9 : memref<128x128xf32, #tpu.memory_space<vmem>>) target(%dma_start3A_102 : memref<10240x128xf32, #tpu.memory_space<vmem_shared>>) offsets(%dma_start3A_99 : memref<128xi32, #tpu.memory_space<vmem>>) semaphore(%arg14 : memref<!tpu.dma_semaphore, #tpu.memory_space<semaphore_mem>>) {add = true}
      %add3A_103 = arith.constant 2 : i32
      %add3A_104 = arith.addi %add3A_93, %add3A_103 : i32
      %lt3A = arith.constant 80 : i32
      %lt3A_105 = arith.cmpi slt, %add3A_104, %lt3A : i32
      %convert_element_type3A = arith.extui %lt3A_105 : i1 to i32
      %cond3A = arith.constant 0 : i32
      %cond3A_106 = arith.cmpi ne, %convert_element_type3A, %cond3A : i32
      scf.if %cond3A_106 {
        %add3A_143 = arith.constant 2 : i32
        %add3A_144 = arith.addi %add3A_93, %add3A_143 : i32
        %mul3A_145 = arith.constant 128 : i32
        %mul3A_146 = arith.muli %add3A_144, %mul3A_145 : i32
        %add3A_147 = arith.addi %mul3A_4, %mul3A_146 : i32
        %dma_start3A_148 = tpu.memref_slice %arg3[%add3A_147] : memref<327680xi32, #tpu.memory_space<hbm>> -> memref<128xi32, #tpu.memory_space<hbm>>
        %dma_start3A_149 = tpu.memref_slice %arg3[%add3A_147] : memref<327680xi32, #tpu.memory_space<hbm>> -> memref<128xi32, #tpu.memory_space<hbm>>
        tpu.enqueue_dma source(%dma_start3A_149 : memref<128xi32, #tpu.memory_space<hbm>>) target(%arg6 : memref<128xi32, #tpu.memory_space<vmem>>) target_semaphore(%arg16 : memref<!tpu.dma_semaphore, #tpu.memory_space<semaphore_mem>>)
      } else {
      }
      %add3A_107 = arith.constant 1 : i32
      %add3A_108 = arith.addi %mul3A_91, %add3A_107 : i32
      %dma_wait3A_109 = arith.constant 0 : i32
      %dma_wait3A_110 = arith.constant 0 : i32
      %dma_wait3A_111 = tpu.memref_slice %arg2[%dma_wait3A_109, %dma_wait3A_110] : memref<10000x128xf32, #tpu.memory_space<hbm>> -> memref<10000x128xf32, #tpu.memory_space<hbm>>
      tpu.wait_indirect_dma semaphore(%arg13 : memref<!tpu.dma_semaphore, #tpu.memory_space<semaphore_mem>>) src(%dma_wait3A_111 : memref<10000x128xf32, #tpu.memory_space<hbm>>) dst(%arg10 : memref<128x128xf32, #tpu.memory_space<vmem>>)
      %dma_start3A_112 = arith.constant 0 : i32
      %dma_start3A_113 = tpu.memref_slice %arg8[%add3A_108, %dma_start3A_112] : memref<80x128xi32, #tpu.memory_space<vmem>> -> memref<1x128xi32, #tpu.memory_space<vmem>>
      %dma_start3A_114 = tpu.memref_squeeze %dma_start3A_113 : memref<1x128xi32, #tpu.memory_space<vmem>> -> memref<128xi32, #tpu.memory_space<vmem>>
      %dma_start3A_115 = arith.constant 0 : i32
      %dma_start3A_116 = arith.constant 0 : i32
      %dma_start3A_117 = tpu.memref_slice %arg11[%dma_start3A_115, %dma_start3A_116] : memref<10240x128xf32, #tpu.memory_space<vmem_shared>> -> memref<10240x128xf32, #tpu.memory_space<vmem_shared>>
      tpu.enqueue_indirect_dma source(%arg10 : memref<128x128xf32, #tpu.memory_space<vmem>>) target(%dma_start3A_117 : memref<10240x128xf32, #tpu.memory_space<vmem_shared>>) offsets(%dma_start3A_114 : memref<128xi32, #tpu.memory_space<vmem>>) semaphore(%arg15 : memref<!tpu.dma_semaphore, #tpu.memory_space<semaphore_mem>>) {add = true}
      %add3A_118 = arith.constant 2 : i32
      %add3A_119 = arith.addi %add3A_108, %add3A_118 : i32
      %lt3A_120 = arith.constant 80 : i32
      %lt3A_121 = arith.cmpi slt, %add3A_119, %lt3A_120 : i32
      %convert_element_type3A_122 = arith.extui %lt3A_121 : i1 to i32
      %cond3A_123 = arith.constant 0 : i32
      %cond3A_124 = arith.cmpi ne, %convert_element_type3A_122, %cond3A_123 : i32
      scf.if %cond3A_124 {
        %add3A_143 = arith.constant 2 : i32
        %add3A_144 = arith.addi %add3A_108, %add3A_143 : i32
        %mul3A_145 = arith.constant 128 : i32
        %mul3A_146 = arith.muli %add3A_144, %mul3A_145 : i32
        %add3A_147 = arith.addi %mul3A_4, %mul3A_146 : i32
        %dma_start3A_148 = tpu.memref_slice %arg3[%add3A_147] : memref<327680xi32, #tpu.memory_space<hbm>> -> memref<128xi32, #tpu.memory_space<hbm>>
        %dma_start3A_149 = tpu.memref_slice %arg3[%add3A_147] : memref<327680xi32, #tpu.memory_space<hbm>> -> memref<128xi32, #tpu.memory_space<hbm>>
        tpu.enqueue_dma source(%dma_start3A_149 : memref<128xi32, #tpu.memory_space<hbm>>) target(%arg7 : memref<128xi32, #tpu.memory_space<vmem>>) target_semaphore(%arg17 : memref<!tpu.dma_semaphore, #tpu.memory_space<semaphore_mem>>)
      } else {
      }
      %add3A_125 = arith.constant 0 : i32
      %add3A_126 = arith.addi %mul3A_91, %add3A_125 : i32
      %add3A_127 = arith.constant 2 : i32
      %add3A_128 = arith.addi %add3A_126, %add3A_127 : i32
      %lt3A_129 = arith.constant 80 : i32
      %lt3A_130 = arith.cmpi slt, %add3A_128, %lt3A_129 : i32
      %convert_element_type3A_131 = arith.extui %lt3A_130 : i1 to i32
      %cond3A_132 = arith.constant 0 : i32
      %cond3A_133 = arith.cmpi ne, %convert_element_type3A_131, %cond3A_132 : i32
      scf.if %cond3A_133 {
        %dma_wait3A_143 = arith.constant 0 : i32
        %dma_wait3A_144 = tpu.memref_slice %arg8[%add3A_126, %dma_wait3A_143] : memref<80x128xi32, #tpu.memory_space<vmem>> -> memref<1x128xi32, #tpu.memory_space<vmem>>
        %dma_wait3A_145 = tpu.memref_squeeze %dma_wait3A_144 : memref<1x128xi32, #tpu.memory_space<vmem>> -> memref<128xi32, #tpu.memory_space<vmem>>
        %dma_wait3A_146 = arith.constant 0 : i32
        %dma_wait3A_147 = arith.constant 0 : i32
        %dma_wait3A_148 = tpu.memref_slice %arg11[%dma_wait3A_146, %dma_wait3A_147] : memref<10240x128xf32, #tpu.memory_space<vmem_shared>> -> memref<10240x128xf32, #tpu.memory_space<vmem_shared>>
        tpu.wait_indirect_dma semaphore(%arg14 : memref<!tpu.dma_semaphore, #tpu.memory_space<semaphore_mem>>) src(%arg9 : memref<128x128xf32, #tpu.memory_space<vmem>>) dst(%dma_wait3A_148 : memref<10240x128xf32, #tpu.memory_space<vmem_shared>>)
        %dma_wait3A_149 = tpu.memref_slice %arg3[%mul3A_4] : memref<327680xi32, #tpu.memory_space<hbm>> -> memref<128xi32, #tpu.memory_space<hbm>>
        %dma_wait3A_150 = tpu.memref_slice %arg3[%mul3A_4] : memref<327680xi32, #tpu.memory_space<hbm>> -> memref<128xi32, #tpu.memory_space<hbm>>
        tpu.wait_dma2 semaphore(%arg16 : memref<!tpu.dma_semaphore, #tpu.memory_space<semaphore_mem>>) src(%dma_wait3A_150 : memref<128xi32, #tpu.memory_space<hbm>>) dst(%arg6 : memref<128xi32, #tpu.memory_space<vmem>>)
        %dma_start3A_151 = arith.constant 0 : i32
        %dma_start3A_152 = arith.constant 0 : i32
        %dma_start3A_153 = tpu.memref_slice %arg2[%dma_start3A_151, %dma_start3A_152] : memref<10000x128xf32, #tpu.memory_space<hbm>> -> memref<10000x128xf32, #tpu.memory_space<hbm>>
        tpu.enqueue_indirect_dma source(%dma_start3A_153 : memref<10000x128xf32, #tpu.memory_space<hbm>>) target(%arg9 : memref<128x128xf32, #tpu.memory_space<vmem>>) offsets(%arg6 : memref<128xi32, #tpu.memory_space<vmem>>) semaphore(%arg12 : memref<!tpu.dma_semaphore, #tpu.memory_space<semaphore_mem>>)
      } else {
      }
      %add3A_134 = arith.constant 1 : i32
      %add3A_135 = arith.addi %mul3A_91, %add3A_134 : i32
      %add3A_136 = arith.constant 2 : i32
      %add3A_137 = arith.addi %add3A_135, %add3A_136 : i32
      %lt3A_138 = arith.constant 80 : i32
      %lt3A_139 = arith.cmpi slt, %add3A_137, %lt3A_138 : i32
      %convert_element_type3A_140 = arith.extui %lt3A_139 : i1 to i32
      %cond3A_141 = arith.constant 0 : i32
      %cond3A_142 = arith.cmpi ne, %convert_element_type3A_140, %cond3A_141 : i32
      scf.if %cond3A_142 {
        %dma_wait3A_143 = arith.constant 0 : i32
        %dma_wait3A_144 = tpu.memref_slice %arg8[%add3A_135, %dma_wait3A_143] : memref<80x128xi32, #tpu.memory_space<vmem>> -> memref<1x128xi32, #tpu.memory_space<vmem>>
        %dma_wait3A_145 = tpu.memref_squeeze %dma_wait3A_144 : memref<1x128xi32, #tpu.memory_space<vmem>> -> memref<128xi32, #tpu.memory_space<vmem>>
        %dma_wait3A_146 = arith.constant 0 : i32
        %dma_wait3A_147 = arith.constant 0 : i32
        %dma_wait3A_148 = tpu.memref_slice %arg11[%dma_wait3A_146, %dma_wait3A_147] : memref<10240x128xf32, #tpu.memory_space<vmem_shared>> -> memref<10240x128xf32, #tpu.memory_space<vmem_shared>>
        tpu.wait_indirect_dma semaphore(%arg15 : memref<!tpu.dma_semaphore, #tpu.memory_space<semaphore_mem>>) src(%arg10 : memref<128x128xf32, #tpu.memory_space<vmem>>) dst(%dma_wait3A_148 : memref<10240x128xf32, #tpu.memory_space<vmem_shared>>)
        %dma_wait3A_149 = tpu.memref_slice %arg3[%mul3A_4] : memref<327680xi32, #tpu.memory_space<hbm>> -> memref<128xi32, #tpu.memory_space<hbm>>
        %dma_wait3A_150 = tpu.memref_slice %arg3[%mul3A_4] : memref<327680xi32, #tpu.memory_space<hbm>> -> memref<128xi32, #tpu.memory_space<hbm>>
        tpu.wait_dma2 semaphore(%arg17 : memref<!tpu.dma_semaphore, #tpu.memory_space<semaphore_mem>>) src(%dma_wait3A_150 : memref<128xi32, #tpu.memory_space<hbm>>) dst(%arg7 : memref<128xi32, #tpu.memory_space<vmem>>)
        %dma_start3A_151 = arith.constant 0 : i32
        %dma_start3A_152 = arith.constant 0 : i32
        %dma_start3A_153 = tpu.memref_slice %arg2[%dma_start3A_151, %dma_start3A_152] : memref<10000x128xf32, #tpu.memory_space<hbm>> -> memref<10000x128xf32, #tpu.memory_space<hbm>>
        tpu.enqueue_indirect_dma source(%dma_start3A_153 : memref<10000x128xf32, #tpu.memory_space<hbm>>) target(%arg10 : memref<128x128xf32, #tpu.memory_space<vmem>>) offsets(%arg7 : memref<128xi32, #tpu.memory_space<vmem>>) semaphore(%arg13 : memref<!tpu.dma_semaphore, #tpu.memory_space<semaphore_mem>>)
      } else {
      }
    }
    %scan3A_66 = arith.constant 40 : i32
    %dma_wait3A_67 = arith.constant 78 : i32
    %dma_wait3A_68 = arith.constant 0 : i32
    %dma_wait3A_69 = tpu.memref_slice %arg8[%dma_wait3A_67, %dma_wait3A_68] : memref<80x128xi32, #tpu.memory_space<vmem>> -> memref<1x128xi32, #tpu.memory_space<vmem>>
    %dma_wait3A_70 = tpu.memref_squeeze %dma_wait3A_69 : memref<1x128xi32, #tpu.memory_space<vmem>> -> memref<128xi32, #tpu.memory_space<vmem>>
    %dma_wait3A_71 = arith.constant 0 : i32
    %dma_wait3A_72 = arith.constant 0 : i32
    %dma_wait3A_73 = tpu.memref_slice %arg11[%dma_wait3A_71, %dma_wait3A_72] : memref<10240x128xf32, #tpu.memory_space<vmem_shared>> -> memref<10240x128xf32, #tpu.memory_space<vmem_shared>>
    tpu.wait_indirect_dma semaphore(%arg14 : memref<!tpu.dma_semaphore, #tpu.memory_space<semaphore_mem>>) src(%arg9 : memref<128x128xf32, #tpu.memory_space<vmem>>) dst(%dma_wait3A_73 : memref<10240x128xf32, #tpu.memory_space<vmem_shared>>)
    %dma_wait3A_74 = arith.constant 79 : i32
    %dma_wait3A_75 = arith.constant 0 : i32
    %dma_wait3A_76 = tpu.memref_slice %arg8[%dma_wait3A_74, %dma_wait3A_75] : memref<80x128xi32, #tpu.memory_space<vmem>> -> memref<1x128xi32, #tpu.memory_space<vmem>>
    %dma_wait3A_77 = tpu.memref_squeeze %dma_wait3A_76 : memref<1x128xi32, #tpu.memory_space<vmem>> -> memref<128xi32, #tpu.memory_space<vmem>>
    %dma_wait3A_78 = arith.constant 0 : i32
    %dma_wait3A_79 = arith.constant 0 : i32
    %dma_wait3A_80 = tpu.memref_slice %arg11[%dma_wait3A_78, %dma_wait3A_79] : memref<10240x128xf32, #tpu.memory_space<vmem_shared>> -> memref<10240x128xf32, #tpu.memory_space<vmem_shared>>
    tpu.wait_indirect_dma semaphore(%arg15 : memref<!tpu.dma_semaphore, #tpu.memory_space<semaphore_mem>>) src(%arg10 : memref<128x128xf32, #tpu.memory_space<vmem>>) dst(%dma_wait3A_80 : memref<10240x128xf32, #tpu.memory_space<vmem_shared>>)
    %barrier3A_81 = arith.constant 0 : index
    tpu.barrier barrier_id(%barrier3A_81)
    %mul3A_82 = arith.constant 640 : i32
    %mul3A_83 = arith.muli %arg1, %mul3A_82 : i32
    %mul3A_84 = arith.constant 10240 : i32
    %mul3A_85 = arith.muli %arg0, %mul3A_84 : i32
    %mul3A_86 = arith.constant 640 : i32
    %mul3A_87 = arith.muli %arg1, %mul3A_86 : i32
    %add3A_88 = arith.addi %mul3A_85, %mul3A_87 : i32
    "tpu.region"() ({
      %run_scoped3A = tpu.sem_alloc : memref<!tpu.dma_semaphore, #tpu.memory_space<semaphore_mem>>
      %dma_start3A_89 = arith.constant 0 : i32
      %dma_start3A_90 = tpu.memref_slice %arg5[%add3A_88, %dma_start3A_89] : memref<20480x128xf32, #tpu.memory_space<hbm>> -> memref<640x128xf32, #tpu.memory_space<hbm>>
      %dma_start3A_91 = arith.constant 0 : i32
      %dma_start3A_92 = tpu.memref_slice %arg11[%mul3A_83, %dma_start3A_91] : memref<10240x128xf32, #tpu.memory_space<vmem_shared>> -> memref<640x128xf32, #tpu.memory_space<vmem_shared>>
      tpu.enqueue_dma source(%dma_start3A_92 : memref<640x128xf32, #tpu.memory_space<vmem_shared>>) target(%dma_start3A_90 : memref<640x128xf32, #tpu.memory_space<hbm>>) target_semaphore(%run_scoped3A : memref<!tpu.dma_semaphore, #tpu.memory_space<semaphore_mem>>)
      %dma_wait3A_93 = arith.constant 0 : i32
      %dma_wait3A_94 = tpu.memref_slice %arg5[%add3A_88, %dma_wait3A_93] : memref<20480x128xf32, #tpu.memory_space<hbm>> -> memref<640x128xf32, #tpu.memory_space<hbm>>
      %dma_wait3A_95 = arith.constant 0 : i32
      %dma_wait3A_96 = tpu.memref_slice %arg11[%mul3A_83, %dma_wait3A_95] : memref<10240x128xf32, #tpu.memory_space<vmem_shared>> -> memref<640x128xf32, #tpu.memory_space<vmem_shared>>
      tpu.wait_dma2 semaphore(%run_scoped3A : memref<!tpu.dma_semaphore, #tpu.memory_space<semaphore_mem>>) src(%dma_wait3A_96 : memref<640x128xf32, #tpu.memory_space<vmem_shared>>) dst(%dma_wait3A_94 : memref<640x128xf32, #tpu.memory_space<hbm>>)
      tpu.yield
    }) : () -> ()
    return
  }
}

#map = affine_map<(d0, d1) -> (0, 0)>
#map1 = affine_map<(d0, d1) -> (0)>
#map2 = affine_map<(d0, d1) -> (0, 0, 0)>
module attributes {stable_mosaic.version = 14 : i64} {
  func.func @k(%arg0: i32, %arg1: i32, %arg2: memref<10000x128xf32, #tpu.memory_space<hbm>>, %arg3: memref<327680xi32, #tpu.memory_space<hbm>>, %arg4: memref<32x80x128xi32, #tpu.memory_space<hbm>>, %arg5: memref<20480x128xf32, #tpu.memory_space<hbm>>, %arg6: memref<128xi32, #tpu.memory_space<vmem>>, %arg7: memref<128xi32, #tpu.memory_space<vmem>>, %arg8: memref<80x128xi32, #tpu.memory_space<vmem>>, %arg9: memref<128x128xf32, #tpu.memory_space<vmem>>, %arg10: memref<128x128xf32, #tpu.memory_space<vmem>>, %arg11: memref<10240x128xf32, #tpu.memory_space<vmem_shared>>, %arg12: memref<!tpu.dma_semaphore, #tpu.memory_space<semaphore_mem>>, %arg13: memref<!tpu.dma_semaphore, #tpu.memory_space<semaphore_mem>>, %arg14: memref<!tpu.dma_semaphore, #tpu.memory_space<semaphore_mem>>, %arg15: memref<!tpu.dma_semaphore, #tpu.memory_space<semaphore_mem>>, %arg16: memref<!tpu.dma_semaphore, #tpu.memory_space<semaphore_mem>>, %arg17: memref<!tpu.dma_semaphore, #tpu.memory_space<semaphore_mem>>, %arg18: memref<!tpu.dma_semaphore, #tpu.memory_space<semaphore_mem>>) attributes {dimension_semantics = [#tpu.dimension_semantics<core_parallel>, #tpu.dimension_semantics<subcore_parallel>], iteration_bounds = array<i64: 2, 16>, scalar_prefetch = 0 : i64, scratch_operands = 13 : i64, tpu.core_type = #tpu.core_type<sc_vector_subcore>, window_params = [{transform_indices = #map}, {transform_indices = #map1}, {transform_indices = #map2}, {transform_indices = #map}]} {
    %mul3A = arith.constant 16 : i32
    %mul3A_0 = arith.muli %arg0, %mul3A : i32
    %add3A = arith.addi %mul3A_0, %arg1 : i32
    %mul3A_1 = arith.constant 80 : i32
    %mul3A_2 = arith.muli %add3A, %mul3A_1 : i32
    %mul3A_3 = arith.constant 128 : i32
    %mul3A_4 = arith.muli %mul3A_2, %mul3A_3 : i32
    %dma_start3A = arith.constant 0 : i32
    %dma_start3A_5 = arith.constant 0 : i32
    %dma_start3A_6 = tpu.memref_slice %arg4[%add3A, %dma_start3A, %dma_start3A_5] : memref<32x80x128xi32, #tpu.memory_space<hbm>> -> memref<1x80x128xi32, #tpu.memory_space<hbm>>
    %dma_start3A_7 = tpu.memref_squeeze %dma_start3A_6 : memref<1x80x128xi32, #tpu.memory_space<hbm>> -> memref<80x128xi32, #tpu.memory_space<hbm>>
    %dma_start3A_8 = arith.constant 0 : i32
    %dma_start3A_9 = arith.constant 0 : i32
    %dma_start3A_10 = tpu.memref_slice %arg4[%add3A, %dma_start3A_8, %dma_start3A_9] : memref<32x80x128xi32, #tpu.memory_space<hbm>> -> memref<1x80x128xi32, #tpu.memory_space<hbm>>
    %dma_start3A_11 = tpu.memref_squeeze %dma_start3A_10 : memref<1x80x128xi32, #tpu.memory_space<hbm>> -> memref<80x128xi32, #tpu.memory_space<hbm>>
    tpu.enqueue_dma source(%dma_start3A_11 : memref<80x128xi32, #tpu.memory_space<hbm>>) target(%arg8 : memref<80x128xi32, #tpu.memory_space<vmem>>) target_semaphore(%arg18 : memref<!tpu.dma_semaphore, #tpu.memory_space<semaphore_mem>>)
    %broadcast_in_dim3A = arith.constant 0.000000e+00 : f32
    %broadcast_in_dim3A_12 = vector.broadcast %broadcast_in_dim3A : f32 to vector<16xf32>
    %scan3A = arith.constant 0 : i32
    %scan3A_13 = arith.constant 0 : i32
    %scan3A_14 = arith.constant 128 : i32
    %scan3A_15 = arith.addi %scan3A_13, %scan3A_14 : i32
    %scan3A_16 = arith.constant 1 : i32
    scf.for %scan3A_89 = %scan3A_13 to %scan3A_15 step %scan3A_16  : i32 {
      %swap3A = arith.index_cast %scan3A_89 : i32 to index
      %swap3A_90 = arith.constant 0 : index
      %swap3A_91 = tpu.vector_load %arg9[%swap3A, %swap3A_90] {strides = array<i32>} : memref<128x128xf32, #tpu.memory_space<vmem>>, vector<1x16xf32>,
      %swap3A_92 = vector.shape_cast %swap3A_91 : vector<1x16xf32> to vector<16xf32>
      %swap3A_93 = vector.shape_cast %broadcast_in_dim3A_12 : vector<16xf32> to vector<1x16xf32>
      tpu.vector_store %arg9[%swap3A, %swap3A_90], %swap3A_93 {strides = array<i32>} : memref<128x128xf32, #tpu.memory_space<vmem>>, vector<1x16xf32>,
      %swap3A_94 = arith.index_cast %scan3A_89 : i32 to index
      %swap3A_95 = arith.constant 16 : index
      %swap3A_96 = tpu.vector_load %arg9[%swap3A_94, %swap3A_95] {strides = array<i32>} : memref<128x128xf32, #tpu.memory_space<vmem>>, vector<1x16xf32>,
      %swap3A_97 = vector.shape_cast %swap3A_96 : vector<1x16xf32> to vector<16xf32>
      %swap3A_98 = vector.shape_cast %broadcast_in_dim3A_12 : vector<16xf32> to vector<1x16xf32>
      tpu.vector_store %arg9[%swap3A_94, %swap3A_95], %swap3A_98 {strides = array<i32>} : memref<128x128xf32, #tpu.memory_space<vmem>>, vector<1x16xf32>,
      %swap3A_99 = arith.index_cast %scan3A_89 : i32 to index
      %swap3A_100 = arith.constant 32 : index
      %swap3A_101 = tpu.vector_load %arg9[%swap3A_99, %swap3A_100] {strides = array<i32>} : memref<128x128xf32, #tpu.memory_space<vmem>>, vector<1x16xf32>,
      %swap3A_102 = vector.shape_cast %swap3A_101 : vector<1x16xf32> to vector<16xf32>
      %swap3A_103 = vector.shape_cast %broadcast_in_dim3A_12 : vector<16xf32> to vector<1x16xf32>
      tpu.vector_store %arg9[%swap3A_99, %swap3A_100], %swap3A_103 {strides = array<i32>} : memref<128x128xf32, #tpu.memory_space<vmem>>, vector<1x16xf32>,
      %swap3A_104 = arith.index_cast %scan3A_89 : i32 to index
      %swap3A_105 = arith.constant 48 : index
      %swap3A_106 = tpu.vector_load %arg9[%swap3A_104, %swap3A_105] {strides = array<i32>} : memref<128x128xf32, #tpu.memory_space<vmem>>, vector<1x16xf32>,
      %swap3A_107 = vector.shape_cast %swap3A_106 : vector<1x16xf32> to vector<16xf32>
      %swap3A_108 = vector.shape_cast %broadcast_in_dim3A_12 : vector<16xf32> to vector<1x16xf32>
      tpu.vector_store %arg9[%swap3A_104, %swap3A_105], %swap3A_108 {strides = array<i32>} : memref<128x128xf32, #tpu.memory_space<vmem>>, vector<1x16xf32>,
      %swap3A_109 = arith.index_cast %scan3A_89 : i32 to index
      %swap3A_110 = arith.constant 64 : index
      %swap3A_111 = tpu.vector_load %arg9[%swap3A_109, %swap3A_110] {strides = array<i32>} : memref<128x128xf32, #tpu.memory_space<vmem>>, vector<1x16xf32>,
      %swap3A_112 = vector.shape_cast %swap3A_111 : vector<1x16xf32> to vector<16xf32>
      %swap3A_113 = vector.shape_cast %broadcast_in_dim3A_12 : vector<16xf32> to vector<1x16xf32>
      tpu.vector_store %arg9[%swap3A_109, %swap3A_110], %swap3A_113 {strides = array<i32>} : memref<128x128xf32, #tpu.memory_space<vmem>>, vector<1x16xf32>,
      %swap3A_114 = arith.index_cast %scan3A_89 : i32 to index
      %swap3A_115 = arith.constant 80 : index
      %swap3A_116 = tpu.vector_load %arg9[%swap3A_114, %swap3A_115] {strides = array<i32>} : memref<128x128xf32, #tpu.memory_space<vmem>>, vector<1x16xf32>,
      %swap3A_117 = vector.shape_cast %swap3A_116 : vector<1x16xf32> to vector<16xf32>
      %swap3A_118 = vector.shape_cast %broadcast_in_dim3A_12 : vector<16xf32> to vector<1x16xf32>
      tpu.vector_store %arg9[%swap3A_114, %swap3A_115], %swap3A_118 {strides = array<i32>} : memref<128x128xf32, #tpu.memory_space<vmem>>, vector<1x16xf32>,
      %swap3A_119 = arith.index_cast %scan3A_89 : i32 to index
      %swap3A_120 = arith.constant 96 : index
      %swap3A_121 = tpu.vector_load %arg9[%swap3A_119, %swap3A_120] {strides = array<i32>} : memref<128x128xf32, #tpu.memory_space<vmem>>, vector<1x16xf32>,
      %swap3A_122 = vector.shape_cast %swap3A_121 : vector<1x16xf32> to vector<16xf32>
      %swap3A_123 = vector.shape_cast %broadcast_in_dim3A_12 : vector<16xf32> to vector<1x16xf32>
      tpu.vector_store %arg9[%swap3A_119, %swap3A_120], %swap3A_123 {strides = array<i32>} : memref<128x128xf32, #tpu.memory_space<vmem>>, vector<1x16xf32>,
      %swap3A_124 = arith.index_cast %scan3A_89 : i32 to index
      %swap3A_125 = arith.constant 112 : index
      %swap3A_126 = tpu.vector_load %arg9[%swap3A_124, %swap3A_125] {strides = array<i32>} : memref<128x128xf32, #tpu.memory_space<vmem>>, vector<1x16xf32>,
      %swap3A_127 = vector.shape_cast %swap3A_126 : vector<1x16xf32> to vector<16xf32>
      %swap3A_128 = vector.shape_cast %broadcast_in_dim3A_12 : vector<16xf32> to vector<1x16xf32>
      tpu.vector_store %arg9[%swap3A_124, %swap3A_125], %swap3A_128 {strides = array<i32>} : memref<128x128xf32, #tpu.memory_space<vmem>>, vector<1x16xf32>,
    }
    %scan3A_17 = arith.constant 128 : i32
    %mul3A_18 = arith.constant 640 : i32
    %mul3A_19 = arith.muli %arg1, %mul3A_18 : i32
    %add3A_20 = arith.constant 0 : i32
    %add3A_21 = arith.addi %mul3A_19, %add3A_20 : i32
    "tpu.region"() ({
      %run_scoped3A = tpu.sem_alloc : memref<!tpu.dma_semaphore, #tpu.memory_space<semaphore_mem>>
      %dma_start3A_89 = arith.constant 0 : i32
      %dma_start3A_90 = tpu.memref_slice %arg11[%add3A_21, %dma_start3A_89] : memref<10240x128xf32, #tpu.memory_space<vmem_shared>> -> memref<128x128xf32, #tpu.memory_space<vmem_shared>>
      %dma_start3A_91 = arith.constant 0 : i32
      %dma_start3A_92 = tpu.memref_slice %arg11[%add3A_21, %dma_start3A_91] : memref<10240x128xf32, #tpu.memory_space<vmem_shared>> -> memref<128x128xf32, #tpu.memory_space<vmem_shared>>
      tpu.enqueue_dma source(%arg9 : memref<128x128xf32, #tpu.memory_space<vmem>>) target(%dma_start3A_92 : memref<128x128xf32, #tpu.memory_space<vmem_shared>>) target_semaphore(%run_scoped3A : memref<!tpu.dma_semaphore, #tpu.memory_space<semaphore_mem>>)
      %dma_wait3A_93 = arith.constant 0 : i32
      %dma_wait3A_94 = tpu.memref_slice %arg11[%add3A_21, %dma_wait3A_93] : memref<10240x128xf32, #tpu.memory_space<vmem_shared>> -> memref<128x128xf32, #tpu.memory_space<vmem_shared>>
      %dma_wait3A_95 = arith.constant 0 : i32
      %dma_wait3A_96 = tpu.memref_slice %arg11[%add3A_21, %dma_wait3A_95] : memref<10240x128xf32, #tpu.memory_space<vmem_shared>> -> memref<128x128xf32, #tpu.memory_space<vmem_shared>>
      tpu.wait_dma2 semaphore(%run_scoped3A : memref<!tpu.dma_semaphore, #tpu.memory_space<semaphore_mem>>) src(%arg9 : memref<128x128xf32, #tpu.memory_space<vmem>>) dst(%dma_wait3A_96 : memref<128x128xf32, #tpu.memory_space<vmem_shared>>)
      tpu.yield
    }) : () -> ()
    %mul3A_22 = arith.constant 640 : i32
    %mul3A_23 = arith.muli %arg1, %mul3A_22 : i32
    %add3A_24 = arith.constant 128 : i32
    %add3A_25 = arith.addi %mul3A_23, %add3A_24 : i32
    "tpu.region"() ({
      %run_scoped3A = tpu.sem_alloc : memref<!tpu.dma_semaphore, #tpu.memory_space<semaphore_mem>>
      %dma_start3A_89 = arith.constant 0 : i32
      %dma_start3A_90 = tpu.memref_slice %arg11[%add3A_25, %dma_start3A_89] : memref<10240x128xf32, #tpu.memory_space<vmem_shared>> -> memref<128x128xf32, #tpu.memory_space<vmem_shared>>
      %dma_start3A_91 = arith.constant 0 : i32
      %dma_start3A_92 = tpu.memref_slice %arg11[%add3A_25, %dma_start3A_91] : memref<10240x128xf32, #tpu.memory_space<vmem_shared>> -> memref<128x128xf32, #tpu.memory_space<vmem_shared>>
      tpu.enqueue_dma source(%arg9 : memref<128x128xf32, #tpu.memory_space<vmem>>) target(%dma_start3A_92 : memref<128x128xf32, #tpu.memory_space<vmem_shared>>) target_semaphore(%run_scoped3A : memref<!tpu.dma_semaphore, #tpu.memory_space<semaphore_mem>>)
      %dma_wait3A_93 = arith.constant 0 : i32
      %dma_wait3A_94 = tpu.memref_slice %arg11[%add3A_25, %dma_wait3A_93] : memref<10240x128xf32, #tpu.memory_space<vmem_shared>> -> memref<128x128xf32, #tpu.memory_space<vmem_shared>>
      %dma_wait3A_95 = arith.constant 0 : i32
      %dma_wait3A_96 = tpu.memref_slice %arg11[%add3A_25, %dma_wait3A_95] : memref<10240x128xf32, #tpu.memory_space<vmem_shared>> -> memref<128x128xf32, #tpu.memory_space<vmem_shared>>
      tpu.wait_dma2 semaphore(%run_scoped3A : memref<!tpu.dma_semaphore, #tpu.memory_space<semaphore_mem>>) src(%arg9 : memref<128x128xf32, #tpu.memory_space<vmem>>) dst(%dma_wait3A_96 : memref<128x128xf32, #tpu.memory_space<vmem_shared>>)
      tpu.yield
    }) : () -> ()
    %mul3A_26 = arith.constant 640 : i32
    %mul3A_27 = arith.muli %arg1, %mul3A_26 : i32
    %add3A_28 = arith.constant 256 : i32
    %add3A_29 = arith.addi %mul3A_27, %add3A_28 : i32
    "tpu.region"() ({
      %run_scoped3A = tpu.sem_alloc : memref<!tpu.dma_semaphore, #tpu.memory_space<semaphore_mem>>
      %dma_start3A_89 = arith.constant 0 : i32
      %dma_start3A_90 = tpu.memref_slice %arg11[%add3A_29, %dma_start3A_89] : memref<10240x128xf32, #tpu.memory_space<vmem_shared>> -> memref<128x128xf32, #tpu.memory_space<vmem_shared>>
      %dma_start3A_91 = arith.constant 0 : i32
      %dma_start3A_92 = tpu.memref_slice %arg11[%add3A_29, %dma_start3A_91] : memref<10240x128xf32, #tpu.memory_space<vmem_shared>> -> memref<128x128xf32, #tpu.memory_space<vmem_shared>>
      tpu.enqueue_dma source(%arg9 : memref<128x128xf32, #tpu.memory_space<vmem>>) target(%dma_start3A_92 : memref<128x128xf32, #tpu.memory_space<vmem_shared>>) target_semaphore(%run_scoped3A : memref<!tpu.dma_semaphore, #tpu.memory_space<semaphore_mem>>)
      %dma_wait3A_93 = arith.constant 0 : i32
      %dma_wait3A_94 = tpu.memref_slice %arg11[%add3A_29, %dma_wait3A_93] : memref<10240x128xf32, #tpu.memory_space<vmem_shared>> -> memref<128x128xf32, #tpu.memory_space<vmem_shared>>
      %dma_wait3A_95 = arith.constant 0 : i32
      %dma_wait3A_96 = tpu.memref_slice %arg11[%add3A_29, %dma_wait3A_95] : memref<10240x128xf32, #tpu.memory_space<vmem_shared>> -> memref<128x128xf32, #tpu.memory_space<vmem_shared>>
      tpu.wait_dma2 semaphore(%run_scoped3A : memref<!tpu.dma_semaphore, #tpu.memory_space<semaphore_mem>>) src(%arg9 : memref<128x128xf32, #tpu.memory_space<vmem>>) dst(%dma_wait3A_96 : memref<128x128xf32, #tpu.memory_space<vmem_shared>>)
      tpu.yield
    }) : () -> ()
    %mul3A_30 = arith.constant 640 : i32
    %mul3A_31 = arith.muli %arg1, %mul3A_30 : i32
    %add3A_32 = arith.constant 384 : i32
    %add3A_33 = arith.addi %mul3A_31, %add3A_32 : i32
    "tpu.region"() ({
      %run_scoped3A = tpu.sem_alloc : memref<!tpu.dma_semaphore, #tpu.memory_space<semaphore_mem>>
      %dma_start3A_89 = arith.constant 0 : i32
      %dma_start3A_90 = tpu.memref_slice %arg11[%add3A_33, %dma_start3A_89] : memref<10240x128xf32, #tpu.memory_space<vmem_shared>> -> memref<128x128xf32, #tpu.memory_space<vmem_shared>>
      %dma_start3A_91 = arith.constant 0 : i32
      %dma_start3A_92 = tpu.memref_slice %arg11[%add3A_33, %dma_start3A_91] : memref<10240x128xf32, #tpu.memory_space<vmem_shared>> -> memref<128x128xf32, #tpu.memory_space<vmem_shared>>
      tpu.enqueue_dma source(%arg9 : memref<128x128xf32, #tpu.memory_space<vmem>>) target(%dma_start3A_92 : memref<128x128xf32, #tpu.memory_space<vmem_shared>>) target_semaphore(%run_scoped3A : memref<!tpu.dma_semaphore, #tpu.memory_space<semaphore_mem>>)
      %dma_wait3A_93 = arith.constant 0 : i32
      %dma_wait3A_94 = tpu.memref_slice %arg11[%add3A_33, %dma_wait3A_93] : memref<10240x128xf32, #tpu.memory_space<vmem_shared>> -> memref<128x128xf32, #tpu.memory_space<vmem_shared>>
      %dma_wait3A_95 = arith.constant 0 : i32
      %dma_wait3A_96 = tpu.memref_slice %arg11[%add3A_33, %dma_wait3A_95] : memref<10240x128xf32, #tpu.memory_space<vmem_shared>> -> memref<128x128xf32, #tpu.memory_space<vmem_shared>>
      tpu.wait_dma2 semaphore(%run_scoped3A : memref<!tpu.dma_semaphore, #tpu.memory_space<semaphore_mem>>) src(%arg9 : memref<128x128xf32, #tpu.memory_space<vmem>>) dst(%dma_wait3A_96 : memref<128x128xf32, #tpu.memory_space<vmem_shared>>)
      tpu.yield
    }) : () -> ()
    %mul3A_34 = arith.constant 640 : i32
    %mul3A_35 = arith.muli %arg1, %mul3A_34 : i32
    %add3A_36 = arith.constant 512 : i32
    %add3A_37 = arith.addi %mul3A_35, %add3A_36 : i32
    "tpu.region"() ({
      %run_scoped3A = tpu.sem_alloc : memref<!tpu.dma_semaphore, #tpu.memory_space<semaphore_mem>>
      %dma_start3A_89 = arith.constant 0 : i32
      %dma_start3A_90 = tpu.memref_slice %arg11[%add3A_37, %dma_start3A_89] : memref<10240x128xf32, #tpu.memory_space<vmem_shared>> -> memref<128x128xf32, #tpu.memory_space<vmem_shared>>
      %dma_start3A_91 = arith.constant 0 : i32
      %dma_start3A_92 = tpu.memref_slice %arg11[%add3A_37, %dma_start3A_91] : memref<10240x128xf32, #tpu.memory_space<vmem_shared>> -> memref<128x128xf32, #tpu.memory_space<vmem_shared>>
      tpu.enqueue_dma source(%arg9 : memref<128x128xf32, #tpu.memory_space<vmem>>) target(%dma_start3A_92 : memref<128x128xf32, #tpu.memory_space<vmem_shared>>) target_semaphore(%run_scoped3A : memref<!tpu.dma_semaphore, #tpu.memory_space<semaphore_mem>>)
      %dma_wait3A_93 = arith.constant 0 : i32
      %dma_wait3A_94 = tpu.memref_slice %arg11[%add3A_37, %dma_wait3A_93] : memref<10240x128xf32, #tpu.memory_space<vmem_shared>> -> memref<128x128xf32, #tpu.memory_space<vmem_shared>>
      %dma_wait3A_95 = arith.constant 0 : i32
      %dma_wait3A_96 = tpu.memref_slice %arg11[%add3A_37, %dma_wait3A_95] : memref<10240x128xf32, #tpu.memory_space<vmem_shared>> -> memref<128x128xf32, #tpu.memory_space<vmem_shared>>
      tpu.wait_dma2 semaphore(%run_scoped3A : memref<!tpu.dma_semaphore, #tpu.memory_space<semaphore_mem>>) src(%arg9 : memref<128x128xf32, #tpu.memory_space<vmem>>) dst(%dma_wait3A_96 : memref<128x128xf32, #tpu.memory_space<vmem_shared>>)
      tpu.yield
    }) : () -> ()
    %barrier3A = arith.constant 0 : index
    tpu.barrier barrier_id(%barrier3A)
    %dma_start3A_38 = tpu.memref_slice %arg3[%mul3A_4] : memref<327680xi32, #tpu.memory_space<hbm>> -> memref<128xi32, #tpu.memory_space<hbm>>
    %dma_start3A_39 = tpu.memref_slice %arg3[%mul3A_4] : memref<327680xi32, #tpu.memory_space<hbm>> -> memref<128xi32, #tpu.memory_space<hbm>>
    tpu.enqueue_dma source(%dma_start3A_39 : memref<128xi32, #tpu.memory_space<hbm>>) target(%arg6 : memref<128xi32, #tpu.memory_space<vmem>>) target_semaphore(%arg16 : memref<!tpu.dma_semaphore, #tpu.memory_space<semaphore_mem>>)
    %add3A_40 = arith.constant 128 : i32
    %add3A_41 = arith.addi %mul3A_4, %add3A_40 : i32
    %dma_start3A_42 = tpu.memref_slice %arg3[%add3A_41] : memref<327680xi32, #tpu.memory_space<hbm>> -> memref<128xi32, #tpu.memory_space<hbm>>
    %dma_start3A_43 = tpu.memref_slice %arg3[%add3A_41] : memref<327680xi32, #tpu.memory_space<hbm>> -> memref<128xi32, #tpu.memory_space<hbm>>
    tpu.enqueue_dma source(%dma_start3A_43 : memref<128xi32, #tpu.memory_space<hbm>>) target(%arg7 : memref<128xi32, #tpu.memory_space<vmem>>) target_semaphore(%arg17 : memref<!tpu.dma_semaphore, #tpu.memory_space<semaphore_mem>>)
    %dma_wait3A = arith.constant 0 : i32
    %dma_wait3A_44 = arith.constant 0 : i32
    %dma_wait3A_45 = tpu.memref_slice %arg4[%add3A, %dma_wait3A, %dma_wait3A_44] : memref<32x80x128xi32, #tpu.memory_space<hbm>> -> memref<1x80x128xi32, #tpu.memory_space<hbm>>
    %dma_wait3A_46 = tpu.memref_squeeze %dma_wait3A_45 : memref<1x80x128xi32, #tpu.memory_space<hbm>> -> memref<80x128xi32, #tpu.memory_space<hbm>>
    %dma_wait3A_47 = arith.constant 0 : i32
    %dma_wait3A_48 = arith.constant 0 : i32
    %dma_wait3A_49 = tpu.memref_slice %arg4[%add3A, %dma_wait3A_47, %dma_wait3A_48] : memref<32x80x128xi32, #tpu.memory_space<hbm>> -> memref<1x80x128xi32, #tpu.memory_space<hbm>>
    %dma_wait3A_50 = tpu.memref_squeeze %dma_wait3A_49 : memref<1x80x128xi32, #tpu.memory_space<hbm>> -> memref<80x128xi32, #tpu.memory_space<hbm>>
    tpu.wait_dma2 semaphore(%arg18 : memref<!tpu.dma_semaphore, #tpu.memory_space<semaphore_mem>>) src(%dma_wait3A_50 : memref<80x128xi32, #tpu.memory_space<hbm>>) dst(%arg8 : memref<80x128xi32, #tpu.memory_space<vmem>>)
    %dma_wait3A_51 = tpu.memref_slice %arg3[%mul3A_4] : memref<327680xi32, #tpu.memory_space<hbm>> -> memref<128xi32, #tpu.memory_space<hbm>>
    %dma_wait3A_52 = tpu.memref_slice %arg3[%mul3A_4] : memref<327680xi32, #tpu.memory_space<hbm>> -> memref<128xi32, #tpu.memory_space<hbm>>
    tpu.wait_dma2 semaphore(%arg16 : memref<!tpu.dma_semaphore, #tpu.memory_space<semaphore_mem>>) src(%dma_wait3A_52 : memref<128xi32, #tpu.memory_space<hbm>>) dst(%arg6 : memref<128xi32, #tpu.memory_space<vmem>>)
    %dma_start3A_53 = arith.constant 0 : i32
    %dma_start3A_54 = arith.constant 0 : i32
    %dma_start3A_55 = tpu.memref_slice %arg2[%dma_start3A_53, %dma_start3A_54] : memref<10000x128xf32, #tpu.memory_space<hbm>> -> memref<10000x128xf32, #tpu.memory_space<hbm>>
    tpu.enqueue_indirect_dma source(%dma_start3A_55 : memref<10000x128xf32, #tpu.memory_space<hbm>>) target(%arg9 : memref<128x128xf32, #tpu.memory_space<vmem>>) offsets(%arg6 : memref<128xi32, #tpu.memory_space<vmem>>) semaphore(%arg12 : memref<!tpu.dma_semaphore, #tpu.memory_space<semaphore_mem>>)
    %dma_wait3A_56 = tpu.memref_slice %arg3[%mul3A_4] : memref<327680xi32, #tpu.memory_space<hbm>> -> memref<128xi32, #tpu.memory_space<hbm>>
    %dma_wait3A_57 = tpu.memref_slice %arg3[%mul3A_4] : memref<327680xi32, #tpu.memory_space<hbm>> -> memref<128xi32, #tpu.memory_space<hbm>>
    tpu.wait_dma2 semaphore(%arg17 : memref<!tpu.dma_semaphore, #tpu.memory_space<semaphore_mem>>) src(%dma_wait3A_57 : memref<128xi32, #tpu.memory_space<hbm>>) dst(%arg7 : memref<128xi32, #tpu.memory_space<vmem>>)
    %dma_start3A_58 = arith.constant 0 : i32
    %dma_start3A_59 = arith.constant 0 : i32
    %dma_start3A_60 = tpu.memref_slice %arg2[%dma_start3A_58, %dma_start3A_59] : memref<10000x128xf32, #tpu.memory_space<hbm>> -> memref<10000x128xf32, #tpu.memory_space<hbm>>
    tpu.enqueue_indirect_dma source(%dma_start3A_60 : memref<10000x128xf32, #tpu.memory_space<hbm>>) target(%arg10 : memref<128x128xf32, #tpu.memory_space<vmem>>) offsets(%arg7 : memref<128xi32, #tpu.memory_space<vmem>>) semaphore(%arg13 : memref<!tpu.dma_semaphore, #tpu.memory_space<semaphore_mem>>)
    %scan3A_61 = arith.constant 0 : i32
    %scan3A_62 = arith.constant 0 : i32
    %scan3A_63 = arith.constant 40 : i32
    %scan3A_64 = arith.addi %scan3A_62, %scan3A_63 : i32
    %scan3A_65 = arith.constant 1 : i32
    scf.for %scan3A_89 = %scan3A_62 to %scan3A_64 step %scan3A_65  : i32 {
      %mul3A_90 = arith.constant 2 : i32
      %mul3A_91 = arith.muli %scan3A_89, %mul3A_90 : i32
      %add3A_92 = arith.constant 0 : i32
      %add3A_93 = arith.addi %mul3A_91, %add3A_92 : i32
      %dma_wait3A_94 = arith.constant 0 : i32
      %dma_wait3A_95 = arith.constant 0 : i32
      %dma_wait3A_96 = tpu.memref_slice %arg2[%dma_wait3A_94, %dma_wait3A_95] : memref<10000x128xf32, #tpu.memory_space<hbm>> -> memref<10000x128xf32, #tpu.memory_space<hbm>>
      tpu.wait_indirect_dma semaphore(%arg12 : memref<!tpu.dma_semaphore, #tpu.memory_space<semaphore_mem>>) src(%dma_wait3A_96 : memref<10000x128xf32, #tpu.memory_space<hbm>>) dst(%arg9 : memref<128x128xf32, #tpu.memory_space<vmem>>)
      %dma_start3A_97 = arith.constant 0 : i32
      %dma_start3A_98 = tpu.memref_slice %arg8[%add3A_93, %dma_start3A_97] : memref<80x128xi32, #tpu.memory_space<vmem>> -> memref<1x128xi32, #tpu.memory_space<vmem>>
      %dma_start3A_99 = tpu.memref_squeeze %dma_start3A_98 : memref<1x128xi32, #tpu.memory_space<vmem>> -> memref<128xi32, #tpu.memory_space<vmem>>
      %dma_start3A_100 = arith.constant 0 : i32
      %dma_start3A_101 = arith.constant 0 : i32
      %dma_start3A_102 = tpu.memref_slice %arg11[%dma_start3A_100, %dma_start3A_101] : memref<10240x128xf32, #tpu.memory_space<vmem_shared>> -> memref<10240x128xf32, #tpu.memory_space<vmem_shared>>
      tpu.enqueue_indirect_dma source(%arg9 : memref<128x128xf32, #tpu.memory_space<vmem>>) target(%dma_start3A_102 : memref<10240x128xf32, #tpu.memory_space<vmem_shared>>) offsets(%dma_start3A_99 : memref<128xi32, #tpu.memory_space<vmem>>) semaphore(%arg14 : memref<!tpu.dma_semaphore, #tpu.memory_space<semaphore_mem>>) {add = true}
      %add3A_103 = arith.constant 2 : i32
      %add3A_104 = arith.addi %add3A_93, %add3A_103 : i32
      %lt3A = arith.constant 80 : i32
      %lt3A_105 = arith.cmpi slt, %add3A_104, %lt3A : i32
      %convert_element_type3A = arith.extui %lt3A_105 : i1 to i32
      %cond3A = arith.constant 0 : i32
      %cond3A_106 = arith.cmpi ne, %convert_element_type3A, %cond3A : i32
      scf.if %cond3A_106 {
        %add3A_143 = arith.constant 2 : i32
        %add3A_144 = arith.addi %add3A_93, %add3A_143 : i32
        %mul3A_145 = arith.constant 128 : i32
        %mul3A_146 = arith.muli %add3A_144, %mul3A_145 : i32
        %add3A_147 = arith.addi %mul3A_4, %mul3A_146 : i32
        %dma_start3A_148 = tpu.memref_slice %arg3[%add3A_147] : memref<327680xi32, #tpu.memory_space<hbm>> -> memref<128xi32, #tpu.memory_space<hbm>>
        %dma_start3A_149 = tpu.memref_slice %arg3[%add3A_147] : memref<327680xi32, #tpu.memory_space<hbm>> -> memref<128xi32, #tpu.memory_space<hbm>>
        tpu.enqueue_dma source(%dma_start3A_149 : memref<128xi32, #tpu.memory_space<hbm>>) target(%arg6 : memref<128xi32, #tpu.memory_space<vmem>>) target_semaphore(%arg16 : memref<!tpu.dma_semaphore, #tpu.memory_space<semaphore_mem>>)
      } else {
      }
      %add3A_107 = arith.constant 1 : i32
      %add3A_108 = arith.addi %mul3A_91, %add3A_107 : i32
      %dma_wait3A_109 = arith.constant 0 : i32
      %dma_wait3A_110 = arith.constant 0 : i32
      %dma_wait3A_111 = tpu.memref_slice %arg2[%dma_wait3A_109, %dma_wait3A_110] : memref<10000x128xf32, #tpu.memory_space<hbm>> -> memref<10000x128xf32, #tpu.memory_space<hbm>>
      tpu.wait_indirect_dma semaphore(%arg13 : memref<!tpu.dma_semaphore, #tpu.memory_space<semaphore_mem>>) src(%dma_wait3A_111 : memref<10000x128xf32, #tpu.memory_space<hbm>>) dst(%arg10 : memref<128x128xf32, #tpu.memory_space<vmem>>)
      %dma_start3A_112 = arith.constant 0 : i32
      %dma_start3A_113 = tpu.memref_slice %arg8[%add3A_108, %dma_start3A_112] : memref<80x128xi32, #tpu.memory_space<vmem>> -> memref<1x128xi32, #tpu.memory_space<vmem>>
      %dma_start3A_114 = tpu.memref_squeeze %dma_start3A_113 : memref<1x128xi32, #tpu.memory_space<vmem>> -> memref<128xi32, #tpu.memory_space<vmem>>
      %dma_start3A_115 = arith.constant 0 : i32
      %dma_start3A_116 = arith.constant 0 : i32
      %dma_start3A_117 = tpu.memref_slice %arg11[%dma_start3A_115, %dma_start3A_116] : memref<10240x128xf32, #tpu.memory_space<vmem_shared>> -> memref<10240x128xf32, #tpu.memory_space<vmem_shared>>
      tpu.enqueue_indirect_dma source(%arg10 : memref<128x128xf32, #tpu.memory_space<vmem>>) target(%dma_start3A_117 : memref<10240x128xf32, #tpu.memory_space<vmem_shared>>) offsets(%dma_start3A_114 : memref<128xi32, #tpu.memory_space<vmem>>) semaphore(%arg15 : memref<!tpu.dma_semaphore, #tpu.memory_space<semaphore_mem>>) {add = true}
      %add3A_118 = arith.constant 2 : i32
      %add3A_119 = arith.addi %add3A_108, %add3A_118 : i32
      %lt3A_120 = arith.constant 80 : i32
      %lt3A_121 = arith.cmpi slt, %add3A_119, %lt3A_120 : i32
      %convert_element_type3A_122 = arith.extui %lt3A_121 : i1 to i32
      %cond3A_123 = arith.constant 0 : i32
      %cond3A_124 = arith.cmpi ne, %convert_element_type3A_122, %cond3A_123 : i32
      scf.if %cond3A_124 {
        %add3A_143 = arith.constant 2 : i32
        %add3A_144 = arith.addi %add3A_108, %add3A_143 : i32
        %mul3A_145 = arith.constant 128 : i32
        %mul3A_146 = arith.muli %add3A_144, %mul3A_145 : i32
        %add3A_147 = arith.addi %mul3A_4, %mul3A_146 : i32
        %dma_start3A_148 = tpu.memref_slice %arg3[%add3A_147] : memref<327680xi32, #tpu.memory_space<hbm>> -> memref<128xi32, #tpu.memory_space<hbm>>
        %dma_start3A_149 = tpu.memref_slice %arg3[%add3A_147] : memref<327680xi32, #tpu.memory_space<hbm>> -> memref<128xi32, #tpu.memory_space<hbm>>
        tpu.enqueue_dma source(%dma_start3A_149 : memref<128xi32, #tpu.memory_space<hbm>>) target(%arg7 : memref<128xi32, #tpu.memory_space<vmem>>) target_semaphore(%arg17 : memref<!tpu.dma_semaphore, #tpu.memory_space<semaphore_mem>>)
      } else {
      }
      %add3A_125 = arith.constant 0 : i32
      %add3A_126 = arith.addi %mul3A_91, %add3A_125 : i32
      %add3A_127 = arith.constant 2 : i32
      %add3A_128 = arith.addi %add3A_126, %add3A_127 : i32
      %lt3A_129 = arith.constant 80 : i32
      %lt3A_130 = arith.cmpi slt, %add3A_128, %lt3A_129 : i32
      %convert_element_type3A_131 = arith.extui %lt3A_130 : i1 to i32
      %cond3A_132 = arith.constant 0 : i32
      %cond3A_133 = arith.cmpi ne, %convert_element_type3A_131, %cond3A_132 : i32
      scf.if %cond3A_133 {
        %dma_wait3A_143 = arith.constant 0 : i32
        %dma_wait3A_144 = tpu.memref_slice %arg8[%add3A_126, %dma_wait3A_143] : memref<80x128xi32, #tpu.memory_space<vmem>> -> memref<1x128xi32, #tpu.memory_space<vmem>>
        %dma_wait3A_145 = tpu.memref_squeeze %dma_wait3A_144 : memref<1x128xi32, #tpu.memory_space<vmem>> -> memref<128xi32, #tpu.memory_space<vmem>>
        %dma_wait3A_146 = arith.constant 0 : i32
        %dma_wait3A_147 = arith.constant 0 : i32
        %dma_wait3A_148 = tpu.memref_slice %arg11[%dma_wait3A_146, %dma_wait3A_147] : memref<10240x128xf32, #tpu.memory_space<vmem_shared>> -> memref<10240x128xf32, #tpu.memory_space<vmem_shared>>
        tpu.wait_indirect_dma semaphore(%arg14 : memref<!tpu.dma_semaphore, #tpu.memory_space<semaphore_mem>>) src(%arg9 : memref<128x128xf32, #tpu.memory_space<vmem>>) dst(%dma_wait3A_148 : memref<10240x128xf32, #tpu.memory_space<vmem_shared>>)
        %dma_wait3A_149 = tpu.memref_slice %arg3[%mul3A_4] : memref<327680xi32, #tpu.memory_space<hbm>> -> memref<128xi32, #tpu.memory_space<hbm>>
        %dma_wait3A_150 = tpu.memref_slice %arg3[%mul3A_4] : memref<327680xi32, #tpu.memory_space<hbm>> -> memref<128xi32, #tpu.memory_space<hbm>>
        tpu.wait_dma2 semaphore(%arg16 : memref<!tpu.dma_semaphore, #tpu.memory_space<semaphore_mem>>) src(%dma_wait3A_150 : memref<128xi32, #tpu.memory_space<hbm>>) dst(%arg6 : memref<128xi32, #tpu.memory_space<vmem>>)
        %dma_start3A_151 = arith.constant 0 : i32
        %dma_start3A_152 = arith.constant 0 : i32
        %dma_start3A_153 = tpu.memref_slice %arg2[%dma_start3A_151, %dma_start3A_152] : memref<10000x128xf32, #tpu.memory_space<hbm>> -> memref<10000x128xf32, #tpu.memory_space<hbm>>
        tpu.enqueue_indirect_dma source(%dma_start3A_153 : memref<10000x128xf32, #tpu.memory_space<hbm>>) target(%arg9 : memref<128x128xf32, #tpu.memory_space<vmem>>) offsets(%arg6 : memref<128xi32, #tpu.memory_space<vmem>>) semaphore(%arg12 : memref<!tpu.dma_semaphore, #tpu.memory_space<semaphore_mem>>)
      } else {
      }
      %add3A_134 = arith.constant 1 : i32
      %add3A_135 = arith.addi %mul3A_91, %add3A_134 : i32
      %add3A_136 = arith.constant 2 : i32
      %add3A_137 = arith.addi %add3A_135, %add3A_136 : i32
      %lt3A_138 = arith.constant 80 : i32
      %lt3A_139 = arith.cmpi slt, %add3A_137, %lt3A_138 : i32
      %convert_element_type3A_140 = arith.extui %lt3A_139 : i1 to i32
      %cond3A_141 = arith.constant 0 : i32
      %cond3A_142 = arith.cmpi ne, %convert_element_type3A_140, %cond3A_141 : i32
      scf.if %cond3A_142 {
        %dma_wait3A_143 = arith.constant 0 : i32
        %dma_wait3A_144 = tpu.memref_slice %arg8[%add3A_135, %dma_wait3A_143] : memref<80x128xi32, #tpu.memory_space<vmem>> -> memref<1x128xi32, #tpu.memory_space<vmem>>
        %dma_wait3A_145 = tpu.memref_squeeze %dma_wait3A_144 : memref<1x128xi32, #tpu.memory_space<vmem>> -> memref<128xi32, #tpu.memory_space<vmem>>
        %dma_wait3A_146 = arith.constant 0 : i32
        %dma_wait3A_147 = arith.constant 0 : i32
        %dma_wait3A_148 = tpu.memref_slice %arg11[%dma_wait3A_146, %dma_wait3A_147] : memref<10240x128xf32, #tpu.memory_space<vmem_shared>> -> memref<10240x128xf32, #tpu.memory_space<vmem_shared>>
        tpu.wait_indirect_dma semaphore(%arg15 : memref<!tpu.dma_semaphore, #tpu.memory_space<semaphore_mem>>) src(%arg10 : memref<128x128xf32, #tpu.memory_space<vmem>>) dst(%dma_wait3A_148 : memref<10240x128xf32, #tpu.memory_space<vmem_shared>>)
        %dma_wait3A_149 = tpu.memref_slice %arg3[%mul3A_4] : memref<327680xi32, #tpu.memory_space<hbm>> -> memref<128xi32, #tpu.memory_space<hbm>>
        %dma_wait3A_150 = tpu.memref_slice %arg3[%mul3A_4] : memref<327680xi32, #tpu.memory_space<hbm>> -> memref<128xi32, #tpu.memory_space<hbm>>
        tpu.wait_dma2 semaphore(%arg17 : memref<!tpu.dma_semaphore, #tpu.memory_space<semaphore_mem>>) src(%dma_wait3A_150 : memref<128xi32, #tpu.memory_space<hbm>>) dst(%arg7 : memref<128xi32, #tpu.memory_space<vmem>>)
        %dma_start3A_151 = arith.constant 0 : i32
        %dma_start3A_152 = arith.constant 0 : i32
        %dma_start3A_153 = tpu.memref_slice %arg2[%dma_start3A_151, %dma_start3A_152] : memref<10000x128xf32, #tpu.memory_space<hbm>> -> memref<10000x128xf32, #tpu.memory_space<hbm>>
        tpu.enqueue_indirect_dma source(%dma_start3A_153 : memref<10000x128xf32, #tpu.memory_space<hbm>>) target(%arg10 : memref<128x128xf32, #tpu.memory_space<vmem>>) offsets(%arg7 : memref<128xi32, #tpu.memory_space<vmem>>) semaphore(%arg13 : memref<!tpu.dma_semaphore, #tpu.memory_space<semaphore_mem>>)
      } else {
      }
    }
    %scan3A_66 = arith.constant 40 : i32
    %dma_wait3A_67 = arith.constant 78 : i32
    %dma_wait3A_68 = arith.constant 0 : i32
    %dma_wait3A_69 = tpu.memref_slice %arg8[%dma_wait3A_67, %dma_wait3A_68] : memref<80x128xi32, #tpu.memory_space<vmem>> -> memref<1x128xi32, #tpu.memory_space<vmem>>
    %dma_wait3A_70 = tpu.memref_squeeze %dma_wait3A_69 : memref<1x128xi32, #tpu.memory_space<vmem>> -> memref<128xi32, #tpu.memory_space<vmem>>
    %dma_wait3A_71 = arith.constant 0 : i32
    %dma_wait3A_72 = arith.constant 0 : i32
    %dma_wait3A_73 = tpu.memref_slice %arg11[%dma_wait3A_71, %dma_wait3A_72] : memref<10240x128xf32, #tpu.memory_space<vmem_shared>> -> memref<10240x128xf32, #tpu.memory_space<vmem_shared>>
    tpu.wait_indirect_dma semaphore(%arg14 : memref<!tpu.dma_semaphore, #tpu.memory_space<semaphore_mem>>) src(%arg9 : memref<128x128xf32, #tpu.memory_space<vmem>>) dst(%dma_wait3A_73 : memref<10240x128xf32, #tpu.memory_space<vmem_shared>>)
    %dma_wait3A_74 = arith.constant 79 : i32
    %dma_wait3A_75 = arith.constant 0 : i32
    %dma_wait3A_76 = tpu.memref_slice %arg8[%dma_wait3A_74, %dma_wait3A_75] : memref<80x128xi32, #tpu.memory_space<vmem>> -> memref<1x128xi32, #tpu.memory_space<vmem>>
    %dma_wait3A_77 = tpu.memref_squeeze %dma_wait3A_76 : memref<1x128xi32, #tpu.memory_space<vmem>> -> memref<128xi32, #tpu.memory_space<vmem>>
    %dma_wait3A_78 = arith.constant 0 : i32
    %dma_wait3A_79 = arith.constant 0 : i32
    %dma_wait3A_80 = tpu.memref_slice %arg11[%dma_wait3A_78, %dma_wait3A_79] : memref<10240x128xf32, #tpu.memory_space<vmem_shared>> -> memref<10240x128xf32, #tpu.memory_space<vmem_shared>>
    tpu.wait_indirect_dma semaphore(%arg15 : memref<!tpu.dma_semaphore, #tpu.memory_space<semaphore_mem>>) src(%arg10 : memref<128x128xf32, #tpu.memory_space<vmem>>) dst(%dma_wait3A_80 : memref<10240x128xf32, #tpu.memory_space<vmem_shared>>)
    %barrier3A_81 = arith.constant 0 : index
    tpu.barrier barrier_id(%barrier3A_81)
    %mul3A_82 = arith.constant 640 : i32
    %mul3A_83 = arith.muli %arg1, %mul3A_82 : i32
    %mul3A_84 = arith.constant 10240 : i32
    %mul3A_85 = arith.muli %arg0, %mul3A_84 : i32
    %mul3A_86 = arith.constant 640 : i32
    %mul3A_87 = arith.muli %arg1, %mul3A_86 : i32
    %add3A_88 = arith.addi %mul3A_85, %mul3A_87 : i32
    "tpu.region"() ({
      %run_scoped3A = tpu.sem_alloc : memref<!tpu.dma_semaphore, #tpu.memory_space<semaphore_mem>>
      %dma_start3A_89 = arith.constant 0 : i32
      %dma_start3A_90 = tpu.memref_slice %arg5[%add3A_88, %dma_start3A_89] : memref<20480x128xf32, #tpu.memory_space<hbm>> -> memref<640x128xf32, #tpu.memory_space<hbm>>
      %dma_start3A_91 = arith.constant 0 : i32
      %dma_start3A_92 = tpu.memref_slice %arg11[%mul3A_83, %dma_start3A_91] : memref<10240x128xf32, #tpu.memory_space<vmem_shared>> -> memref<640x128xf32, #tpu.memory_space<vmem_shared>>
      tpu.enqueue_dma source(%dma_start3A_92 : memref<640x128xf32, #tpu.memory_space<vmem_shared>>) target(%dma_start3A_90 : memref<640x128xf32, #tpu.memory_space<hbm>>) target_semaphore(%run_scoped3A : memref<!tpu.dma_semaphore, #tpu.memory_space<semaphore_mem>>)
      %dma_wait3A_93 = arith.constant 0 : i32
      %dma_wait3A_94 = tpu.memref_slice %arg5[%add3A_88, %dma_wait3A_93] : memref<20480x128xf32, #tpu.memory_space<hbm>> -> memref<640x128xf32, #tpu.memory_space<hbm>>
      %dma_wait3A_95 = arith.constant 0 : i32
      %dma_wait3A_96 = tpu.memref_slice %arg11[%mul3A_83, %dma_wait3A_95] : memref<10240x128xf32, #tpu.memory_space<vmem_shared>> -> memref<640x128xf32, #tpu.memory_space<vmem_shared>>
      tpu.wait_dma2 semaphore(%run_scoped3A : memref<!tpu.dma_semaphore, #tpu.memory_space<semaphore_mem>>) src(%dma_wait3A_96 : memref<640x128xf32, #tpu.memory_space<vmem_shared>>) dst(%dma_wait3A_94 : memref<640x128xf32, #tpu.memory_space<hbm>>)
      tpu.yield
    }) : () -> ()
    return
  }
}

#map = affine_map<(d0, d1) -> (0, 0)>
#map1 = affine_map<(d0, d1) -> (0)>
#map2 = affine_map<(d0, d1) -> (0, 0, 0)>
module attributes {stable_mosaic.version = 14 : i64} {
  func.func @k(%arg0: i32, %arg1: i32, %arg2: memref<10000x128xf32, #tpu.memory_space<hbm>>, %arg3: memref<327680xi32, #tpu.memory_space<hbm>>, %arg4: memref<32x80x128xi32, #tpu.memory_space<hbm>>, %arg5: memref<20480x128xf32, #tpu.memory_space<hbm>>, %arg6: memref<128xi32, #tpu.memory_space<vmem>>, %arg7: memref<128xi32, #tpu.memory_space<vmem>>, %arg8: memref<80x128xi32, #tpu.memory_space<vmem>>, %arg9: memref<128x128xf32, #tpu.memory_space<vmem>>, %arg10: memref<128x128xf32, #tpu.memory_space<vmem>>, %arg11: memref<10240x128xf32, #tpu.memory_space<vmem_shared>>, %arg12: memref<!tpu.dma_semaphore, #tpu.memory_space<semaphore_mem>>, %arg13: memref<!tpu.dma_semaphore, #tpu.memory_space<semaphore_mem>>, %arg14: memref<!tpu.dma_semaphore, #tpu.memory_space<semaphore_mem>>, %arg15: memref<!tpu.dma_semaphore, #tpu.memory_space<semaphore_mem>>, %arg16: memref<!tpu.dma_semaphore, #tpu.memory_space<semaphore_mem>>, %arg17: memref<!tpu.dma_semaphore, #tpu.memory_space<semaphore_mem>>, %arg18: memref<!tpu.dma_semaphore, #tpu.memory_space<semaphore_mem>>) attributes {dimension_semantics = [#tpu.dimension_semantics<core_parallel>, #tpu.dimension_semantics<subcore_parallel>], iteration_bounds = array<i64: 2, 16>, scalar_prefetch = 0 : i64, scratch_operands = 13 : i64, tpu.core_type = #tpu.core_type<sc_vector_subcore>, window_params = [{transform_indices = #map}, {transform_indices = #map1}, {transform_indices = #map2}, {transform_indices = #map}]} {
    %mul3A = arith.constant 16 : i32
    %mul3A_0 = arith.muli %arg0, %mul3A : i32
    %add3A = arith.addi %mul3A_0, %arg1 : i32
    %mul3A_1 = arith.constant 80 : i32
    %mul3A_2 = arith.muli %add3A, %mul3A_1 : i32
    %mul3A_3 = arith.constant 128 : i32
    %mul3A_4 = arith.muli %mul3A_2, %mul3A_3 : i32
    %dma_start3A = arith.constant 0 : i32
    %dma_start3A_5 = arith.constant 0 : i32
    %dma_start3A_6 = tpu.memref_slice %arg4[%add3A, %dma_start3A, %dma_start3A_5] : memref<32x80x128xi32, #tpu.memory_space<hbm>> -> memref<1x80x128xi32, #tpu.memory_space<hbm>>
    %dma_start3A_7 = tpu.memref_squeeze %dma_start3A_6 : memref<1x80x128xi32, #tpu.memory_space<hbm>> -> memref<80x128xi32, #tpu.memory_space<hbm>>
    %dma_start3A_8 = arith.constant 0 : i32
    %dma_start3A_9 = arith.constant 0 : i32
    %dma_start3A_10 = tpu.memref_slice %arg4[%add3A, %dma_start3A_8, %dma_start3A_9] : memref<32x80x128xi32, #tpu.memory_space<hbm>> -> memref<1x80x128xi32, #tpu.memory_space<hbm>>
    %dma_start3A_11 = tpu.memref_squeeze %dma_start3A_10 : memref<1x80x128xi32, #tpu.memory_space<hbm>> -> memref<80x128xi32, #tpu.memory_space<hbm>>
    tpu.enqueue_dma source(%dma_start3A_11 : memref<80x128xi32, #tpu.memory_space<hbm>>) target(%arg8 : memref<80x128xi32, #tpu.memory_space<vmem>>) target_semaphore(%arg18 : memref<!tpu.dma_semaphore, #tpu.memory_space<semaphore_mem>>)
    %broadcast_in_dim3A = arith.constant 0.000000e+00 : f32
    %broadcast_in_dim3A_12 = vector.broadcast %broadcast_in_dim3A : f32 to vector<16xf32>
    %scan3A = arith.constant 0 : i32
    %scan3A_13 = arith.constant 0 : i32
    %scan3A_14 = arith.constant 128 : i32
    %scan3A_15 = arith.addi %scan3A_13, %scan3A_14 : i32
    %scan3A_16 = arith.constant 1 : i32
    scf.for %scan3A_89 = %scan3A_13 to %scan3A_15 step %scan3A_16  : i32 {
      %swap3A = arith.index_cast %scan3A_89 : i32 to index
      %swap3A_90 = arith.constant 0 : index
      %swap3A_91 = tpu.vector_load %arg9[%swap3A, %swap3A_90] {strides = array<i32>} : memref<128x128xf32, #tpu.memory_space<vmem>>, vector<1x16xf32>,
      %swap3A_92 = vector.shape_cast %swap3A_91 : vector<1x16xf32> to vector<16xf32>
      %swap3A_93 = vector.shape_cast %broadcast_in_dim3A_12 : vector<16xf32> to vector<1x16xf32>
      tpu.vector_store %arg9[%swap3A, %swap3A_90], %swap3A_93 {strides = array<i32>} : memref<128x128xf32, #tpu.memory_space<vmem>>, vector<1x16xf32>,
      %swap3A_94 = arith.index_cast %scan3A_89 : i32 to index
      %swap3A_95 = arith.constant 16 : index
      %swap3A_96 = tpu.vector_load %arg9[%swap3A_94, %swap3A_95] {strides = array<i32>} : memref<128x128xf32, #tpu.memory_space<vmem>>, vector<1x16xf32>,
      %swap3A_97 = vector.shape_cast %swap3A_96 : vector<1x16xf32> to vector<16xf32>
      %swap3A_98 = vector.shape_cast %broadcast_in_dim3A_12 : vector<16xf32> to vector<1x16xf32>
      tpu.vector_store %arg9[%swap3A_94, %swap3A_95], %swap3A_98 {strides = array<i32>} : memref<128x128xf32, #tpu.memory_space<vmem>>, vector<1x16xf32>,
      %swap3A_99 = arith.index_cast %scan3A_89 : i32 to index
      %swap3A_100 = arith.constant 32 : index
      %swap3A_101 = tpu.vector_load %arg9[%swap3A_99, %swap3A_100] {strides = array<i32>} : memref<128x128xf32, #tpu.memory_space<vmem>>, vector<1x16xf32>,
      %swap3A_102 = vector.shape_cast %swap3A_101 : vector<1x16xf32> to vector<16xf32>
      %swap3A_103 = vector.shape_cast %broadcast_in_dim3A_12 : vector<16xf32> to vector<1x16xf32>
      tpu.vector_store %arg9[%swap3A_99, %swap3A_100], %swap3A_103 {strides = array<i32>} : memref<128x128xf32, #tpu.memory_space<vmem>>, vector<1x16xf32>,
      %swap3A_104 = arith.index_cast %scan3A_89 : i32 to index
      %swap3A_105 = arith.constant 48 : index
      %swap3A_106 = tpu.vector_load %arg9[%swap3A_104, %swap3A_105] {strides = array<i32>} : memref<128x128xf32, #tpu.memory_space<vmem>>, vector<1x16xf32>,
      %swap3A_107 = vector.shape_cast %swap3A_106 : vector<1x16xf32> to vector<16xf32>
      %swap3A_108 = vector.shape_cast %broadcast_in_dim3A_12 : vector<16xf32> to vector<1x16xf32>
      tpu.vector_store %arg9[%swap3A_104, %swap3A_105], %swap3A_108 {strides = array<i32>} : memref<128x128xf32, #tpu.memory_space<vmem>>, vector<1x16xf32>,
      %swap3A_109 = arith.index_cast %scan3A_89 : i32 to index
      %swap3A_110 = arith.constant 64 : index
      %swap3A_111 = tpu.vector_load %arg9[%swap3A_109, %swap3A_110] {strides = array<i32>} : memref<128x128xf32, #tpu.memory_space<vmem>>, vector<1x16xf32>,
      %swap3A_112 = vector.shape_cast %swap3A_111 : vector<1x16xf32> to vector<16xf32>
      %swap3A_113 = vector.shape_cast %broadcast_in_dim3A_12 : vector<16xf32> to vector<1x16xf32>
      tpu.vector_store %arg9[%swap3A_109, %swap3A_110], %swap3A_113 {strides = array<i32>} : memref<128x128xf32, #tpu.memory_space<vmem>>, vector<1x16xf32>,
      %swap3A_114 = arith.index_cast %scan3A_89 : i32 to index
      %swap3A_115 = arith.constant 80 : index
      %swap3A_116 = tpu.vector_load %arg9[%swap3A_114, %swap3A_115] {strides = array<i32>} : memref<128x128xf32, #tpu.memory_space<vmem>>, vector<1x16xf32>,
      %swap3A_117 = vector.shape_cast %swap3A_116 : vector<1x16xf32> to vector<16xf32>
      %swap3A_118 = vector.shape_cast %broadcast_in_dim3A_12 : vector<16xf32> to vector<1x16xf32>
      tpu.vector_store %arg9[%swap3A_114, %swap3A_115], %swap3A_118 {strides = array<i32>} : memref<128x128xf32, #tpu.memory_space<vmem>>, vector<1x16xf32>,
      %swap3A_119 = arith.index_cast %scan3A_89 : i32 to index
      %swap3A_120 = arith.constant 96 : index
      %swap3A_121 = tpu.vector_load %arg9[%swap3A_119, %swap3A_120] {strides = array<i32>} : memref<128x128xf32, #tpu.memory_space<vmem>>, vector<1x16xf32>,
      %swap3A_122 = vector.shape_cast %swap3A_121 : vector<1x16xf32> to vector<16xf32>
      %swap3A_123 = vector.shape_cast %broadcast_in_dim3A_12 : vector<16xf32> to vector<1x16xf32>
      tpu.vector_store %arg9[%swap3A_119, %swap3A_120], %swap3A_123 {strides = array<i32>} : memref<128x128xf32, #tpu.memory_space<vmem>>, vector<1x16xf32>,
      %swap3A_124 = arith.index_cast %scan3A_89 : i32 to index
      %swap3A_125 = arith.constant 112 : index
      %swap3A_126 = tpu.vector_load %arg9[%swap3A_124, %swap3A_125] {strides = array<i32>} : memref<128x128xf32, #tpu.memory_space<vmem>>, vector<1x16xf32>,
      %swap3A_127 = vector.shape_cast %swap3A_126 : vector<1x16xf32> to vector<16xf32>
      %swap3A_128 = vector.shape_cast %broadcast_in_dim3A_12 : vector<16xf32> to vector<1x16xf32>
      tpu.vector_store %arg9[%swap3A_124, %swap3A_125], %swap3A_128 {strides = array<i32>} : memref<128x128xf32, #tpu.memory_space<vmem>>, vector<1x16xf32>,
    }
    %scan3A_17 = arith.constant 128 : i32
    %mul3A_18 = arith.constant 640 : i32
    %mul3A_19 = arith.muli %arg1, %mul3A_18 : i32
    %add3A_20 = arith.constant 0 : i32
    %add3A_21 = arith.addi %mul3A_19, %add3A_20 : i32
    "tpu.region"() ({
      %run_scoped3A = tpu.sem_alloc : memref<!tpu.dma_semaphore, #tpu.memory_space<semaphore_mem>>
      %dma_start3A_89 = arith.constant 0 : i32
      %dma_start3A_90 = tpu.memref_slice %arg11[%add3A_21, %dma_start3A_89] : memref<10240x128xf32, #tpu.memory_space<vmem_shared>> -> memref<128x128xf32, #tpu.memory_space<vmem_shared>>
      %dma_start3A_91 = arith.constant 0 : i32
      %dma_start3A_92 = tpu.memref_slice %arg11[%add3A_21, %dma_start3A_91] : memref<10240x128xf32, #tpu.memory_space<vmem_shared>> -> memref<128x128xf32, #tpu.memory_space<vmem_shared>>
      tpu.enqueue_dma source(%arg9 : memref<128x128xf32, #tpu.memory_space<vmem>>) target(%dma_start3A_92 : memref<128x128xf32, #tpu.memory_space<vmem_shared>>) target_semaphore(%run_scoped3A : memref<!tpu.dma_semaphore, #tpu.memory_space<semaphore_mem>>)
      %dma_wait3A_93 = arith.constant 0 : i32
      %dma_wait3A_94 = tpu.memref_slice %arg11[%add3A_21, %dma_wait3A_93] : memref<10240x128xf32, #tpu.memory_space<vmem_shared>> -> memref<128x128xf32, #tpu.memory_space<vmem_shared>>
      %dma_wait3A_95 = arith.constant 0 : i32
      %dma_wait3A_96 = tpu.memref_slice %arg11[%add3A_21, %dma_wait3A_95] : memref<10240x128xf32, #tpu.memory_space<vmem_shared>> -> memref<128x128xf32, #tpu.memory_space<vmem_shared>>
      tpu.wait_dma2 semaphore(%run_scoped3A : memref<!tpu.dma_semaphore, #tpu.memory_space<semaphore_mem>>) src(%arg9 : memref<128x128xf32, #tpu.memory_space<vmem>>) dst(%dma_wait3A_96 : memref<128x128xf32, #tpu.memory_space<vmem_shared>>)
      tpu.yield
    }) : () -> ()
    %mul3A_22 = arith.constant 640 : i32
    %mul3A_23 = arith.muli %arg1, %mul3A_22 : i32
    %add3A_24 = arith.constant 128 : i32
    %add3A_25 = arith.addi %mul3A_23, %add3A_24 : i32
    "tpu.region"() ({
      %run_scoped3A = tpu.sem_alloc : memref<!tpu.dma_semaphore, #tpu.memory_space<semaphore_mem>>
      %dma_start3A_89 = arith.constant 0 : i32
      %dma_start3A_90 = tpu.memref_slice %arg11[%add3A_25, %dma_start3A_89] : memref<10240x128xf32, #tpu.memory_space<vmem_shared>> -> memref<128x128xf32, #tpu.memory_space<vmem_shared>>
      %dma_start3A_91 = arith.constant 0 : i32
      %dma_start3A_92 = tpu.memref_slice %arg11[%add3A_25, %dma_start3A_91] : memref<10240x128xf32, #tpu.memory_space<vmem_shared>> -> memref<128x128xf32, #tpu.memory_space<vmem_shared>>
      tpu.enqueue_dma source(%arg9 : memref<128x128xf32, #tpu.memory_space<vmem>>) target(%dma_start3A_92 : memref<128x128xf32, #tpu.memory_space<vmem_shared>>) target_semaphore(%run_scoped3A : memref<!tpu.dma_semaphore, #tpu.memory_space<semaphore_mem>>)
      %dma_wait3A_93 = arith.constant 0 : i32
      %dma_wait3A_94 = tpu.memref_slice %arg11[%add3A_25, %dma_wait3A_93] : memref<10240x128xf32, #tpu.memory_space<vmem_shared>> -> memref<128x128xf32, #tpu.memory_space<vmem_shared>>
      %dma_wait3A_95 = arith.constant 0 : i32
      %dma_wait3A_96 = tpu.memref_slice %arg11[%add3A_25, %dma_wait3A_95] : memref<10240x128xf32, #tpu.memory_space<vmem_shared>> -> memref<128x128xf32, #tpu.memory_space<vmem_shared>>
      tpu.wait_dma2 semaphore(%run_scoped3A : memref<!tpu.dma_semaphore, #tpu.memory_space<semaphore_mem>>) src(%arg9 : memref<128x128xf32, #tpu.memory_space<vmem>>) dst(%dma_wait3A_96 : memref<128x128xf32, #tpu.memory_space<vmem_shared>>)
      tpu.yield
    }) : () -> ()
    %mul3A_26 = arith.constant 640 : i32
    %mul3A_27 = arith.muli %arg1, %mul3A_26 : i32
    %add3A_28 = arith.constant 256 : i32
    %add3A_29 = arith.addi %mul3A_27, %add3A_28 : i32
    "tpu.region"() ({
      %run_scoped3A = tpu.sem_alloc : memref<!tpu.dma_semaphore, #tpu.memory_space<semaphore_mem>>
      %dma_start3A_89 = arith.constant 0 : i32
      %dma_start3A_90 = tpu.memref_slice %arg11[%add3A_29, %dma_start3A_89] : memref<10240x128xf32, #tpu.memory_space<vmem_shared>> -> memref<128x128xf32, #tpu.memory_space<vmem_shared>>
      %dma_start3A_91 = arith.constant 0 : i32
      %dma_start3A_92 = tpu.memref_slice %arg11[%add3A_29, %dma_start3A_91] : memref<10240x128xf32, #tpu.memory_space<vmem_shared>> -> memref<128x128xf32, #tpu.memory_space<vmem_shared>>
      tpu.enqueue_dma source(%arg9 : memref<128x128xf32, #tpu.memory_space<vmem>>) target(%dma_start3A_92 : memref<128x128xf32, #tpu.memory_space<vmem_shared>>) target_semaphore(%run_scoped3A : memref<!tpu.dma_semaphore, #tpu.memory_space<semaphore_mem>>)
      %dma_wait3A_93 = arith.constant 0 : i32
      %dma_wait3A_94 = tpu.memref_slice %arg11[%add3A_29, %dma_wait3A_93] : memref<10240x128xf32, #tpu.memory_space<vmem_shared>> -> memref<128x128xf32, #tpu.memory_space<vmem_shared>>
      %dma_wait3A_95 = arith.constant 0 : i32
      %dma_wait3A_96 = tpu.memref_slice %arg11[%add3A_29, %dma_wait3A_95] : memref<10240x128xf32, #tpu.memory_space<vmem_shared>> -> memref<128x128xf32, #tpu.memory_space<vmem_shared>>
      tpu.wait_dma2 semaphore(%run_scoped3A : memref<!tpu.dma_semaphore, #tpu.memory_space<semaphore_mem>>) src(%arg9 : memref<128x128xf32, #tpu.memory_space<vmem>>) dst(%dma_wait3A_96 : memref<128x128xf32, #tpu.memory_space<vmem_shared>>)
      tpu.yield
    }) : () -> ()
    %mul3A_30 = arith.constant 640 : i32
    %mul3A_31 = arith.muli %arg1, %mul3A_30 : i32
    %add3A_32 = arith.constant 384 : i32
    %add3A_33 = arith.addi %mul3A_31, %add3A_32 : i32
    "tpu.region"() ({
      %run_scoped3A = tpu.sem_alloc : memref<!tpu.dma_semaphore, #tpu.memory_space<semaphore_mem>>
      %dma_start3A_89 = arith.constant 0 : i32
      %dma_start3A_90 = tpu.memref_slice %arg11[%add3A_33, %dma_start3A_89] : memref<10240x128xf32, #tpu.memory_space<vmem_shared>> -> memref<128x128xf32, #tpu.memory_space<vmem_shared>>
      %dma_start3A_91 = arith.constant 0 : i32
      %dma_start3A_92 = tpu.memref_slice %arg11[%add3A_33, %dma_start3A_91] : memref<10240x128xf32, #tpu.memory_space<vmem_shared>> -> memref<128x128xf32, #tpu.memory_space<vmem_shared>>
      tpu.enqueue_dma source(%arg9 : memref<128x128xf32, #tpu.memory_space<vmem>>) target(%dma_start3A_92 : memref<128x128xf32, #tpu.memory_space<vmem_shared>>) target_semaphore(%run_scoped3A : memref<!tpu.dma_semaphore, #tpu.memory_space<semaphore_mem>>)
      %dma_wait3A_93 = arith.constant 0 : i32
      %dma_wait3A_94 = tpu.memref_slice %arg11[%add3A_33, %dma_wait3A_93] : memref<10240x128xf32, #tpu.memory_space<vmem_shared>> -> memref<128x128xf32, #tpu.memory_space<vmem_shared>>
      %dma_wait3A_95 = arith.constant 0 : i32
      %dma_wait3A_96 = tpu.memref_slice %arg11[%add3A_33, %dma_wait3A_95] : memref<10240x128xf32, #tpu.memory_space<vmem_shared>> -> memref<128x128xf32, #tpu.memory_space<vmem_shared>>
      tpu.wait_dma2 semaphore(%run_scoped3A : memref<!tpu.dma_semaphore, #tpu.memory_space<semaphore_mem>>) src(%arg9 : memref<128x128xf32, #tpu.memory_space<vmem>>) dst(%dma_wait3A_96 : memref<128x128xf32, #tpu.memory_space<vmem_shared>>)
      tpu.yield
    }) : () -> ()
    %mul3A_34 = arith.constant 640 : i32
    %mul3A_35 = arith.muli %arg1, %mul3A_34 : i32
    %add3A_36 = arith.constant 512 : i32
    %add3A_37 = arith.addi %mul3A_35, %add3A_36 : i32
    "tpu.region"() ({
      %run_scoped3A = tpu.sem_alloc : memref<!tpu.dma_semaphore, #tpu.memory_space<semaphore_mem>>
      %dma_start3A_89 = arith.constant 0 : i32
      %dma_start3A_90 = tpu.memref_slice %arg11[%add3A_37, %dma_start3A_89] : memref<10240x128xf32, #tpu.memory_space<vmem_shared>> -> memref<128x128xf32, #tpu.memory_space<vmem_shared>>
      %dma_start3A_91 = arith.constant 0 : i32
      %dma_start3A_92 = tpu.memref_slice %arg11[%add3A_37, %dma_start3A_91] : memref<10240x128xf32, #tpu.memory_space<vmem_shared>> -> memref<128x128xf32, #tpu.memory_space<vmem_shared>>
      tpu.enqueue_dma source(%arg9 : memref<128x128xf32, #tpu.memory_space<vmem>>) target(%dma_start3A_92 : memref<128x128xf32, #tpu.memory_space<vmem_shared>>) target_semaphore(%run_scoped3A : memref<!tpu.dma_semaphore, #tpu.memory_space<semaphore_mem>>)
      %dma_wait3A_93 = arith.constant 0 : i32
      %dma_wait3A_94 = tpu.memref_slice %arg11[%add3A_37, %dma_wait3A_93] : memref<10240x128xf32, #tpu.memory_space<vmem_shared>> -> memref<128x128xf32, #tpu.memory_space<vmem_shared>>
      %dma_wait3A_95 = arith.constant 0 : i32
      %dma_wait3A_96 = tpu.memref_slice %arg11[%add3A_37, %dma_wait3A_95] : memref<10240x128xf32, #tpu.memory_space<vmem_shared>> -> memref<128x128xf32, #tpu.memory_space<vmem_shared>>
      tpu.wait_dma2 semaphore(%run_scoped3A : memref<!tpu.dma_semaphore, #tpu.memory_space<semaphore_mem>>) src(%arg9 : memref<128x128xf32, #tpu.memory_space<vmem>>) dst(%dma_wait3A_96 : memref<128x128xf32, #tpu.memory_space<vmem_shared>>)
      tpu.yield
    }) : () -> ()
    %barrier3A = arith.constant 0 : index
    tpu.barrier barrier_id(%barrier3A)
    %dma_start3A_38 = tpu.memref_slice %arg3[%mul3A_4] : memref<327680xi32, #tpu.memory_space<hbm>> -> memref<128xi32, #tpu.memory_space<hbm>>
    %dma_start3A_39 = tpu.memref_slice %arg3[%mul3A_4] : memref<327680xi32, #tpu.memory_space<hbm>> -> memref<128xi32, #tpu.memory_space<hbm>>
    tpu.enqueue_dma source(%dma_start3A_39 : memref<128xi32, #tpu.memory_space<hbm>>) target(%arg6 : memref<128xi32, #tpu.memory_space<vmem>>) target_semaphore(%arg16 : memref<!tpu.dma_semaphore, #tpu.memory_space<semaphore_mem>>)
    %add3A_40 = arith.constant 128 : i32
    %add3A_41 = arith.addi %mul3A_4, %add3A_40 : i32
    %dma_start3A_42 = tpu.memref_slice %arg3[%add3A_41] : memref<327680xi32, #tpu.memory_space<hbm>> -> memref<128xi32, #tpu.memory_space<hbm>>
    %dma_start3A_43 = tpu.memref_slice %arg3[%add3A_41] : memref<327680xi32, #tpu.memory_space<hbm>> -> memref<128xi32, #tpu.memory_space<hbm>>
    tpu.enqueue_dma source(%dma_start3A_43 : memref<128xi32, #tpu.memory_space<hbm>>) target(%arg7 : memref<128xi32, #tpu.memory_space<vmem>>) target_semaphore(%arg17 : memref<!tpu.dma_semaphore, #tpu.memory_space<semaphore_mem>>)
    %dma_wait3A = arith.constant 0 : i32
    %dma_wait3A_44 = arith.constant 0 : i32
    %dma_wait3A_45 = tpu.memref_slice %arg4[%add3A, %dma_wait3A, %dma_wait3A_44] : memref<32x80x128xi32, #tpu.memory_space<hbm>> -> memref<1x80x128xi32, #tpu.memory_space<hbm>>
    %dma_wait3A_46 = tpu.memref_squeeze %dma_wait3A_45 : memref<1x80x128xi32, #tpu.memory_space<hbm>> -> memref<80x128xi32, #tpu.memory_space<hbm>>
    %dma_wait3A_47 = arith.constant 0 : i32
    %dma_wait3A_48 = arith.constant 0 : i32
    %dma_wait3A_49 = tpu.memref_slice %arg4[%add3A, %dma_wait3A_47, %dma_wait3A_48] : memref<32x80x128xi32, #tpu.memory_space<hbm>> -> memref<1x80x128xi32, #tpu.memory_space<hbm>>
    %dma_wait3A_50 = tpu.memref_squeeze %dma_wait3A_49 : memref<1x80x128xi32, #tpu.memory_space<hbm>> -> memref<80x128xi32, #tpu.memory_space<hbm>>
    tpu.wait_dma2 semaphore(%arg18 : memref<!tpu.dma_semaphore, #tpu.memory_space<semaphore_mem>>) src(%dma_wait3A_50 : memref<80x128xi32, #tpu.memory_space<hbm>>) dst(%arg8 : memref<80x128xi32, #tpu.memory_space<vmem>>)
    %dma_wait3A_51 = tpu.memref_slice %arg3[%mul3A_4] : memref<327680xi32, #tpu.memory_space<hbm>> -> memref<128xi32, #tpu.memory_space<hbm>>
    %dma_wait3A_52 = tpu.memref_slice %arg3[%mul3A_4] : memref<327680xi32, #tpu.memory_space<hbm>> -> memref<128xi32, #tpu.memory_space<hbm>>
    tpu.wait_dma2 semaphore(%arg16 : memref<!tpu.dma_semaphore, #tpu.memory_space<semaphore_mem>>) src(%dma_wait3A_52 : memref<128xi32, #tpu.memory_space<hbm>>) dst(%arg6 : memref<128xi32, #tpu.memory_space<vmem>>)
    %dma_start3A_53 = arith.constant 0 : i32
    %dma_start3A_54 = arith.constant 0 : i32
    %dma_start3A_55 = tpu.memref_slice %arg2[%dma_start3A_53, %dma_start3A_54] : memref<10000x128xf32, #tpu.memory_space<hbm>> -> memref<10000x128xf32, #tpu.memory_space<hbm>>
    tpu.enqueue_indirect_dma source(%dma_start3A_55 : memref<10000x128xf32, #tpu.memory_space<hbm>>) target(%arg9 : memref<128x128xf32, #tpu.memory_space<vmem>>) offsets(%arg6 : memref<128xi32, #tpu.memory_space<vmem>>) semaphore(%arg12 : memref<!tpu.dma_semaphore, #tpu.memory_space<semaphore_mem>>)
    %dma_wait3A_56 = tpu.memref_slice %arg3[%mul3A_4] : memref<327680xi32, #tpu.memory_space<hbm>> -> memref<128xi32, #tpu.memory_space<hbm>>
    %dma_wait3A_57 = tpu.memref_slice %arg3[%mul3A_4] : memref<327680xi32, #tpu.memory_space<hbm>> -> memref<128xi32, #tpu.memory_space<hbm>>
    tpu.wait_dma2 semaphore(%arg17 : memref<!tpu.dma_semaphore, #tpu.memory_space<semaphore_mem>>) src(%dma_wait3A_57 : memref<128xi32, #tpu.memory_space<hbm>>) dst(%arg7 : memref<128xi32, #tpu.memory_space<vmem>>)
    %dma_start3A_58 = arith.constant 0 : i32
    %dma_start3A_59 = arith.constant 0 : i32
    %dma_start3A_60 = tpu.memref_slice %arg2[%dma_start3A_58, %dma_start3A_59] : memref<10000x128xf32, #tpu.memory_space<hbm>> -> memref<10000x128xf32, #tpu.memory_space<hbm>>
    tpu.enqueue_indirect_dma source(%dma_start3A_60 : memref<10000x128xf32, #tpu.memory_space<hbm>>) target(%arg10 : memref<128x128xf32, #tpu.memory_space<vmem>>) offsets(%arg7 : memref<128xi32, #tpu.memory_space<vmem>>) semaphore(%arg13 : memref<!tpu.dma_semaphore, #tpu.memory_space<semaphore_mem>>)
    %scan3A_61 = arith.constant 0 : i32
    %scan3A_62 = arith.constant 0 : i32
    %scan3A_63 = arith.constant 40 : i32
    %scan3A_64 = arith.addi %scan3A_62, %scan3A_63 : i32
    %scan3A_65 = arith.constant 1 : i32
    scf.for %scan3A_89 = %scan3A_62 to %scan3A_64 step %scan3A_65  : i32 {
      %mul3A_90 = arith.constant 2 : i32
      %mul3A_91 = arith.muli %scan3A_89, %mul3A_90 : i32
      %add3A_92 = arith.constant 0 : i32
      %add3A_93 = arith.addi %mul3A_91, %add3A_92 : i32
      %dma_wait3A_94 = arith.constant 0 : i32
      %dma_wait3A_95 = arith.constant 0 : i32
      %dma_wait3A_96 = tpu.memref_slice %arg2[%dma_wait3A_94, %dma_wait3A_95] : memref<10000x128xf32, #tpu.memory_space<hbm>> -> memref<10000x128xf32, #tpu.memory_space<hbm>>
      tpu.wait_indirect_dma semaphore(%arg12 : memref<!tpu.dma_semaphore, #tpu.memory_space<semaphore_mem>>) src(%dma_wait3A_96 : memref<10000x128xf32, #tpu.memory_space<hbm>>) dst(%arg9 : memref<128x128xf32, #tpu.memory_space<vmem>>)
      %dma_start3A_97 = arith.constant 0 : i32
      %dma_start3A_98 = tpu.memref_slice %arg8[%add3A_93, %dma_start3A_97] : memref<80x128xi32, #tpu.memory_space<vmem>> -> memref<1x128xi32, #tpu.memory_space<vmem>>
      %dma_start3A_99 = tpu.memref_squeeze %dma_start3A_98 : memref<1x128xi32, #tpu.memory_space<vmem>> -> memref<128xi32, #tpu.memory_space<vmem>>
      %dma_start3A_100 = arith.constant 0 : i32
      %dma_start3A_101 = arith.constant 0 : i32
      %dma_start3A_102 = tpu.memref_slice %arg11[%dma_start3A_100, %dma_start3A_101] : memref<10240x128xf32, #tpu.memory_space<vmem_shared>> -> memref<10240x128xf32, #tpu.memory_space<vmem_shared>>
      tpu.enqueue_indirect_dma source(%arg9 : memref<128x128xf32, #tpu.memory_space<vmem>>) target(%dma_start3A_102 : memref<10240x128xf32, #tpu.memory_space<vmem_shared>>) offsets(%dma_start3A_99 : memref<128xi32, #tpu.memory_space<vmem>>) semaphore(%arg14 : memref<!tpu.dma_semaphore, #tpu.memory_space<semaphore_mem>>) {add = true}
      %add3A_103 = arith.constant 2 : i32
      %add3A_104 = arith.addi %add3A_93, %add3A_103 : i32
      %lt3A = arith.constant 80 : i32
      %lt3A_105 = arith.cmpi slt, %add3A_104, %lt3A : i32
      %convert_element_type3A = arith.extui %lt3A_105 : i1 to i32
      %cond3A = arith.constant 0 : i32
      %cond3A_106 = arith.cmpi ne, %convert_element_type3A, %cond3A : i32
      scf.if %cond3A_106 {
        %add3A_143 = arith.constant 2 : i32
        %add3A_144 = arith.addi %add3A_93, %add3A_143 : i32
        %mul3A_145 = arith.constant 128 : i32
        %mul3A_146 = arith.muli %add3A_144, %mul3A_145 : i32
        %add3A_147 = arith.addi %mul3A_4, %mul3A_146 : i32
        %dma_start3A_148 = tpu.memref_slice %arg3[%add3A_147] : memref<327680xi32, #tpu.memory_space<hbm>> -> memref<128xi32, #tpu.memory_space<hbm>>
        %dma_start3A_149 = tpu.memref_slice %arg3[%add3A_147] : memref<327680xi32, #tpu.memory_space<hbm>> -> memref<128xi32, #tpu.memory_space<hbm>>
        tpu.enqueue_dma source(%dma_start3A_149 : memref<128xi32, #tpu.memory_space<hbm>>) target(%arg6 : memref<128xi32, #tpu.memory_space<vmem>>) target_semaphore(%arg16 : memref<!tpu.dma_semaphore, #tpu.memory_space<semaphore_mem>>)
      } else {
      }
      %add3A_107 = arith.constant 1 : i32
      %add3A_108 = arith.addi %mul3A_91, %add3A_107 : i32
      %dma_wait3A_109 = arith.constant 0 : i32
      %dma_wait3A_110 = arith.constant 0 : i32
      %dma_wait3A_111 = tpu.memref_slice %arg2[%dma_wait3A_109, %dma_wait3A_110] : memref<10000x128xf32, #tpu.memory_space<hbm>> -> memref<10000x128xf32, #tpu.memory_space<hbm>>
      tpu.wait_indirect_dma semaphore(%arg13 : memref<!tpu.dma_semaphore, #tpu.memory_space<semaphore_mem>>) src(%dma_wait3A_111 : memref<10000x128xf32, #tpu.memory_space<hbm>>) dst(%arg10 : memref<128x128xf32, #tpu.memory_space<vmem>>)
      %dma_start3A_112 = arith.constant 0 : i32
      %dma_start3A_113 = tpu.memref_slice %arg8[%add3A_108, %dma_start3A_112] : memref<80x128xi32, #tpu.memory_space<vmem>> -> memref<1x128xi32, #tpu.memory_space<vmem>>
      %dma_start3A_114 = tpu.memref_squeeze %dma_start3A_113 : memref<1x128xi32, #tpu.memory_space<vmem>> -> memref<128xi32, #tpu.memory_space<vmem>>
      %dma_start3A_115 = arith.constant 0 : i32
      %dma_start3A_116 = arith.constant 0 : i32
      %dma_start3A_117 = tpu.memref_slice %arg11[%dma_start3A_115, %dma_start3A_116] : memref<10240x128xf32, #tpu.memory_space<vmem_shared>> -> memref<10240x128xf32, #tpu.memory_space<vmem_shared>>
      tpu.enqueue_indirect_dma source(%arg10 : memref<128x128xf32, #tpu.memory_space<vmem>>) target(%dma_start3A_117 : memref<10240x128xf32, #tpu.memory_space<vmem_shared>>) offsets(%dma_start3A_114 : memref<128xi32, #tpu.memory_space<vmem>>) semaphore(%arg15 : memref<!tpu.dma_semaphore, #tpu.memory_space<semaphore_mem>>) {add = true}
      %add3A_118 = arith.constant 2 : i32
      %add3A_119 = arith.addi %add3A_108, %add3A_118 : i32
      %lt3A_120 = arith.constant 80 : i32
      %lt3A_121 = arith.cmpi slt, %add3A_119, %lt3A_120 : i32
      %convert_element_type3A_122 = arith.extui %lt3A_121 : i1 to i32
      %cond3A_123 = arith.constant 0 : i32
      %cond3A_124 = arith.cmpi ne, %convert_element_type3A_122, %cond3A_123 : i32
      scf.if %cond3A_124 {
        %add3A_143 = arith.constant 2 : i32
        %add3A_144 = arith.addi %add3A_108, %add3A_143 : i32
        %mul3A_145 = arith.constant 128 : i32
        %mul3A_146 = arith.muli %add3A_144, %mul3A_145 : i32
        %add3A_147 = arith.addi %mul3A_4, %mul3A_146 : i32
        %dma_start3A_148 = tpu.memref_slice %arg3[%add3A_147] : memref<327680xi32, #tpu.memory_space<hbm>> -> memref<128xi32, #tpu.memory_space<hbm>>
        %dma_start3A_149 = tpu.memref_slice %arg3[%add3A_147] : memref<327680xi32, #tpu.memory_space<hbm>> -> memref<128xi32, #tpu.memory_space<hbm>>
        tpu.enqueue_dma source(%dma_start3A_149 : memref<128xi32, #tpu.memory_space<hbm>>) target(%arg7 : memref<128xi32, #tpu.memory_space<vmem>>) target_semaphore(%arg17 : memref<!tpu.dma_semaphore, #tpu.memory_space<semaphore_mem>>)
      } else {
      }
      %add3A_125 = arith.constant 0 : i32
      %add3A_126 = arith.addi %mul3A_91, %add3A_125 : i32
      %add3A_127 = arith.constant 2 : i32
      %add3A_128 = arith.addi %add3A_126, %add3A_127 : i32
      %lt3A_129 = arith.constant 80 : i32
      %lt3A_130 = arith.cmpi slt, %add3A_128, %lt3A_129 : i32
      %convert_element_type3A_131 = arith.extui %lt3A_130 : i1 to i32
      %cond3A_132 = arith.constant 0 : i32
      %cond3A_133 = arith.cmpi ne, %convert_element_type3A_131, %cond3A_132 : i32
      scf.if %cond3A_133 {
        %dma_wait3A_143 = arith.constant 0 : i32
        %dma_wait3A_144 = tpu.memref_slice %arg8[%add3A_126, %dma_wait3A_143] : memref<80x128xi32, #tpu.memory_space<vmem>> -> memref<1x128xi32, #tpu.memory_space<vmem>>
        %dma_wait3A_145 = tpu.memref_squeeze %dma_wait3A_144 : memref<1x128xi32, #tpu.memory_space<vmem>> -> memref<128xi32, #tpu.memory_space<vmem>>
        %dma_wait3A_146 = arith.constant 0 : i32
        %dma_wait3A_147 = arith.constant 0 : i32
        %dma_wait3A_148 = tpu.memref_slice %arg11[%dma_wait3A_146, %dma_wait3A_147] : memref<10240x128xf32, #tpu.memory_space<vmem_shared>> -> memref<10240x128xf32, #tpu.memory_space<vmem_shared>>
        tpu.wait_indirect_dma semaphore(%arg14 : memref<!tpu.dma_semaphore, #tpu.memory_space<semaphore_mem>>) src(%arg9 : memref<128x128xf32, #tpu.memory_space<vmem>>) dst(%dma_wait3A_148 : memref<10240x128xf32, #tpu.memory_space<vmem_shared>>)
        %dma_wait3A_149 = tpu.memref_slice %arg3[%mul3A_4] : memref<327680xi32, #tpu.memory_space<hbm>> -> memref<128xi32, #tpu.memory_space<hbm>>
        %dma_wait3A_150 = tpu.memref_slice %arg3[%mul3A_4] : memref<327680xi32, #tpu.memory_space<hbm>> -> memref<128xi32, #tpu.memory_space<hbm>>
        tpu.wait_dma2 semaphore(%arg16 : memref<!tpu.dma_semaphore, #tpu.memory_space<semaphore_mem>>) src(%dma_wait3A_150 : memref<128xi32, #tpu.memory_space<hbm>>) dst(%arg6 : memref<128xi32, #tpu.memory_space<vmem>>)
        %dma_start3A_151 = arith.constant 0 : i32
        %dma_start3A_152 = arith.constant 0 : i32
        %dma_start3A_153 = tpu.memref_slice %arg2[%dma_start3A_151, %dma_start3A_152] : memref<10000x128xf32, #tpu.memory_space<hbm>> -> memref<10000x128xf32, #tpu.memory_space<hbm>>
        tpu.enqueue_indirect_dma source(%dma_start3A_153 : memref<10000x128xf32, #tpu.memory_space<hbm>>) target(%arg9 : memref<128x128xf32, #tpu.memory_space<vmem>>) offsets(%arg6 : memref<128xi32, #tpu.memory_space<vmem>>) semaphore(%arg12 : memref<!tpu.dma_semaphore, #tpu.memory_space<semaphore_mem>>)
      } else {
      }
      %add3A_134 = arith.constant 1 : i32
      %add3A_135 = arith.addi %mul3A_91, %add3A_134 : i32
      %add3A_136 = arith.constant 2 : i32
      %add3A_137 = arith.addi %add3A_135, %add3A_136 : i32
      %lt3A_138 = arith.constant 80 : i32
      %lt3A_139 = arith.cmpi slt, %add3A_137, %lt3A_138 : i32
      %convert_element_type3A_140 = arith.extui %lt3A_139 : i1 to i32
      %cond3A_141 = arith.constant 0 : i32
      %cond3A_142 = arith.cmpi ne, %convert_element_type3A_140, %cond3A_141 : i32
      scf.if %cond3A_142 {
        %dma_wait3A_143 = arith.constant 0 : i32
        %dma_wait3A_144 = tpu.memref_slice %arg8[%add3A_135, %dma_wait3A_143] : memref<80x128xi32, #tpu.memory_space<vmem>> -> memref<1x128xi32, #tpu.memory_space<vmem>>
        %dma_wait3A_145 = tpu.memref_squeeze %dma_wait3A_144 : memref<1x128xi32, #tpu.memory_space<vmem>> -> memref<128xi32, #tpu.memory_space<vmem>>
        %dma_wait3A_146 = arith.constant 0 : i32
        %dma_wait3A_147 = arith.constant 0 : i32
        %dma_wait3A_148 = tpu.memref_slice %arg11[%dma_wait3A_146, %dma_wait3A_147] : memref<10240x128xf32, #tpu.memory_space<vmem_shared>> -> memref<10240x128xf32, #tpu.memory_space<vmem_shared>>
        tpu.wait_indirect_dma semaphore(%arg15 : memref<!tpu.dma_semaphore, #tpu.memory_space<semaphore_mem>>) src(%arg10 : memref<128x128xf32, #tpu.memory_space<vmem>>) dst(%dma_wait3A_148 : memref<10240x128xf32, #tpu.memory_space<vmem_shared>>)
        %dma_wait3A_149 = tpu.memref_slice %arg3[%mul3A_4] : memref<327680xi32, #tpu.memory_space<hbm>> -> memref<128xi32, #tpu.memory_space<hbm>>
        %dma_wait3A_150 = tpu.memref_slice %arg3[%mul3A_4] : memref<327680xi32, #tpu.memory_space<hbm>> -> memref<128xi32, #tpu.memory_space<hbm>>
        tpu.wait_dma2 semaphore(%arg17 : memref<!tpu.dma_semaphore, #tpu.memory_space<semaphore_mem>>) src(%dma_wait3A_150 : memref<128xi32, #tpu.memory_space<hbm>>) dst(%arg7 : memref<128xi32, #tpu.memory_space<vmem>>)
        %dma_start3A_151 = arith.constant 0 : i32
        %dma_start3A_152 = arith.constant 0 : i32
        %dma_start3A_153 = tpu.memref_slice %arg2[%dma_start3A_151, %dma_start3A_152] : memref<10000x128xf32, #tpu.memory_space<hbm>> -> memref<10000x128xf32, #tpu.memory_space<hbm>>
        tpu.enqueue_indirect_dma source(%dma_start3A_153 : memref<10000x128xf32, #tpu.memory_space<hbm>>) target(%arg10 : memref<128x128xf32, #tpu.memory_space<vmem>>) offsets(%arg7 : memref<128xi32, #tpu.memory_space<vmem>>) semaphore(%arg13 : memref<!tpu.dma_semaphore, #tpu.memory_space<semaphore_mem>>)
      } else {
      }
    }
    %scan3A_66 = arith.constant 40 : i32
    %dma_wait3A_67 = arith.constant 78 : i32
    %dma_wait3A_68 = arith.constant 0 : i32
    %dma_wait3A_69 = tpu.memref_slice %arg8[%dma_wait3A_67, %dma_wait3A_68] : memref<80x128xi32, #tpu.memory_space<vmem>> -> memref<1x128xi32, #tpu.memory_space<vmem>>
    %dma_wait3A_70 = tpu.memref_squeeze %dma_wait3A_69 : memref<1x128xi32, #tpu.memory_space<vmem>> -> memref<128xi32, #tpu.memory_space<vmem>>
    %dma_wait3A_71 = arith.constant 0 : i32
    %dma_wait3A_72 = arith.constant 0 : i32
    %dma_wait3A_73 = tpu.memref_slice %arg11[%dma_wait3A_71, %dma_wait3A_72] : memref<10240x128xf32, #tpu.memory_space<vmem_shared>> -> memref<10240x128xf32, #tpu.memory_space<vmem_shared>>
    tpu.wait_indirect_dma semaphore(%arg14 : memref<!tpu.dma_semaphore, #tpu.memory_space<semaphore_mem>>) src(%arg9 : memref<128x128xf32, #tpu.memory_space<vmem>>) dst(%dma_wait3A_73 : memref<10240x128xf32, #tpu.memory_space<vmem_shared>>)
    %dma_wait3A_74 = arith.constant 79 : i32
    %dma_wait3A_75 = arith.constant 0 : i32
    %dma_wait3A_76 = tpu.memref_slice %arg8[%dma_wait3A_74, %dma_wait3A_75] : memref<80x128xi32, #tpu.memory_space<vmem>> -> memref<1x128xi32, #tpu.memory_space<vmem>>
    %dma_wait3A_77 = tpu.memref_squeeze %dma_wait3A_76 : memref<1x128xi32, #tpu.memory_space<vmem>> -> memref<128xi32, #tpu.memory_space<vmem>>
    %dma_wait3A_78 = arith.constant 0 : i32
    %dma_wait3A_79 = arith.constant 0 : i32
    %dma_wait3A_80 = tpu.memref_slice %arg11[%dma_wait3A_78, %dma_wait3A_79] : memref<10240x128xf32, #tpu.memory_space<vmem_shared>> -> memref<10240x128xf32, #tpu.memory_space<vmem_shared>>
    tpu.wait_indirect_dma semaphore(%arg15 : memref<!tpu.dma_semaphore, #tpu.memory_space<semaphore_mem>>) src(%arg10 : memref<128x128xf32, #tpu.memory_space<vmem>>) dst(%dma_wait3A_80 : memref<10240x128xf32, #tpu.memory_space<vmem_shared>>)
    %barrier3A_81 = arith.constant 0 : index
    tpu.barrier barrier_id(%barrier3A_81)
    %mul3A_82 = arith.constant 640 : i32
    %mul3A_83 = arith.muli %arg1, %mul3A_82 : i32
    %mul3A_84 = arith.constant 10240 : i32
    %mul3A_85 = arith.muli %arg0, %mul3A_84 : i32
    %mul3A_86 = arith.constant 640 : i32
    %mul3A_87 = arith.muli %arg1, %mul3A_86 : i32
    %add3A_88 = arith.addi %mul3A_85, %mul3A_87 : i32
    "tpu.region"() ({
      %run_scoped3A = tpu.sem_alloc : memref<!tpu.dma_semaphore, #tpu.memory_space<semaphore_mem>>
      %dma_start3A_89 = arith.constant 0 : i32
      %dma_start3A_90 = tpu.memref_slice %arg5[%add3A_88, %dma_start3A_89] : memref<20480x128xf32, #tpu.memory_space<hbm>> -> memref<640x128xf32, #tpu.memory_space<hbm>>
      %dma_start3A_91 = arith.constant 0 : i32
      %dma_start3A_92 = tpu.memref_slice %arg11[%mul3A_83, %dma_start3A_91] : memref<10240x128xf32, #tpu.memory_space<vmem_shared>> -> memref<640x128xf32, #tpu.memory_space<vmem_shared>>
      tpu.enqueue_dma source(%dma_start3A_92 : memref<640x128xf32, #tpu.memory_space<vmem_shared>>) target(%dma_start3A_90 : memref<640x128xf32, #tpu.memory_space<hbm>>) target_semaphore(%run_scoped3A : memref<!tpu.dma_semaphore, #tpu.memory_space<semaphore_mem>>)
      %dma_wait3A_93 = arith.constant 0 : i32
      %dma_wait3A_94 = tpu.memref_slice %arg5[%add3A_88, %dma_wait3A_93] : memref<20480x128xf32, #tpu.memory_space<hbm>> -> memref<640x128xf32, #tpu.memory_space<hbm>>
      %dma_wait3A_95 = arith.constant 0 : i32
      %dma_wait3A_96 = tpu.memref_slice %arg11[%mul3A_83, %dma_wait3A_95] : memref<10240x128xf32, #tpu.memory_space<vmem_shared>> -> memref<640x128xf32, #tpu.memory_space<vmem_shared>>
      tpu.wait_dma2 semaphore(%run_scoped3A : memref<!tpu.dma_semaphore, #tpu.memory_space<semaphore_mem>>) src(%dma_wait3A_96 : memref<640x128xf32, #tpu.memory_space<vmem_shared>>) dst(%dma_wait3A_94 : memref<640x128xf32, #tpu.memory_space<hbm>>)
      tpu.yield
    }) : () -> ()
    return
  }
}

#map = affine_map<(d0, d1) -> (0, 0)>
#map1 = affine_map<(d0, d1) -> (0)>
#map2 = affine_map<(d0, d1) -> (0, 0, 0)>
module attributes {stable_mosaic.version = 14 : i64} {
  func.func @k(%arg0: i32, %arg1: i32, %arg2: memref<10000x128xf32, #tpu.memory_space<hbm>>, %arg3: memref<327680xi32, #tpu.memory_space<hbm>>, %arg4: memref<32x80x128xi32, #tpu.memory_space<hbm>>, %arg5: memref<20480x128xf32, #tpu.memory_space<hbm>>, %arg6: memref<128xi32, #tpu.memory_space<vmem>>, %arg7: memref<128xi32, #tpu.memory_space<vmem>>, %arg8: memref<80x128xi32, #tpu.memory_space<vmem>>, %arg9: memref<128x128xf32, #tpu.memory_space<vmem>>, %arg10: memref<128x128xf32, #tpu.memory_space<vmem>>, %arg11: memref<10240x128xf32, #tpu.memory_space<vmem_shared>>, %arg12: memref<!tpu.dma_semaphore, #tpu.memory_space<semaphore_mem>>, %arg13: memref<!tpu.dma_semaphore, #tpu.memory_space<semaphore_mem>>, %arg14: memref<!tpu.dma_semaphore, #tpu.memory_space<semaphore_mem>>, %arg15: memref<!tpu.dma_semaphore, #tpu.memory_space<semaphore_mem>>, %arg16: memref<!tpu.dma_semaphore, #tpu.memory_space<semaphore_mem>>, %arg17: memref<!tpu.dma_semaphore, #tpu.memory_space<semaphore_mem>>, %arg18: memref<!tpu.dma_semaphore, #tpu.memory_space<semaphore_mem>>) attributes {dimension_semantics = [#tpu.dimension_semantics<core_parallel>, #tpu.dimension_semantics<subcore_parallel>], iteration_bounds = array<i64: 2, 16>, scalar_prefetch = 0 : i64, scratch_operands = 13 : i64, tpu.core_type = #tpu.core_type<sc_vector_subcore>, window_params = [{transform_indices = #map}, {transform_indices = #map1}, {transform_indices = #map2}, {transform_indices = #map}]} {
    %mul3A = arith.constant 16 : i32
    %mul3A_0 = arith.muli %arg0, %mul3A : i32
    %add3A = arith.addi %mul3A_0, %arg1 : i32
    %mul3A_1 = arith.constant 80 : i32
    %mul3A_2 = arith.muli %add3A, %mul3A_1 : i32
    %mul3A_3 = arith.constant 128 : i32
    %mul3A_4 = arith.muli %mul3A_2, %mul3A_3 : i32
    %dma_start3A = arith.constant 0 : i32
    %dma_start3A_5 = arith.constant 0 : i32
    %dma_start3A_6 = tpu.memref_slice %arg4[%add3A, %dma_start3A, %dma_start3A_5] : memref<32x80x128xi32, #tpu.memory_space<hbm>> -> memref<1x80x128xi32, #tpu.memory_space<hbm>>
    %dma_start3A_7 = tpu.memref_squeeze %dma_start3A_6 : memref<1x80x128xi32, #tpu.memory_space<hbm>> -> memref<80x128xi32, #tpu.memory_space<hbm>>
    %dma_start3A_8 = arith.constant 0 : i32
    %dma_start3A_9 = arith.constant 0 : i32
    %dma_start3A_10 = tpu.memref_slice %arg4[%add3A, %dma_start3A_8, %dma_start3A_9] : memref<32x80x128xi32, #tpu.memory_space<hbm>> -> memref<1x80x128xi32, #tpu.memory_space<hbm>>
    %dma_start3A_11 = tpu.memref_squeeze %dma_start3A_10 : memref<1x80x128xi32, #tpu.memory_space<hbm>> -> memref<80x128xi32, #tpu.memory_space<hbm>>
    tpu.enqueue_dma source(%dma_start3A_11 : memref<80x128xi32, #tpu.memory_space<hbm>>) target(%arg8 : memref<80x128xi32, #tpu.memory_space<vmem>>) target_semaphore(%arg18 : memref<!tpu.dma_semaphore, #tpu.memory_space<semaphore_mem>>)
    %broadcast_in_dim3A = arith.constant 0.000000e+00 : f32
    %broadcast_in_dim3A_12 = vector.broadcast %broadcast_in_dim3A : f32 to vector<16xf32>
    %scan3A = arith.constant 0 : i32
    %scan3A_13 = arith.constant 0 : i32
    %scan3A_14 = arith.constant 128 : i32
    %scan3A_15 = arith.addi %scan3A_13, %scan3A_14 : i32
    %scan3A_16 = arith.constant 1 : i32
    scf.for %scan3A_89 = %scan3A_13 to %scan3A_15 step %scan3A_16  : i32 {
      %swap3A = arith.index_cast %scan3A_89 : i32 to index
      %swap3A_90 = arith.constant 0 : index
      %swap3A_91 = tpu.vector_load %arg9[%swap3A, %swap3A_90] {strides = array<i32>} : memref<128x128xf32, #tpu.memory_space<vmem>>, vector<1x16xf32>,
      %swap3A_92 = vector.shape_cast %swap3A_91 : vector<1x16xf32> to vector<16xf32>
      %swap3A_93 = vector.shape_cast %broadcast_in_dim3A_12 : vector<16xf32> to vector<1x16xf32>
      tpu.vector_store %arg9[%swap3A, %swap3A_90], %swap3A_93 {strides = array<i32>} : memref<128x128xf32, #tpu.memory_space<vmem>>, vector<1x16xf32>,
      %swap3A_94 = arith.index_cast %scan3A_89 : i32 to index
      %swap3A_95 = arith.constant 16 : index
      %swap3A_96 = tpu.vector_load %arg9[%swap3A_94, %swap3A_95] {strides = array<i32>} : memref<128x128xf32, #tpu.memory_space<vmem>>, vector<1x16xf32>,
      %swap3A_97 = vector.shape_cast %swap3A_96 : vector<1x16xf32> to vector<16xf32>
      %swap3A_98 = vector.shape_cast %broadcast_in_dim3A_12 : vector<16xf32> to vector<1x16xf32>
      tpu.vector_store %arg9[%swap3A_94, %swap3A_95], %swap3A_98 {strides = array<i32>} : memref<128x128xf32, #tpu.memory_space<vmem>>, vector<1x16xf32>,
      %swap3A_99 = arith.index_cast %scan3A_89 : i32 to index
      %swap3A_100 = arith.constant 32 : index
      %swap3A_101 = tpu.vector_load %arg9[%swap3A_99, %swap3A_100] {strides = array<i32>} : memref<128x128xf32, #tpu.memory_space<vmem>>, vector<1x16xf32>,
      %swap3A_102 = vector.shape_cast %swap3A_101 : vector<1x16xf32> to vector<16xf32>
      %swap3A_103 = vector.shape_cast %broadcast_in_dim3A_12 : vector<16xf32> to vector<1x16xf32>
      tpu.vector_store %arg9[%swap3A_99, %swap3A_100], %swap3A_103 {strides = array<i32>} : memref<128x128xf32, #tpu.memory_space<vmem>>, vector<1x16xf32>,
      %swap3A_104 = arith.index_cast %scan3A_89 : i32 to index
      %swap3A_105 = arith.constant 48 : index
      %swap3A_106 = tpu.vector_load %arg9[%swap3A_104, %swap3A_105] {strides = array<i32>} : memref<128x128xf32, #tpu.memory_space<vmem>>, vector<1x16xf32>,
      %swap3A_107 = vector.shape_cast %swap3A_106 : vector<1x16xf32> to vector<16xf32>
      %swap3A_108 = vector.shape_cast %broadcast_in_dim3A_12 : vector<16xf32> to vector<1x16xf32>
      tpu.vector_store %arg9[%swap3A_104, %swap3A_105], %swap3A_108 {strides = array<i32>} : memref<128x128xf32, #tpu.memory_space<vmem>>, vector<1x16xf32>,
      %swap3A_109 = arith.index_cast %scan3A_89 : i32 to index
      %swap3A_110 = arith.constant 64 : index
      %swap3A_111 = tpu.vector_load %arg9[%swap3A_109, %swap3A_110] {strides = array<i32>} : memref<128x128xf32, #tpu.memory_space<vmem>>, vector<1x16xf32>,
      %swap3A_112 = vector.shape_cast %swap3A_111 : vector<1x16xf32> to vector<16xf32>
      %swap3A_113 = vector.shape_cast %broadcast_in_dim3A_12 : vector<16xf32> to vector<1x16xf32>
      tpu.vector_store %arg9[%swap3A_109, %swap3A_110], %swap3A_113 {strides = array<i32>} : memref<128x128xf32, #tpu.memory_space<vmem>>, vector<1x16xf32>,
      %swap3A_114 = arith.index_cast %scan3A_89 : i32 to index
      %swap3A_115 = arith.constant 80 : index
      %swap3A_116 = tpu.vector_load %arg9[%swap3A_114, %swap3A_115] {strides = array<i32>} : memref<128x128xf32, #tpu.memory_space<vmem>>, vector<1x16xf32>,
      %swap3A_117 = vector.shape_cast %swap3A_116 : vector<1x16xf32> to vector<16xf32>
      %swap3A_118 = vector.shape_cast %broadcast_in_dim3A_12 : vector<16xf32> to vector<1x16xf32>
      tpu.vector_store %arg9[%swap3A_114, %swap3A_115], %swap3A_118 {strides = array<i32>} : memref<128x128xf32, #tpu.memory_space<vmem>>, vector<1x16xf32>,
      %swap3A_119 = arith.index_cast %scan3A_89 : i32 to index
      %swap3A_120 = arith.constant 96 : index
      %swap3A_121 = tpu.vector_load %arg9[%swap3A_119, %swap3A_120] {strides = array<i32>} : memref<128x128xf32, #tpu.memory_space<vmem>>, vector<1x16xf32>,
      %swap3A_122 = vector.shape_cast %swap3A_121 : vector<1x16xf32> to vector<16xf32>
      %swap3A_123 = vector.shape_cast %broadcast_in_dim3A_12 : vector<16xf32> to vector<1x16xf32>
      tpu.vector_store %arg9[%swap3A_119, %swap3A_120], %swap3A_123 {strides = array<i32>} : memref<128x128xf32, #tpu.memory_space<vmem>>, vector<1x16xf32>,
      %swap3A_124 = arith.index_cast %scan3A_89 : i32 to index
      %swap3A_125 = arith.constant 112 : index
      %swap3A_126 = tpu.vector_load %arg9[%swap3A_124, %swap3A_125] {strides = array<i32>} : memref<128x128xf32, #tpu.memory_space<vmem>>, vector<1x16xf32>,
      %swap3A_127 = vector.shape_cast %swap3A_126 : vector<1x16xf32> to vector<16xf32>
      %swap3A_128 = vector.shape_cast %broadcast_in_dim3A_12 : vector<16xf32> to vector<1x16xf32>
      tpu.vector_store %arg9[%swap3A_124, %swap3A_125], %swap3A_128 {strides = array<i32>} : memref<128x128xf32, #tpu.memory_space<vmem>>, vector<1x16xf32>,
    }
    %scan3A_17 = arith.constant 128 : i32
    %mul3A_18 = arith.constant 640 : i32
    %mul3A_19 = arith.muli %arg1, %mul3A_18 : i32
    %add3A_20 = arith.constant 0 : i32
    %add3A_21 = arith.addi %mul3A_19, %add3A_20 : i32
    "tpu.region"() ({
      %run_scoped3A = tpu.sem_alloc : memref<!tpu.dma_semaphore, #tpu.memory_space<semaphore_mem>>
      %dma_start3A_89 = arith.constant 0 : i32
      %dma_start3A_90 = tpu.memref_slice %arg11[%add3A_21, %dma_start3A_89] : memref<10240x128xf32, #tpu.memory_space<vmem_shared>> -> memref<128x128xf32, #tpu.memory_space<vmem_shared>>
      %dma_start3A_91 = arith.constant 0 : i32
      %dma_start3A_92 = tpu.memref_slice %arg11[%add3A_21, %dma_start3A_91] : memref<10240x128xf32, #tpu.memory_space<vmem_shared>> -> memref<128x128xf32, #tpu.memory_space<vmem_shared>>
      tpu.enqueue_dma source(%arg9 : memref<128x128xf32, #tpu.memory_space<vmem>>) target(%dma_start3A_92 : memref<128x128xf32, #tpu.memory_space<vmem_shared>>) target_semaphore(%run_scoped3A : memref<!tpu.dma_semaphore, #tpu.memory_space<semaphore_mem>>)
      %dma_wait3A_93 = arith.constant 0 : i32
      %dma_wait3A_94 = tpu.memref_slice %arg11[%add3A_21, %dma_wait3A_93] : memref<10240x128xf32, #tpu.memory_space<vmem_shared>> -> memref<128x128xf32, #tpu.memory_space<vmem_shared>>
      %dma_wait3A_95 = arith.constant 0 : i32
      %dma_wait3A_96 = tpu.memref_slice %arg11[%add3A_21, %dma_wait3A_95] : memref<10240x128xf32, #tpu.memory_space<vmem_shared>> -> memref<128x128xf32, #tpu.memory_space<vmem_shared>>
      tpu.wait_dma2 semaphore(%run_scoped3A : memref<!tpu.dma_semaphore, #tpu.memory_space<semaphore_mem>>) src(%arg9 : memref<128x128xf32, #tpu.memory_space<vmem>>) dst(%dma_wait3A_96 : memref<128x128xf32, #tpu.memory_space<vmem_shared>>)
      tpu.yield
    }) : () -> ()
    %mul3A_22 = arith.constant 640 : i32
    %mul3A_23 = arith.muli %arg1, %mul3A_22 : i32
    %add3A_24 = arith.constant 128 : i32
    %add3A_25 = arith.addi %mul3A_23, %add3A_24 : i32
    "tpu.region"() ({
      %run_scoped3A = tpu.sem_alloc : memref<!tpu.dma_semaphore, #tpu.memory_space<semaphore_mem>>
      %dma_start3A_89 = arith.constant 0 : i32
      %dma_start3A_90 = tpu.memref_slice %arg11[%add3A_25, %dma_start3A_89] : memref<10240x128xf32, #tpu.memory_space<vmem_shared>> -> memref<128x128xf32, #tpu.memory_space<vmem_shared>>
      %dma_start3A_91 = arith.constant 0 : i32
      %dma_start3A_92 = tpu.memref_slice %arg11[%add3A_25, %dma_start3A_91] : memref<10240x128xf32, #tpu.memory_space<vmem_shared>> -> memref<128x128xf32, #tpu.memory_space<vmem_shared>>
      tpu.enqueue_dma source(%arg9 : memref<128x128xf32, #tpu.memory_space<vmem>>) target(%dma_start3A_92 : memref<128x128xf32, #tpu.memory_space<vmem_shared>>) target_semaphore(%run_scoped3A : memref<!tpu.dma_semaphore, #tpu.memory_space<semaphore_mem>>)
      %dma_wait3A_93 = arith.constant 0 : i32
      %dma_wait3A_94 = tpu.memref_slice %arg11[%add3A_25, %dma_wait3A_93] : memref<10240x128xf32, #tpu.memory_space<vmem_shared>> -> memref<128x128xf32, #tpu.memory_space<vmem_shared>>
      %dma_wait3A_95 = arith.constant 0 : i32
      %dma_wait3A_96 = tpu.memref_slice %arg11[%add3A_25, %dma_wait3A_95] : memref<10240x128xf32, #tpu.memory_space<vmem_shared>> -> memref<128x128xf32, #tpu.memory_space<vmem_shared>>
      tpu.wait_dma2 semaphore(%run_scoped3A : memref<!tpu.dma_semaphore, #tpu.memory_space<semaphore_mem>>) src(%arg9 : memref<128x128xf32, #tpu.memory_space<vmem>>) dst(%dma_wait3A_96 : memref<128x128xf32, #tpu.memory_space<vmem_shared>>)
      tpu.yield
    }) : () -> ()
    %mul3A_26 = arith.constant 640 : i32
    %mul3A_27 = arith.muli %arg1, %mul3A_26 : i32
    %add3A_28 = arith.constant 256 : i32
    %add3A_29 = arith.addi %mul3A_27, %add3A_28 : i32
    "tpu.region"() ({
      %run_scoped3A = tpu.sem_alloc : memref<!tpu.dma_semaphore, #tpu.memory_space<semaphore_mem>>
      %dma_start3A_89 = arith.constant 0 : i32
      %dma_start3A_90 = tpu.memref_slice %arg11[%add3A_29, %dma_start3A_89] : memref<10240x128xf32, #tpu.memory_space<vmem_shared>> -> memref<128x128xf32, #tpu.memory_space<vmem_shared>>
      %dma_start3A_91 = arith.constant 0 : i32
      %dma_start3A_92 = tpu.memref_slice %arg11[%add3A_29, %dma_start3A_91] : memref<10240x128xf32, #tpu.memory_space<vmem_shared>> -> memref<128x128xf32, #tpu.memory_space<vmem_shared>>
      tpu.enqueue_dma source(%arg9 : memref<128x128xf32, #tpu.memory_space<vmem>>) target(%dma_start3A_92 : memref<128x128xf32, #tpu.memory_space<vmem_shared>>) target_semaphore(%run_scoped3A : memref<!tpu.dma_semaphore, #tpu.memory_space<semaphore_mem>>)
      %dma_wait3A_93 = arith.constant 0 : i32
      %dma_wait3A_94 = tpu.memref_slice %arg11[%add3A_29, %dma_wait3A_93] : memref<10240x128xf32, #tpu.memory_space<vmem_shared>> -> memref<128x128xf32, #tpu.memory_space<vmem_shared>>
      %dma_wait3A_95 = arith.constant 0 : i32
      %dma_wait3A_96 = tpu.memref_slice %arg11[%add3A_29, %dma_wait3A_95] : memref<10240x128xf32, #tpu.memory_space<vmem_shared>> -> memref<128x128xf32, #tpu.memory_space<vmem_shared>>
      tpu.wait_dma2 semaphore(%run_scoped3A : memref<!tpu.dma_semaphore, #tpu.memory_space<semaphore_mem>>) src(%arg9 : memref<128x128xf32, #tpu.memory_space<vmem>>) dst(%dma_wait3A_96 : memref<128x128xf32, #tpu.memory_space<vmem_shared>>)
      tpu.yield
    }) : () -> ()
    %mul3A_30 = arith.constant 640 : i32
    %mul3A_31 = arith.muli %arg1, %mul3A_30 : i32
    %add3A_32 = arith.constant 384 : i32
    %add3A_33 = arith.addi %mul3A_31, %add3A_32 : i32
    "tpu.region"() ({
      %run_scoped3A = tpu.sem_alloc : memref<!tpu.dma_semaphore, #tpu.memory_space<semaphore_mem>>
      %dma_start3A_89 = arith.constant 0 : i32
      %dma_start3A_90 = tpu.memref_slice %arg11[%add3A_33, %dma_start3A_89] : memref<10240x128xf32, #tpu.memory_space<vmem_shared>> -> memref<128x128xf32, #tpu.memory_space<vmem_shared>>
      %dma_start3A_91 = arith.constant 0 : i32
      %dma_start3A_92 = tpu.memref_slice %arg11[%add3A_33, %dma_start3A_91] : memref<10240x128xf32, #tpu.memory_space<vmem_shared>> -> memref<128x128xf32, #tpu.memory_space<vmem_shared>>
      tpu.enqueue_dma source(%arg9 : memref<128x128xf32, #tpu.memory_space<vmem>>) target(%dma_start3A_92 : memref<128x128xf32, #tpu.memory_space<vmem_shared>>) target_semaphore(%run_scoped3A : memref<!tpu.dma_semaphore, #tpu.memory_space<semaphore_mem>>)
      %dma_wait3A_93 = arith.constant 0 : i32
      %dma_wait3A_94 = tpu.memref_slice %arg11[%add3A_33, %dma_wait3A_93] : memref<10240x128xf32, #tpu.memory_space<vmem_shared>> -> memref<128x128xf32, #tpu.memory_space<vmem_shared>>
      %dma_wait3A_95 = arith.constant 0 : i32
      %dma_wait3A_96 = tpu.memref_slice %arg11[%add3A_33, %dma_wait3A_95] : memref<10240x128xf32, #tpu.memory_space<vmem_shared>> -> memref<128x128xf32, #tpu.memory_space<vmem_shared>>
      tpu.wait_dma2 semaphore(%run_scoped3A : memref<!tpu.dma_semaphore, #tpu.memory_space<semaphore_mem>>) src(%arg9 : memref<128x128xf32, #tpu.memory_space<vmem>>) dst(%dma_wait3A_96 : memref<128x128xf32, #tpu.memory_space<vmem_shared>>)
      tpu.yield
    }) : () -> ()
    %mul3A_34 = arith.constant 640 : i32
    %mul3A_35 = arith.muli %arg1, %mul3A_34 : i32
    %add3A_36 = arith.constant 512 : i32
    %add3A_37 = arith.addi %mul3A_35, %add3A_36 : i32
    "tpu.region"() ({
      %run_scoped3A = tpu.sem_alloc : memref<!tpu.dma_semaphore, #tpu.memory_space<semaphore_mem>>
      %dma_start3A_89 = arith.constant 0 : i32
      %dma_start3A_90 = tpu.memref_slice %arg11[%add3A_37, %dma_start3A_89] : memref<10240x128xf32, #tpu.memory_space<vmem_shared>> -> memref<128x128xf32, #tpu.memory_space<vmem_shared>>
      %dma_start3A_91 = arith.constant 0 : i32
      %dma_start3A_92 = tpu.memref_slice %arg11[%add3A_37, %dma_start3A_91] : memref<10240x128xf32, #tpu.memory_space<vmem_shared>> -> memref<128x128xf32, #tpu.memory_space<vmem_shared>>
      tpu.enqueue_dma source(%arg9 : memref<128x128xf32, #tpu.memory_space<vmem>>) target(%dma_start3A_92 : memref<128x128xf32, #tpu.memory_space<vmem_shared>>) target_semaphore(%run_scoped3A : memref<!tpu.dma_semaphore, #tpu.memory_space<semaphore_mem>>)
      %dma_wait3A_93 = arith.constant 0 : i32
      %dma_wait3A_94 = tpu.memref_slice %arg11[%add3A_37, %dma_wait3A_93] : memref<10240x128xf32, #tpu.memory_space<vmem_shared>> -> memref<128x128xf32, #tpu.memory_space<vmem_shared>>
      %dma_wait3A_95 = arith.constant 0 : i32
      %dma_wait3A_96 = tpu.memref_slice %arg11[%add3A_37, %dma_wait3A_95] : memref<10240x128xf32, #tpu.memory_space<vmem_shared>> -> memref<128x128xf32, #tpu.memory_space<vmem_shared>>
      tpu.wait_dma2 semaphore(%run_scoped3A : memref<!tpu.dma_semaphore, #tpu.memory_space<semaphore_mem>>) src(%arg9 : memref<128x128xf32, #tpu.memory_space<vmem>>) dst(%dma_wait3A_96 : memref<128x128xf32, #tpu.memory_space<vmem_shared>>)
      tpu.yield
    }) : () -> ()
    %barrier3A = arith.constant 0 : index
    tpu.barrier barrier_id(%barrier3A)
    %dma_start3A_38 = tpu.memref_slice %arg3[%mul3A_4] : memref<327680xi32, #tpu.memory_space<hbm>> -> memref<128xi32, #tpu.memory_space<hbm>>
    %dma_start3A_39 = tpu.memref_slice %arg3[%mul3A_4] : memref<327680xi32, #tpu.memory_space<hbm>> -> memref<128xi32, #tpu.memory_space<hbm>>
    tpu.enqueue_dma source(%dma_start3A_39 : memref<128xi32, #tpu.memory_space<hbm>>) target(%arg6 : memref<128xi32, #tpu.memory_space<vmem>>) target_semaphore(%arg16 : memref<!tpu.dma_semaphore, #tpu.memory_space<semaphore_mem>>)
    %add3A_40 = arith.constant 128 : i32
    %add3A_41 = arith.addi %mul3A_4, %add3A_40 : i32
    %dma_start3A_42 = tpu.memref_slice %arg3[%add3A_41] : memref<327680xi32, #tpu.memory_space<hbm>> -> memref<128xi32, #tpu.memory_space<hbm>>
    %dma_start3A_43 = tpu.memref_slice %arg3[%add3A_41] : memref<327680xi32, #tpu.memory_space<hbm>> -> memref<128xi32, #tpu.memory_space<hbm>>
    tpu.enqueue_dma source(%dma_start3A_43 : memref<128xi32, #tpu.memory_space<hbm>>) target(%arg7 : memref<128xi32, #tpu.memory_space<vmem>>) target_semaphore(%arg17 : memref<!tpu.dma_semaphore, #tpu.memory_space<semaphore_mem>>)
    %dma_wait3A = arith.constant 0 : i32
    %dma_wait3A_44 = arith.constant 0 : i32
    %dma_wait3A_45 = tpu.memref_slice %arg4[%add3A, %dma_wait3A, %dma_wait3A_44] : memref<32x80x128xi32, #tpu.memory_space<hbm>> -> memref<1x80x128xi32, #tpu.memory_space<hbm>>
    %dma_wait3A_46 = tpu.memref_squeeze %dma_wait3A_45 : memref<1x80x128xi32, #tpu.memory_space<hbm>> -> memref<80x128xi32, #tpu.memory_space<hbm>>
    %dma_wait3A_47 = arith.constant 0 : i32
    %dma_wait3A_48 = arith.constant 0 : i32
    %dma_wait3A_49 = tpu.memref_slice %arg4[%add3A, %dma_wait3A_47, %dma_wait3A_48] : memref<32x80x128xi32, #tpu.memory_space<hbm>> -> memref<1x80x128xi32, #tpu.memory_space<hbm>>
    %dma_wait3A_50 = tpu.memref_squeeze %dma_wait3A_49 : memref<1x80x128xi32, #tpu.memory_space<hbm>> -> memref<80x128xi32, #tpu.memory_space<hbm>>
    tpu.wait_dma2 semaphore(%arg18 : memref<!tpu.dma_semaphore, #tpu.memory_space<semaphore_mem>>) src(%dma_wait3A_50 : memref<80x128xi32, #tpu.memory_space<hbm>>) dst(%arg8 : memref<80x128xi32, #tpu.memory_space<vmem>>)
    %dma_wait3A_51 = tpu.memref_slice %arg3[%mul3A_4] : memref<327680xi32, #tpu.memory_space<hbm>> -> memref<128xi32, #tpu.memory_space<hbm>>
    %dma_wait3A_52 = tpu.memref_slice %arg3[%mul3A_4] : memref<327680xi32, #tpu.memory_space<hbm>> -> memref<128xi32, #tpu.memory_space<hbm>>
    tpu.wait_dma2 semaphore(%arg16 : memref<!tpu.dma_semaphore, #tpu.memory_space<semaphore_mem>>) src(%dma_wait3A_52 : memref<128xi32, #tpu.memory_space<hbm>>) dst(%arg6 : memref<128xi32, #tpu.memory_space<vmem>>)
    %dma_start3A_53 = arith.constant 0 : i32
    %dma_start3A_54 = arith.constant 0 : i32
    %dma_start3A_55 = tpu.memref_slice %arg2[%dma_start3A_53, %dma_start3A_54] : memref<10000x128xf32, #tpu.memory_space<hbm>> -> memref<10000x128xf32, #tpu.memory_space<hbm>>
    tpu.enqueue_indirect_dma source(%dma_start3A_55 : memref<10000x128xf32, #tpu.memory_space<hbm>>) target(%arg9 : memref<128x128xf32, #tpu.memory_space<vmem>>) offsets(%arg6 : memref<128xi32, #tpu.memory_space<vmem>>) semaphore(%arg12 : memref<!tpu.dma_semaphore, #tpu.memory_space<semaphore_mem>>)
    %dma_wait3A_56 = tpu.memref_slice %arg3[%mul3A_4] : memref<327680xi32, #tpu.memory_space<hbm>> -> memref<128xi32, #tpu.memory_space<hbm>>
    %dma_wait3A_57 = tpu.memref_slice %arg3[%mul3A_4] : memref<327680xi32, #tpu.memory_space<hbm>> -> memref<128xi32, #tpu.memory_space<hbm>>
    tpu.wait_dma2 semaphore(%arg17 : memref<!tpu.dma_semaphore, #tpu.memory_space<semaphore_mem>>) src(%dma_wait3A_57 : memref<128xi32, #tpu.memory_space<hbm>>) dst(%arg7 : memref<128xi32, #tpu.memory_space<vmem>>)
    %dma_start3A_58 = arith.constant 0 : i32
    %dma_start3A_59 = arith.constant 0 : i32
    %dma_start3A_60 = tpu.memref_slice %arg2[%dma_start3A_58, %dma_start3A_59] : memref<10000x128xf32, #tpu.memory_space<hbm>> -> memref<10000x128xf32, #tpu.memory_space<hbm>>
    tpu.enqueue_indirect_dma source(%dma_start3A_60 : memref<10000x128xf32, #tpu.memory_space<hbm>>) target(%arg10 : memref<128x128xf32, #tpu.memory_space<vmem>>) offsets(%arg7 : memref<128xi32, #tpu.memory_space<vmem>>) semaphore(%arg13 : memref<!tpu.dma_semaphore, #tpu.memory_space<semaphore_mem>>)
    %scan3A_61 = arith.constant 0 : i32
    %scan3A_62 = arith.constant 0 : i32
    %scan3A_63 = arith.constant 40 : i32
    %scan3A_64 = arith.addi %scan3A_62, %scan3A_63 : i32
    %scan3A_65 = arith.constant 1 : i32
    scf.for %scan3A_89 = %scan3A_62 to %scan3A_64 step %scan3A_65  : i32 {
      %mul3A_90 = arith.constant 2 : i32
      %mul3A_91 = arith.muli %scan3A_89, %mul3A_90 : i32
      %add3A_92 = arith.constant 0 : i32
      %add3A_93 = arith.addi %mul3A_91, %add3A_92 : i32
      %dma_wait3A_94 = arith.constant 0 : i32
      %dma_wait3A_95 = arith.constant 0 : i32
      %dma_wait3A_96 = tpu.memref_slice %arg2[%dma_wait3A_94, %dma_wait3A_95] : memref<10000x128xf32, #tpu.memory_space<hbm>> -> memref<10000x128xf32, #tpu.memory_space<hbm>>
      tpu.wait_indirect_dma semaphore(%arg12 : memref<!tpu.dma_semaphore, #tpu.memory_space<semaphore_mem>>) src(%dma_wait3A_96 : memref<10000x128xf32, #tpu.memory_space<hbm>>) dst(%arg9 : memref<128x128xf32, #tpu.memory_space<vmem>>)
      %dma_start3A_97 = arith.constant 0 : i32
      %dma_start3A_98 = tpu.memref_slice %arg8[%add3A_93, %dma_start3A_97] : memref<80x128xi32, #tpu.memory_space<vmem>> -> memref<1x128xi32, #tpu.memory_space<vmem>>
      %dma_start3A_99 = tpu.memref_squeeze %dma_start3A_98 : memref<1x128xi32, #tpu.memory_space<vmem>> -> memref<128xi32, #tpu.memory_space<vmem>>
      %dma_start3A_100 = arith.constant 0 : i32
      %dma_start3A_101 = arith.constant 0 : i32
      %dma_start3A_102 = tpu.memref_slice %arg11[%dma_start3A_100, %dma_start3A_101] : memref<10240x128xf32, #tpu.memory_space<vmem_shared>> -> memref<10240x128xf32, #tpu.memory_space<vmem_shared>>
      tpu.enqueue_indirect_dma source(%arg9 : memref<128x128xf32, #tpu.memory_space<vmem>>) target(%dma_start3A_102 : memref<10240x128xf32, #tpu.memory_space<vmem_shared>>) offsets(%dma_start3A_99 : memref<128xi32, #tpu.memory_space<vmem>>) semaphore(%arg14 : memref<!tpu.dma_semaphore, #tpu.memory_space<semaphore_mem>>) {add = true}
      %add3A_103 = arith.constant 2 : i32
      %add3A_104 = arith.addi %add3A_93, %add3A_103 : i32
      %lt3A = arith.constant 80 : i32
      %lt3A_105 = arith.cmpi slt, %add3A_104, %lt3A : i32
      %convert_element_type3A = arith.extui %lt3A_105 : i1 to i32
      %cond3A = arith.constant 0 : i32
      %cond3A_106 = arith.cmpi ne, %convert_element_type3A, %cond3A : i32
      scf.if %cond3A_106 {
        %add3A_143 = arith.constant 2 : i32
        %add3A_144 = arith.addi %add3A_93, %add3A_143 : i32
        %mul3A_145 = arith.constant 128 : i32
        %mul3A_146 = arith.muli %add3A_144, %mul3A_145 : i32
        %add3A_147 = arith.addi %mul3A_4, %mul3A_146 : i32
        %dma_start3A_148 = tpu.memref_slice %arg3[%add3A_147] : memref<327680xi32, #tpu.memory_space<hbm>> -> memref<128xi32, #tpu.memory_space<hbm>>
        %dma_start3A_149 = tpu.memref_slice %arg3[%add3A_147] : memref<327680xi32, #tpu.memory_space<hbm>> -> memref<128xi32, #tpu.memory_space<hbm>>
        tpu.enqueue_dma source(%dma_start3A_149 : memref<128xi32, #tpu.memory_space<hbm>>) target(%arg6 : memref<128xi32, #tpu.memory_space<vmem>>) target_semaphore(%arg16 : memref<!tpu.dma_semaphore, #tpu.memory_space<semaphore_mem>>)
      } else {
      }
      %add3A_107 = arith.constant 1 : i32
      %add3A_108 = arith.addi %mul3A_91, %add3A_107 : i32
      %dma_wait3A_109 = arith.constant 0 : i32
      %dma_wait3A_110 = arith.constant 0 : i32
      %dma_wait3A_111 = tpu.memref_slice %arg2[%dma_wait3A_109, %dma_wait3A_110] : memref<10000x128xf32, #tpu.memory_space<hbm>> -> memref<10000x128xf32, #tpu.memory_space<hbm>>
      tpu.wait_indirect_dma semaphore(%arg13 : memref<!tpu.dma_semaphore, #tpu.memory_space<semaphore_mem>>) src(%dma_wait3A_111 : memref<10000x128xf32, #tpu.memory_space<hbm>>) dst(%arg10 : memref<128x128xf32, #tpu.memory_space<vmem>>)
      %dma_start3A_112 = arith.constant 0 : i32
      %dma_start3A_113 = tpu.memref_slice %arg8[%add3A_108, %dma_start3A_112] : memref<80x128xi32, #tpu.memory_space<vmem>> -> memref<1x128xi32, #tpu.memory_space<vmem>>
      %dma_start3A_114 = tpu.memref_squeeze %dma_start3A_113 : memref<1x128xi32, #tpu.memory_space<vmem>> -> memref<128xi32, #tpu.memory_space<vmem>>
      %dma_start3A_115 = arith.constant 0 : i32
      %dma_start3A_116 = arith.constant 0 : i32
      %dma_start3A_117 = tpu.memref_slice %arg11[%dma_start3A_115, %dma_start3A_116] : memref<10240x128xf32, #tpu.memory_space<vmem_shared>> -> memref<10240x128xf32, #tpu.memory_space<vmem_shared>>
      tpu.enqueue_indirect_dma source(%arg10 : memref<128x128xf32, #tpu.memory_space<vmem>>) target(%dma_start3A_117 : memref<10240x128xf32, #tpu.memory_space<vmem_shared>>) offsets(%dma_start3A_114 : memref<128xi32, #tpu.memory_space<vmem>>) semaphore(%arg15 : memref<!tpu.dma_semaphore, #tpu.memory_space<semaphore_mem>>) {add = true}
      %add3A_118 = arith.constant 2 : i32
      %add3A_119 = arith.addi %add3A_108, %add3A_118 : i32
      %lt3A_120 = arith.constant 80 : i32
      %lt3A_121 = arith.cmpi slt, %add3A_119, %lt3A_120 : i32
      %convert_element_type3A_122 = arith.extui %lt3A_121 : i1 to i32
      %cond3A_123 = arith.constant 0 : i32
      %cond3A_124 = arith.cmpi ne, %convert_element_type3A_122, %cond3A_123 : i32
      scf.if %cond3A_124 {
        %add3A_143 = arith.constant 2 : i32
        %add3A_144 = arith.addi %add3A_108, %add3A_143 : i32
        %mul3A_145 = arith.constant 128 : i32
        %mul3A_146 = arith.muli %add3A_144, %mul3A_145 : i32
        %add3A_147 = arith.addi %mul3A_4, %mul3A_146 : i32
        %dma_start3A_148 = tpu.memref_slice %arg3[%add3A_147] : memref<327680xi32, #tpu.memory_space<hbm>> -> memref<128xi32, #tpu.memory_space<hbm>>
        %dma_start3A_149 = tpu.memref_slice %arg3[%add3A_147] : memref<327680xi32, #tpu.memory_space<hbm>> -> memref<128xi32, #tpu.memory_space<hbm>>
        tpu.enqueue_dma source(%dma_start3A_149 : memref<128xi32, #tpu.memory_space<hbm>>) target(%arg7 : memref<128xi32, #tpu.memory_space<vmem>>) target_semaphore(%arg17 : memref<!tpu.dma_semaphore, #tpu.memory_space<semaphore_mem>>)
      } else {
      }
      %add3A_125 = arith.constant 0 : i32
      %add3A_126 = arith.addi %mul3A_91, %add3A_125 : i32
      %add3A_127 = arith.constant 2 : i32
      %add3A_128 = arith.addi %add3A_126, %add3A_127 : i32
      %lt3A_129 = arith.constant 80 : i32
      %lt3A_130 = arith.cmpi slt, %add3A_128, %lt3A_129 : i32
      %convert_element_type3A_131 = arith.extui %lt3A_130 : i1 to i32
      %cond3A_132 = arith.constant 0 : i32
      %cond3A_133 = arith.cmpi ne, %convert_element_type3A_131, %cond3A_132 : i32
      scf.if %cond3A_133 {
        %dma_wait3A_143 = arith.constant 0 : i32
        %dma_wait3A_144 = tpu.memref_slice %arg8[%add3A_126, %dma_wait3A_143] : memref<80x128xi32, #tpu.memory_space<vmem>> -> memref<1x128xi32, #tpu.memory_space<vmem>>
        %dma_wait3A_145 = tpu.memref_squeeze %dma_wait3A_144 : memref<1x128xi32, #tpu.memory_space<vmem>> -> memref<128xi32, #tpu.memory_space<vmem>>
        %dma_wait3A_146 = arith.constant 0 : i32
        %dma_wait3A_147 = arith.constant 0 : i32
        %dma_wait3A_148 = tpu.memref_slice %arg11[%dma_wait3A_146, %dma_wait3A_147] : memref<10240x128xf32, #tpu.memory_space<vmem_shared>> -> memref<10240x128xf32, #tpu.memory_space<vmem_shared>>
        tpu.wait_indirect_dma semaphore(%arg14 : memref<!tpu.dma_semaphore, #tpu.memory_space<semaphore_mem>>) src(%arg9 : memref<128x128xf32, #tpu.memory_space<vmem>>) dst(%dma_wait3A_148 : memref<10240x128xf32, #tpu.memory_space<vmem_shared>>)
        %dma_wait3A_149 = tpu.memref_slice %arg3[%mul3A_4] : memref<327680xi32, #tpu.memory_space<hbm>> -> memref<128xi32, #tpu.memory_space<hbm>>
        %dma_wait3A_150 = tpu.memref_slice %arg3[%mul3A_4] : memref<327680xi32, #tpu.memory_space<hbm>> -> memref<128xi32, #tpu.memory_space<hbm>>
        tpu.wait_dma2 semaphore(%arg16 : memref<!tpu.dma_semaphore, #tpu.memory_space<semaphore_mem>>) src(%dma_wait3A_150 : memref<128xi32, #tpu.memory_space<hbm>>) dst(%arg6 : memref<128xi32, #tpu.memory_space<vmem>>)
        %dma_start3A_151 = arith.constant 0 : i32
        %dma_start3A_152 = arith.constant 0 : i32
        %dma_start3A_153 = tpu.memref_slice %arg2[%dma_start3A_151, %dma_start3A_152] : memref<10000x128xf32, #tpu.memory_space<hbm>> -> memref<10000x128xf32, #tpu.memory_space<hbm>>
        tpu.enqueue_indirect_dma source(%dma_start3A_153 : memref<10000x128xf32, #tpu.memory_space<hbm>>) target(%arg9 : memref<128x128xf32, #tpu.memory_space<vmem>>) offsets(%arg6 : memref<128xi32, #tpu.memory_space<vmem>>) semaphore(%arg12 : memref<!tpu.dma_semaphore, #tpu.memory_space<semaphore_mem>>)
      } else {
      }
      %add3A_134 = arith.constant 1 : i32
      %add3A_135 = arith.addi %mul3A_91, %add3A_134 : i32
      %add3A_136 = arith.constant 2 : i32
      %add3A_137 = arith.addi %add3A_135, %add3A_136 : i32
      %lt3A_138 = arith.constant 80 : i32
      %lt3A_139 = arith.cmpi slt, %add3A_137, %lt3A_138 : i32
      %convert_element_type3A_140 = arith.extui %lt3A_139 : i1 to i32
      %cond3A_141 = arith.constant 0 : i32
      %cond3A_142 = arith.cmpi ne, %convert_element_type3A_140, %cond3A_141 : i32
      scf.if %cond3A_142 {
        %dma_wait3A_143 = arith.constant 0 : i32
        %dma_wait3A_144 = tpu.memref_slice %arg8[%add3A_135, %dma_wait3A_143] : memref<80x128xi32, #tpu.memory_space<vmem>> -> memref<1x128xi32, #tpu.memory_space<vmem>>
        %dma_wait3A_145 = tpu.memref_squeeze %dma_wait3A_144 : memref<1x128xi32, #tpu.memory_space<vmem>> -> memref<128xi32, #tpu.memory_space<vmem>>
        %dma_wait3A_146 = arith.constant 0 : i32
        %dma_wait3A_147 = arith.constant 0 : i32
        %dma_wait3A_148 = tpu.memref_slice %arg11[%dma_wait3A_146, %dma_wait3A_147] : memref<10240x128xf32, #tpu.memory_space<vmem_shared>> -> memref<10240x128xf32, #tpu.memory_space<vmem_shared>>
        tpu.wait_indirect_dma semaphore(%arg15 : memref<!tpu.dma_semaphore, #tpu.memory_space<semaphore_mem>>) src(%arg10 : memref<128x128xf32, #tpu.memory_space<vmem>>) dst(%dma_wait3A_148 : memref<10240x128xf32, #tpu.memory_space<vmem_shared>>)
        %dma_wait3A_149 = tpu.memref_slice %arg3[%mul3A_4] : memref<327680xi32, #tpu.memory_space<hbm>> -> memref<128xi32, #tpu.memory_space<hbm>>
        %dma_wait3A_150 = tpu.memref_slice %arg3[%mul3A_4] : memref<327680xi32, #tpu.memory_space<hbm>> -> memref<128xi32, #tpu.memory_space<hbm>>
        tpu.wait_dma2 semaphore(%arg17 : memref<!tpu.dma_semaphore, #tpu.memory_space<semaphore_mem>>) src(%dma_wait3A_150 : memref<128xi32, #tpu.memory_space<hbm>>) dst(%arg7 : memref<128xi32, #tpu.memory_space<vmem>>)
        %dma_start3A_151 = arith.constant 0 : i32
        %dma_start3A_152 = arith.constant 0 : i32
        %dma_start3A_153 = tpu.memref_slice %arg2[%dma_start3A_151, %dma_start3A_152] : memref<10000x128xf32, #tpu.memory_space<hbm>> -> memref<10000x128xf32, #tpu.memory_space<hbm>>
        tpu.enqueue_indirect_dma source(%dma_start3A_153 : memref<10000x128xf32, #tpu.memory_space<hbm>>) target(%arg10 : memref<128x128xf32, #tpu.memory_space<vmem>>) offsets(%arg7 : memref<128xi32, #tpu.memory_space<vmem>>) semaphore(%arg13 : memref<!tpu.dma_semaphore, #tpu.memory_space<semaphore_mem>>)
      } else {
      }
    }
    %scan3A_66 = arith.constant 40 : i32
    %dma_wait3A_67 = arith.constant 78 : i32
    %dma_wait3A_68 = arith.constant 0 : i32
    %dma_wait3A_69 = tpu.memref_slice %arg8[%dma_wait3A_67, %dma_wait3A_68] : memref<80x128xi32, #tpu.memory_space<vmem>> -> memref<1x128xi32, #tpu.memory_space<vmem>>
    %dma_wait3A_70 = tpu.memref_squeeze %dma_wait3A_69 : memref<1x128xi32, #tpu.memory_space<vmem>> -> memref<128xi32, #tpu.memory_space<vmem>>
    %dma_wait3A_71 = arith.constant 0 : i32
    %dma_wait3A_72 = arith.constant 0 : i32
    %dma_wait3A_73 = tpu.memref_slice %arg11[%dma_wait3A_71, %dma_wait3A_72] : memref<10240x128xf32, #tpu.memory_space<vmem_shared>> -> memref<10240x128xf32, #tpu.memory_space<vmem_shared>>
    tpu.wait_indirect_dma semaphore(%arg14 : memref<!tpu.dma_semaphore, #tpu.memory_space<semaphore_mem>>) src(%arg9 : memref<128x128xf32, #tpu.memory_space<vmem>>) dst(%dma_wait3A_73 : memref<10240x128xf32, #tpu.memory_space<vmem_shared>>)
    %dma_wait3A_74 = arith.constant 79 : i32
    %dma_wait3A_75 = arith.constant 0 : i32
    %dma_wait3A_76 = tpu.memref_slice %arg8[%dma_wait3A_74, %dma_wait3A_75] : memref<80x128xi32, #tpu.memory_space<vmem>> -> memref<1x128xi32, #tpu.memory_space<vmem>>
    %dma_wait3A_77 = tpu.memref_squeeze %dma_wait3A_76 : memref<1x128xi32, #tpu.memory_space<vmem>> -> memref<128xi32, #tpu.memory_space<vmem>>
    %dma_wait3A_78 = arith.constant 0 : i32
    %dma_wait3A_79 = arith.constant 0 : i32
    %dma_wait3A_80 = tpu.memref_slice %arg11[%dma_wait3A_78, %dma_wait3A_79] : memref<10240x128xf32, #tpu.memory_space<vmem_shared>> -> memref<10240x128xf32, #tpu.memory_space<vmem_shared>>
    tpu.wait_indirect_dma semaphore(%arg15 : memref<!tpu.dma_semaphore, #tpu.memory_space<semaphore_mem>>) src(%arg10 : memref<128x128xf32, #tpu.memory_space<vmem>>) dst(%dma_wait3A_80 : memref<10240x128xf32, #tpu.memory_space<vmem_shared>>)
    %barrier3A_81 = arith.constant 0 : index
    tpu.barrier barrier_id(%barrier3A_81)
    %mul3A_82 = arith.constant 640 : i32
    %mul3A_83 = arith.muli %arg1, %mul3A_82 : i32
    %mul3A_84 = arith.constant 10240 : i32
    %mul3A_85 = arith.muli %arg0, %mul3A_84 : i32
    %mul3A_86 = arith.constant 640 : i32
    %mul3A_87 = arith.muli %arg1, %mul3A_86 : i32
    %add3A_88 = arith.addi %mul3A_85, %mul3A_87 : i32
    "tpu.region"() ({
      %run_scoped3A = tpu.sem_alloc : memref<!tpu.dma_semaphore, #tpu.memory_space<semaphore_mem>>
      %dma_start3A_89 = arith.constant 0 : i32
      %dma_start3A_90 = tpu.memref_slice %arg5[%add3A_88, %dma_start3A_89] : memref<20480x128xf32, #tpu.memory_space<hbm>> -> memref<640x128xf32, #tpu.memory_space<hbm>>
      %dma_start3A_91 = arith.constant 0 : i32
      %dma_start3A_92 = tpu.memref_slice %arg11[%mul3A_83, %dma_start3A_91] : memref<10240x128xf32, #tpu.memory_space<vmem_shared>> -> memref<640x128xf32, #tpu.memory_space<vmem_shared>>
      tpu.enqueue_dma source(%dma_start3A_92 : memref<640x128xf32, #tpu.memory_space<vmem_shared>>) target(%dma_start3A_90 : memref<640x128xf32, #tpu.memory_space<hbm>>) target_semaphore(%run_scoped3A : memref<!tpu.dma_semaphore, #tpu.memory_space<semaphore_mem>>)
      %dma_wait3A_93 = arith.constant 0 : i32
      %dma_wait3A_94 = tpu.memref_slice %arg5[%add3A_88, %dma_wait3A_93] : memref<20480x128xf32, #tpu.memory_space<hbm>> -> memref<640x128xf32, #tpu.memory_space<hbm>>
      %dma_wait3A_95 = arith.constant 0 : i32
      %dma_wait3A_96 = tpu.memref_slice %arg11[%mul3A_83, %dma_wait3A_95] : memref<10240x128xf32, #tpu.memory_space<vmem_shared>> -> memref<640x128xf32, #tpu.memory_space<vmem_shared>>
      tpu.wait_dma2 semaphore(%run_scoped3A : memref<!tpu.dma_semaphore, #tpu.memory_space<semaphore_mem>>) src(%dma_wait3A_96 : memref<640x128xf32, #tpu.memory_space<vmem_shared>>) dst(%dma_wait3A_94 : memref<640x128xf32, #tpu.memory_space<hbm>>)
      tpu.yield
    }) : () -> ()
    return
  }
}

module attributes {stable_mosaic.version = 14 : i64} {
  func.func @_embed_body(%arg0: memref<10000x1xi32, #tpu.memory_space<vmem>>, %arg1: memref<2x128xf32, #tpu.memory_space<vmem>>, %arg2: memref<10000x128xf32, #tpu.memory_space<vmem>>) attributes {dimension_semantics = [], scalar_prefetch = 0 : i64, scratch_operands = 0 : i64, tpu.core_type = #tpu.core_type<tc>} {
    %get3A = arith.constant 0 : index
    %get3A_0 = arith.constant 0 : index
    %get3A_1 = vector.load %arg0[%get3A, %get3A_0] : memref<10000x1xi32, #tpu.memory_space<vmem>>, vector<10000x1xi32>
    %get3A_2 = arith.constant 0 : index
    %get3A_3 = arith.constant 0 : index
    %get3A_4 = vector.load %arg1[%get3A_2, %get3A_3] : memref<2x128xf32, #tpu.memory_space<vmem>>, vector<1x128xf32>
    %get3A_5 = arith.constant 1 : index
    %get3A_6 = arith.constant 0 : index
    %get3A_7 = vector.load %arg1[%get3A_5, %get3A_6] : memref<2x128xf32, #tpu.memory_space<vmem>>, vector<1x128xf32>
    %eq3A = arith.constant 0 : i32
    %eq3A_8 = vector.broadcast %eq3A : i32 to vector<10000x1xi32>
    %eq3A_9 = arith.cmpi eq, %get3A_1, %eq3A_8 : vector<10000x1xi32>
    %broadcast_in_dim3A = vector.shape_cast %eq3A_9 : vector<10000x1xi1> to vector<10000x1xi1>
    %broadcast_in_dim3A_10 = vector.broadcast %broadcast_in_dim3A : vector<10000x1xi1> to vector<10000x128xi1>
    %broadcast_in_dim3A_11 = vector.shape_cast %get3A_4 : vector<1x128xf32> to vector<1x128xf32>
    %broadcast_in_dim3A_12 = vector.broadcast %broadcast_in_dim3A_11 : vector<1x128xf32> to vector<10000x128xf32>
    %broadcast_in_dim3A_13 = vector.shape_cast %get3A_7 : vector<1x128xf32> to vector<1x128xf32>
    %broadcast_in_dim3A_14 = vector.broadcast %broadcast_in_dim3A_13 : vector<1x128xf32> to vector<10000x128xf32>
    %select_n3A = arith.select %broadcast_in_dim3A_10, %broadcast_in_dim3A_12, %broadcast_in_dim3A_14 : vector<10000x128xi1>, vector<10000x128xf32>
    %swap3A = arith.constant 0 : index
    %swap3A_15 = arith.constant 0 : index
    %swap3A_16 = vector.load %arg2[%swap3A, %swap3A_15] : memref<10000x128xf32, #tpu.memory_space<vmem>>, vector<10000x128xf32>
    tpu.vector_store %arg2[%swap3A, %swap3A_15], %select_n3A {strides = array<i32>} : memref<10000x128xf32, #tpu.memory_space<vmem>>, vector<10000x128xf32>,
    return
  }
}

module attributes {stable_mosaic.version = 14 : i64} {
  func.func @_layer_body(%arg0: memref<10000x128xf32, #tpu.memory_space<vmem>>, %arg1: memref<20480x128xf32, #tpu.memory_space<vmem>>, %arg2: memref<128x128xf32, #tpu.memory_space<vmem>>, %arg3: memref<1x128xf32, #tpu.memory_space<vmem>>, %arg4: memref<1x128xf32, #tpu.memory_space<vmem>>, %arg5: memref<128x128xf32, #tpu.memory_space<vmem>>, %arg6: memref<1x128xf32, #tpu.memory_space<vmem>>, %arg7: memref<1x128xf32, #tpu.memory_space<vmem>>, %arg8: memref<10000x128xf32, #tpu.memory_space<vmem>>) attributes {dimension_semantics = [], scalar_prefetch = 0 : i64, scratch_operands = 0 : i64, tpu.core_type = #tpu.core_type<tc>} {
    %get3A = arith.constant 0 : index
    %get3A_0 = arith.constant 0 : index
    %get3A_1 = vector.load %arg0[%get3A, %get3A_0] : memref<10000x128xf32, #tpu.memory_space<vmem>>, vector<10000x128xf32>
    %get3A_2 = arith.constant 0 : index
    %get3A_3 = arith.constant 0 : index
    %get3A_4 = vector.load %arg1[%get3A_2, %get3A_3] : memref<20480x128xf32, #tpu.memory_space<vmem>>, vector<10000x128xf32>
    %add3A = arith.addf %get3A_1, %get3A_4 : vector<10000x128xf32>
    %get3A_5 = arith.constant 10240 : index
    %get3A_6 = arith.constant 0 : index
    %get3A_7 = vector.load %arg1[%get3A_5, %get3A_6] : memref<20480x128xf32, #tpu.memory_space<vmem>>, vector<10000x128xf32>
    %add3A_8 = arith.addf %add3A, %get3A_7 : vector<10000x128xf32>
    %get3A_9 = arith.constant 0 : index
    %get3A_10 = arith.constant 0 : index
    %get3A_11 = vector.load %arg2[%get3A_9, %get3A_10] : memref<128x128xf32, #tpu.memory_space<vmem>>, vector<128x128xf32>
    %dot_general3A = arith.constant dense<0.000000e+00> : vector<10000x128xf32>
    %dot_general3A_12 = tpu.matmul %add3A_8, %get3A_11, %dot_general3A {dimension_numbers = #tpu.dot_dimension_numbers<[1], [0], [0], [1], [0, 0, 1, 1], [], []>, transpose_lhs_hint = false} : vector<10000x128xf32>, vector<128x128xf32>, vector<10000x128xf32> -> vector<10000x128xf32>
    %get3A_13 = arith.constant 0 : index
    %get3A_14 = arith.constant 0 : index
    %get3A_15 = vector.load %arg3[%get3A_13, %get3A_14] : memref<1x128xf32, #tpu.memory_space<vmem>>, vector<1x128xf32>
    %get3A_16 = arith.constant 0 : index
    %get3A_17 = arith.constant 0 : index
    %get3A_18 = vector.load %arg4[%get3A_16, %get3A_17] : memref<1x128xf32, #tpu.memory_space<vmem>>, vector<1x128xf32>
    %reduce_sum3A = arith.constant dense<0.000000e+00> : vector<128xf32>
    %reduce_sum3A_19 = vector.multi_reduction <add>, %dot_general3A_12, %reduce_sum3A [0] : vector<10000x128xf32> to vector<128xf32>
    %broadcast_in_dim3A = vector.shape_cast %reduce_sum3A_19 : vector<128xf32> to vector<1x128xf32>
    %div3A = arith.constant 1.000000e+04 : f32
    %div3A_20 = vector.broadcast %div3A : f32 to vector<1x128xf32>
    %div3A_21 = arith.divf %broadcast_in_dim3A, %div3A_20 : vector<1x128xf32>
    %sub3A = vector.broadcast %div3A_21 : vector<1x128xf32> to vector<10000x128xf32>
    %sub3A_22 = arith.subf %dot_general3A_12, %sub3A : vector<10000x128xf32>
    %integer_pow3A = arith.mulf %sub3A_22, %sub3A_22 : vector<10000x128xf32>
    %reduce_sum3A_23 = arith.constant dense<0.000000e+00> : vector<128xf32>
    %reduce_sum3A_24 = vector.multi_reduction <add>, %integer_pow3A, %reduce_sum3A_23 [0] : vector<10000x128xf32> to vector<128xf32>
    %broadcast_in_dim3A_25 = vector.shape_cast %reduce_sum3A_24 : vector<128xf32> to vector<1x128xf32>
    %div3A_26 = arith.constant 1.000000e+04 : f32
    %div3A_27 = vector.broadcast %div3A_26 : f32 to vector<1x128xf32>
    %div3A_28 = arith.divf %broadcast_in_dim3A_25, %div3A_27 : vector<1x128xf32>
    %sub3A_29 = vector.broadcast %div3A_21 : vector<1x128xf32> to vector<10000x128xf32>
    %sub3A_30 = arith.subf %dot_general3A_12, %sub3A_29 : vector<10000x128xf32>
    %add3A_31 = arith.constant 9.99999974E-6 : f32
    %add3A_32 = vector.broadcast %add3A_31 : f32 to vector<1x128xf32>
    %add3A_33 = arith.addf %div3A_28, %add3A_32 : vector<1x128xf32>
    %rsqrt3A = math.rsqrt %add3A_33 : vector<1x128xf32>
    %mul3A = vector.broadcast %rsqrt3A : vector<1x128xf32> to vector<10000x128xf32>
    %mul3A_34 = arith.mulf %sub3A_30, %mul3A : vector<10000x128xf32>
    %mul3A_35 = vector.broadcast %get3A_15 : vector<1x128xf32> to vector<10000x128xf32>
    %mul3A_36 = arith.mulf %mul3A_34, %mul3A_35 : vector<10000x128xf32>
    %add3A_37 = vector.broadcast %get3A_18 : vector<1x128xf32> to vector<10000x128xf32>
    %add3A_38 = arith.addf %mul3A_36, %add3A_37 : vector<10000x128xf32>
    %max3A = arith.constant 0.000000e+00 : f32
    %max3A_39 = vector.broadcast %max3A : f32 to vector<10000x128xf32>
    %max3A_40 = arith.maximumf %add3A_38, %max3A_39 : vector<10000x128xf32>
    %get3A_41 = arith.constant 0 : index
    %get3A_42 = arith.constant 0 : index
    %get3A_43 = vector.load %arg5[%get3A_41, %get3A_42] : memref<128x128xf32, #tpu.memory_space<vmem>>, vector<128x128xf32>
    %dot_general3A_44 = arith.constant dense<0.000000e+00> : vector<10000x128xf32>
    %dot_general3A_45 = tpu.matmul %max3A_40, %get3A_43, %dot_general3A_44 {dimension_numbers = #tpu.dot_dimension_numbers<[1], [0], [0], [1], [0, 0, 1, 1], [], []>, transpose_lhs_hint = false} : vector<10000x128xf32>, vector<128x128xf32>, vector<10000x128xf32> -> vector<10000x128xf32>
    %get3A_46 = arith.constant 0 : index
    %get3A_47 = arith.constant 0 : index
    %get3A_48 = vector.load %arg6[%get3A_46, %get3A_47] : memref<1x128xf32, #tpu.memory_space<vmem>>, vector<1x128xf32>
    %get3A_49 = arith.constant 0 : index
    %get3A_50 = arith.constant 0 : index
    %get3A_51 = vector.load %arg7[%get3A_49, %get3A_50] : memref<1x128xf32, #tpu.memory_space<vmem>>, vector<1x128xf32>
    %reduce_sum3A_52 = arith.constant dense<0.000000e+00> : vector<128xf32>
    %reduce_sum3A_53 = vector.multi_reduction <add>, %dot_general3A_45, %reduce_sum3A_52 [0] : vector<10000x128xf32> to vector<128xf32>
    %broadcast_in_dim3A_54 = vector.shape_cast %reduce_sum3A_53 : vector<128xf32> to vector<1x128xf32>
    %div3A_55 = arith.constant 1.000000e+04 : f32
    %div3A_56 = vector.broadcast %div3A_55 : f32 to vector<1x128xf32>
    %div3A_57 = arith.divf %broadcast_in_dim3A_54, %div3A_56 : vector<1x128xf32>
    %sub3A_58 = vector.broadcast %div3A_57 : vector<1x128xf32> to vector<10000x128xf32>
    %sub3A_59 = arith.subf %dot_general3A_45, %sub3A_58 : vector<10000x128xf32>
    %integer_pow3A_60 = arith.mulf %sub3A_59, %sub3A_59 : vector<10000x128xf32>
    %reduce_sum3A_61 = arith.constant dense<0.000000e+00> : vector<128xf32>
    %reduce_sum3A_62 = vector.multi_reduction <add>, %integer_pow3A_60, %reduce_sum3A_61 [0] : vector<10000x128xf32> to vector<128xf32>
    %broadcast_in_dim3A_63 = vector.shape_cast %reduce_sum3A_62 : vector<128xf32> to vector<1x128xf32>
    %div3A_64 = arith.constant 1.000000e+04 : f32
    %div3A_65 = vector.broadcast %div3A_64 : f32 to vector<1x128xf32>
    %div3A_66 = arith.divf %broadcast_in_dim3A_63, %div3A_65 : vector<1x128xf32>
    %sub3A_67 = vector.broadcast %div3A_57 : vector<1x128xf32> to vector<10000x128xf32>
    %sub3A_68 = arith.subf %dot_general3A_45, %sub3A_67 : vector<10000x128xf32>
    %add3A_69 = arith.constant 9.99999974E-6 : f32
    %add3A_70 = vector.broadcast %add3A_69 : f32 to vector<1x128xf32>
    %add3A_71 = arith.addf %div3A_66, %add3A_70 : vector<1x128xf32>
    %rsqrt3A_72 = math.rsqrt %add3A_71 : vector<1x128xf32>
    %mul3A_73 = vector.broadcast %rsqrt3A_72 : vector<1x128xf32> to vector<10000x128xf32>
    %mul3A_74 = arith.mulf %sub3A_68, %mul3A_73 : vector<10000x128xf32>
    %mul3A_75 = vector.broadcast %get3A_48 : vector<1x128xf32> to vector<10000x128xf32>
    %mul3A_76 = arith.mulf %mul3A_74, %mul3A_75 : vector<10000x128xf32>
    %add3A_77 = vector.broadcast %get3A_51 : vector<1x128xf32> to vector<10000x128xf32>
    %add3A_78 = arith.addf %mul3A_76, %add3A_77 : vector<10000x128xf32>
    %max3A_79 = arith.constant 0.000000e+00 : f32
    %max3A_80 = vector.broadcast %max3A_79 : f32 to vector<10000x128xf32>
    %max3A_81 = arith.maximumf %add3A_78, %max3A_80 : vector<10000x128xf32>
    %swap3A = arith.constant 0 : index
    %swap3A_82 = arith.constant 0 : index
    %swap3A_83 = vector.load %arg8[%swap3A, %swap3A_82] : memref<10000x128xf32, #tpu.memory_space<vmem>>, vector<10000x128xf32>
    tpu.vector_store %arg8[%swap3A, %swap3A_82], %max3A_81 {strides = array<i32>} : memref<10000x128xf32, #tpu.memory_space<vmem>>, vector<10000x128xf32>,
    return
  }
}

module attributes {stable_mosaic.version = 14 : i64} {
  func.func @_readout_body(%arg0: memref<10000x128xf32, #tpu.memory_space<vmem>>, %arg1: memref<10000x128xf32, #tpu.memory_space<vmem>>, %arg2: memref<10000x128xf32, #tpu.memory_space<vmem>>, %arg3: memref<10000x128xf32, #tpu.memory_space<vmem>>, %arg4: memref<10000x128xf32, #tpu.memory_space<vmem>>, %arg5: memref<640x128xf32, #tpu.memory_space<vmem>>, %arg6: memref<1x128xf32, #tpu.memory_space<vmem>>, %arg7: memref<128x1xf32, #tpu.memory_space<vmem>>, %arg8: memref<1x1xf32, #tpu.memory_space<vmem>>, %arg9: memref<10000x1xf32, #tpu.memory_space<vmem>>) attributes {dimension_semantics = [], scalar_prefetch = 0 : i64, scratch_operands = 0 : i64, tpu.core_type = #tpu.core_type<tc>} {
    %get3A = arith.constant 0 : index
    %get3A_0 = arith.constant 0 : index
    %get3A_1 = vector.load %arg0[%get3A, %get3A_0] : memref<10000x128xf32, #tpu.memory_space<vmem>>, vector<10000x128xf32>
    %get3A_2 = arith.constant 0 : index
    %get3A_3 = arith.constant 0 : index
    %get3A_4 = vector.load %arg5[%get3A_2, %get3A_3] : memref<640x128xf32, #tpu.memory_space<vmem>>, vector<128x128xf32>
    %dot_general3A = arith.constant dense<0.000000e+00> : vector<10000x128xf32>
    %dot_general3A_5 = tpu.matmul %get3A_1, %get3A_4, %dot_general3A {dimension_numbers = #tpu.dot_dimension_numbers<[1], [0], [0], [1], [0, 0, 1, 1], [], []>, transpose_lhs_hint = false} : vector<10000x128xf32>, vector<128x128xf32>, vector<10000x128xf32> -> vector<10000x128xf32>
    %get3A_6 = arith.constant 0 : index
    %get3A_7 = arith.constant 0 : index
    %get3A_8 = vector.load %arg1[%get3A_6, %get3A_7] : memref<10000x128xf32, #tpu.memory_space<vmem>>, vector<10000x128xf32>
    %get3A_9 = arith.constant 128 : index
    %get3A_10 = arith.constant 0 : index
    %get3A_11 = vector.load %arg5[%get3A_9, %get3A_10] : memref<640x128xf32, #tpu.memory_space<vmem>>, vector<128x128xf32>
    %dot_general3A_12 = arith.constant dense<0.000000e+00> : vector<10000x128xf32>
    %dot_general3A_13 = tpu.matmul %get3A_8, %get3A_11, %dot_general3A_12 {dimension_numbers = #tpu.dot_dimension_numbers<[1], [0], [0], [1], [0, 0, 1, 1], [], []>, transpose_lhs_hint = false} : vector<10000x128xf32>, vector<128x128xf32>, vector<10000x128xf32> -> vector<10000x128xf32>
    %add3A = arith.addf %dot_general3A_5, %dot_general3A_13 : vector<10000x128xf32>
    %get3A_14 = arith.constant 0 : index
    %get3A_15 = arith.constant 0 : index
    %get3A_16 = vector.load %arg2[%get3A_14, %get3A_15] : memref<10000x128xf32, #tpu.memory_space<vmem>>, vector<10000x128xf32>
    %get3A_17 = arith.constant 256 : index
    %get3A_18 = arith.constant 0 : index
    %get3A_19 = vector.load %arg5[%get3A_17, %get3A_18] : memref<640x128xf32, #tpu.memory_space<vmem>>, vector<128x128xf32>
    %dot_general3A_20 = arith.constant dense<0.000000e+00> : vector<10000x128xf32>
    %dot_general3A_21 = tpu.matmul %get3A_16, %get3A_19, %dot_general3A_20 {dimension_numbers = #tpu.dot_dimension_numbers<[1], [0], [0], [1], [0, 0, 1, 1], [], []>, transpose_lhs_hint = false} : vector<10000x128xf32>, vector<128x128xf32>, vector<10000x128xf32> -> vector<10000x128xf32>
    %add3A_22 = arith.addf %add3A, %dot_general3A_21 : vector<10000x128xf32>
    %get3A_23 = arith.constant 0 : index
    %get3A_24 = arith.constant 0 : index
    %get3A_25 = vector.load %arg3[%get3A_23, %get3A_24] : memref<10000x128xf32, #tpu.memory_space<vmem>>, vector<10000x128xf32>
    %get3A_26 = arith.constant 384 : index
    %get3A_27 = arith.constant 0 : index
    %get3A_28 = vector.load %arg5[%get3A_26, %get3A_27] : memref<640x128xf32, #tpu.memory_space<vmem>>, vector<128x128xf32>
    %dot_general3A_29 = arith.constant dense<0.000000e+00> : vector<10000x128xf32>
    %dot_general3A_30 = tpu.matmul %get3A_25, %get3A_28, %dot_general3A_29 {dimension_numbers = #tpu.dot_dimension_numbers<[1], [0], [0], [1], [0, 0, 1, 1], [], []>, transpose_lhs_hint = false} : vector<10000x128xf32>, vector<128x128xf32>, vector<10000x128xf32> -> vector<10000x128xf32>
    %add3A_31 = arith.addf %add3A_22, %dot_general3A_30 : vector<10000x128xf32>
    %get3A_32 = arith.constant 0 : index
    %get3A_33 = arith.constant 0 : index
    %get3A_34 = vector.load %arg4[%get3A_32, %get3A_33] : memref<10000x128xf32, #tpu.memory_space<vmem>>, vector<10000x128xf32>
    %get3A_35 = arith.constant 512 : index
    %get3A_36 = arith.constant 0 : index
    %get3A_37 = vector.load %arg5[%get3A_35, %get3A_36] : memref<640x128xf32, #tpu.memory_space<vmem>>, vector<128x128xf32>
    %dot_general3A_38 = arith.constant dense<0.000000e+00> : vector<10000x128xf32>
    %dot_general3A_39 = tpu.matmul %get3A_34, %get3A_37, %dot_general3A_38 {dimension_numbers = #tpu.dot_dimension_numbers<[1], [0], [0], [1], [0, 0, 1, 1], [], []>, transpose_lhs_hint = false} : vector<10000x128xf32>, vector<128x128xf32>, vector<10000x128xf32> -> vector<10000x128xf32>
    %add3A_40 = arith.addf %add3A_31, %dot_general3A_39 : vector<10000x128xf32>
    %get3A_41 = arith.constant 0 : index
    %get3A_42 = arith.constant 0 : index
    %get3A_43 = vector.load %arg6[%get3A_41, %get3A_42] : memref<1x128xf32, #tpu.memory_space<vmem>>, vector<1x128xf32>
    %add3A_44 = vector.broadcast %get3A_43 : vector<1x128xf32> to vector<10000x128xf32>
    %add3A_45 = arith.addf %add3A_40, %add3A_44 : vector<10000x128xf32>
    %max3A = arith.constant 0.000000e+00 : f32
    %max3A_46 = vector.broadcast %max3A : f32 to vector<10000x128xf32>
    %max3A_47 = arith.maximumf %add3A_45, %max3A_46 : vector<10000x128xf32>
    %get3A_48 = arith.constant 0 : index
    %get3A_49 = arith.constant 0 : index
    %get3A_50 = vector.load %arg7[%get3A_48, %get3A_49] : memref<128x1xf32, #tpu.memory_space<vmem>>, vector<128x1xf32>
    %dot_general3A_51 = arith.constant dense<0.000000e+00> : vector<10000x1xf32>
    %dot_general3A_52 = tpu.matmul %max3A_47, %get3A_50, %dot_general3A_51 {dimension_numbers = #tpu.dot_dimension_numbers<[1], [0], [0], [1], [0, 0, 1, 1], [], []>, transpose_lhs_hint = false} : vector<10000x128xf32>, vector<128x1xf32>, vector<10000x1xf32> -> vector<10000x1xf32>
    %get3A_53 = arith.constant 0 : index
    %get3A_54 = arith.constant 0 : index
    %get3A_55 = vector.load %arg8[%get3A_53, %get3A_54] : memref<1x1xf32, #tpu.memory_space<vmem>>, vector<1x1xf32>
    %add3A_56 = vector.broadcast %get3A_55 : vector<1x1xf32> to vector<10000x1xf32>
    %add3A_57 = arith.addf %dot_general3A_52, %add3A_56 : vector<10000x1xf32>
    %swap3A = arith.constant 0 : index
    %swap3A_58 = arith.constant 0 : index
    %swap3A_59 = vector.load %arg9[%swap3A, %swap3A_58] : memref<10000x1xf32, #tpu.memory_space<vmem>>, vector<10000x1xf32>
    tpu.vector_store %arg9[%swap3A, %swap3A_58], %add3A_57 {strides = array<i32>} : memref<10000x1xf32, #tpu.memory_space<vmem>>, vector<10000x1xf32>,
    return
  }
}

</mosaic_0001>

<sc_bundles>
// kernel: kernel.12.cloned.1.call-start
scs
__scs_entry_jumppad:
0x0: {  	(pc) =	sbr.rel $0x88, $3  }
0x1: {  	(tag) =	ssettag $0x0;
	lr =	simm.s32 $0x1  }
0x2: {  	[smem:$0x3F94] =	sst lr;
	_ =	strace $0xD0000000  }
0x3: {  	_ = 	snop  }
0x4: {  	_ = 	snop  }
0x5: {  	_ = 	snop  }
0x6: {  	_ = 	snop  }
0x7: {  	_ = 	snop  }
__scs_overlays_trampoline_lowered:
0x8: {  	[smem:$0x3FA3] =	sst s0  }
0x9: {  	[smem:$0x3FA4] =	sst s1  }
0xa: {  	[smem:$0x3FA5] =	sst s2  }
0xb: {  	[smem:$0x3FA6] =	sst s3  }
0xc: {  	[smem:$0x3FA7] =	sst s4  }
0xd: {  	[smem:$0x3FA8] =	sst s5  }
0xe: {  	[smem:$0x3FA9] =	sst s6  }
0xf: {  	[smem:$0x3FAA] =	sst s7  }
0x10: {  	[smem:$0x3FAB] =	sst s8  }
0x11: {  	[smem:$0x3FAC] =	sst s9;
	s0 =	simm.s32 @!p0 $0x0  }
0x12: {  	s1 =	sld [smem:$0x3F92];
	s0 =	simm.s32 @p0 $0x1  }
0x13: {  	[smem:$0x3FAD] =	sst s0;
	s0 =	simm.s32 @!p1 $0x0  }
0x14: {  	s2 =	sld [smem:$0x3F91];
	s0 =	simm.s32 @p1 $0x1  }
0x15: {  	[smem:$0x3FAE] =	sst s0;
	s0 =	simm.s32 @!p2 $0x0  }
0x16: {  	s3 =	sld [smem:$0x3FDB];
	s0 =	simm.s32 @p2 $0x1  }
0x17: {  	s4 =	simm.s32 $0x1BF5;
	[smem:$0x3FB0] =	sst s0  }
0x18: {  	s0 =	sld [smem:$0x3F93];
	_ =	swait.ge [sflag:s4], $0x0  }
0x19: {  	s7 =	sld [smem:$0x3F94]  }
0x1a: {  	s8 =	sadd.s32 $0xFFFFE003, lr  }
0x1b: {  	s9 =	sadd.s32 $0xFFFFFEF7, lr;
	s5 =	simm.s32 $0xFFFFFFFF;
	p2 =	slt.u32 s8, $0xFFFFF086  }
0x1c: {  	p1 =	slt.u32 s9, $0xF7A;
	s5 =	simm.s32 @!p2 $0x0  }
0x1d: {  	s5 =	simm.s32 @p1 $0x1;
	p0 =	seq.s32 s7, s2  }
0x1e: {  	s7 =	smul.u32 @!p0 $0xF7A, s2;
	p2 =	seq.s32 @!p0 s5, $0x0  }
0x1f: {  	s9 =	smul.u32 $0xF7A, s1;
	s8 =	simm.s32 @!p0 $0x1BF5;
	p2 =	por !p2, p0  }
0x20: {  	[sflag:s8] =	ssyncset.s32 @!p0 $0xFFFFF086;
	s6 =	sadd.s32 @!p0 s3, s7;
	s7 =	simm.s32 @!p0 $0x108  }
0x21: {  	s3 =	sadd.s32 s3, s9;
	s6 =	sadd.s32 @!p0 $0x88, s6;
	s7 =	simm.s32 @p2 $0x1082  }
0x22: {  	[simem:s7], [sflag:s8] =	dma.local @!p0 [hbm:s6], $0xF7A  }
0x23: {  	s9 =	sor.u32 $0xD0000000, s2;
	s6 =	simm.s32 $0x108;
	_ =	swait.ge @!p0 [sflag:s8], $0x0  }
0x24: {  	s3 =	sadd.s32 $0x88, s3;
	s6 =	simm.s32 @!p1 $0x1082;
	[sflag:s4] =	ssyncset.s32 $0xFFFFF086  }
0x25: {  	[simem:s6], [sflag:s4] =	dma.local [hbm:s3], $0xF7A  }
0x26: {  	[smem:$0x3F94] =	sst s1;
	(tag) =	ssettag s2;
	_ =	strace s9  }
0x27: {  	s1 =	sld [smem:$0x3FA4]  }
0x28: {  	s2 =	sld [smem:$0x3FA5]  }
0x29: {  	s4 =	sld [smem:$0x3FA7]  }
0x2a: {  	p0 =	seq.s32 s5, $0x0;
	s5 =	sld [smem:$0x3FA8]  }
0x2b: {  	s6 =	sld [smem:$0x3FA9]  }
0x2c: {  	s7 =	sld [smem:$0x3FAA]  }
0x2d: {  	s3 =	simm.s32 $0x108;
	s8 =	sld [smem:$0x3FAB]  }
0x2e: {  	s3 =	simm.s32 @!p0 $0x1082;
	s9 =	sld [smem:$0x3FAC]  }
0x2f: {  	lr =	sadd.s32 s0, s3;
	s0 =	sld [smem:$0x3FA3]  }
0x30: {  	s3 =	sld [smem:$0x3FA6]  }
0x31: {  	[smem:$0x3FAF] =	sst s10  }
0x32: {  	s10 =	sld [smem:$0x3FAD];
	_ =	sdelay $0x3  }
0x33: {  	p0 =	seq.s32 s10, $0x1;
	s10 =	sld [smem:$0x3FAF];
	_ =	sdelay $0x3  }
0x34: {  	[smem:$0x3FAF] =	sst s10  }
0x35: {  	s10 =	sld [smem:$0x3FAE];
	_ =	sdelay $0x3  }
0x36: {  	p1 =	seq.s32 s10, $0x1;
	s10 =	sld [smem:$0x3FAF];
	_ =	sdelay $0x3  }
0x37: {  	[smem:$0x3FAF] =	sst s10  }
0x38: {  	s10 =	sld [smem:$0x3FB0]  }
0x39: {  	_ = 	snop;
	(pc) =	sbr.ind lr, $3  }
0x3a: {  	_ = 	snop  }
0x3b: {  	_ = 	snop  }
0x3c: {  	p2 =	seq.s32 s10, $0x1;
	s10 =	sld [smem:$0x3FAF]  }
0x3d: {  	_ =	shalt  }
0x3e: {  	_ =	shalt  }
0x3f: {  	_ =	shalt  }
0x40: {  	_ =	shalt  }
0x41: {  	_ =	shalt  }
0x42: {  	_ =	shalt  }
0x43: {  	_ =	shalt  }
0x44: {  	_ =	shalt  }
0x45: {  	_ =	shalt  }
0x46: {  	_ =	shalt  }
0x47: {  	_ =	shalt  }
0x48: {  	_ =	shalt  }
0x49: {  	_ =	shalt  }
0x4a: {  	_ =	shalt  }
0x4b: {  	_ =	shalt  }
0x4c: {  	_ =	shalt  }
0x4d: {  	_ =	shalt  }
0x4e: {  	_ =	shalt  }
0x4f: {  	_ =	shalt  }
0x50: {  	_ =	shalt  }
0x51: {  	_ =	shalt  }
0x52: {  	_ =	shalt  }
0x53: {  	_ =	shalt  }
0x54: {  	_ =	shalt  }
0x55: {  	_ =	shalt  }
0x56: {  	_ =	shalt  }
0x57: {  	_ =	shalt  }
0x58: {  	_ =	shalt  }
0x59: {  	_ =	shalt  }
0x5a: {  	_ =	shalt  }
0x5b: {  	_ =	shalt  }
0x5c: {  	_ =	shalt  }
0x5d: {  	_ =	shalt  }
0x5e: {  	_ =	shalt  }
0x5f: {  	_ =	shalt  }
0x60: {  	_ =	shalt  }
0x61: {  	_ =	shalt  }
0x62: {  	_ =	shalt  }
0x63: {  	_ =	shalt  }
0x64: {  	_ =	shalt  }
0x65: {  	_ =	shalt  }
0x66: {  	_ =	shalt  }
0x67: {  	_ =	shalt  }
0x68: {  	_ =	shalt  }
0x69: {  	_ =	shalt  }
0x6a: {  	_ =	shalt  }
0x6b: {  	_ =	shalt  }
0x6c: {  	_ =	shalt  }
0x6d: {  	_ =	shalt  }
0x6e: {  	_ =	shalt  }
0x6f: {  	_ =	shalt  }
0x70: {  	_ =	shalt  }
0x71: {  	_ =	shalt  }
0x72: {  	_ =	shalt  }
0x73: {  	_ =	shalt  }
0x74: {  	_ =	shalt  }
0x75: {  	_ =	shalt  }
0x76: {  	_ =	shalt  }
0x77: {  	_ =	shalt  }
0x78: {  	_ =	shalt  }
0x79: {  	_ =	shalt  }
0x7a: {  	_ =	shalt  }
0x7b: {  	_ =	shalt  }
0x7c: {  	_ =	shalt  }
0x7d: {  	_ =	shalt  }
0x7e: {  	_ =	shalt  }
0x7f: {  	_ =	shalt  }
0x80: {  	_ =	shalt  }
0x81: {  	_ =	shalt  }
0x82: {  	_ =	shalt  }
0x83: {  	_ =	shalt  }
0x84: {  	_ =	shalt  }
0x85: {  	_ =	shalt  }
0x86: {  	_ =	shalt  }
0x87: {  	_ =	shalt  }
.Lfunc_end0:
.L_simem_size_0:
called_computation_lowered:
.L_overlay_start_0:
0x88: {  	s2 =	sld [smem:$0x3FD9]  }
0x89: {  	s3 =	sld [smem:$0x3FFE];
	_ =	sdelay $0x1  }
0x8a: {  	s1 =	srdreg.scid  }
0x8b: {  	s0 =	sand.u32 $0x1, s1  }
0x8c: {  	s16 =	sshll.u32 s0, $0xA;
	s2 =	sadd.s32 s3, s2  }
0x8d: {  	s2 =	sadd.s32 s2, s16  }
0x8e: {  	[smem:$0x3FBB] =	sst s2  }
0x8f: {  	_ = 	snop  }
0x90: {  	(tm) =	ssettm $0x1  }
0x91: {  	s17 =	sld [smem:$0x3FFB];
	_ =	sdelay $0x3  }
0x92: {  	_ =	strace s17  }
0x93: {  	s2 =	sld [smem:$0x3FFC];
	_ =	sdelay $0x3  }
0x94: {  	_ =	strace s2  }
0x95: {  	s2 =	sld [smem:$0x3FFD];
	_ =	sdelay $0x3  }
0x96: {  	_ =	strace s2  }
0x97: {  	_ =	strace $0x8FFFFFFF  }
0x98: {  	s18 =	sld [smem:$0x3FDB];
	_ =	sdelay $0x1  }
0x99: {  	s19 =	simm.s32 $_scs_section_size  }
0x9a: {  	s4 =	simm.s32 $_size__tile_overlayer_lowered;
	s5 =	simm.s32 $_tile_overlayer_lowered  }
0x9b: {  	s22 =	simm.s32 $0x1BFF;
	s21 =	sshll.u32 s5, $0x1;
	s2 =	sadd.s32 s19, s18  }
0x9c: {  	s6 =	simm.s32 $0x0;
	s20 =	sshll.u32 s4, $0x1;
	s4 =	sadd.s32 s21, s2  }
0x9d: {  	[timem:s6], [sflag:s22] =	dma.local [hbm:s4], s20  }
0x9e: {  	_ =	swait.ge [sflag:s22], s20  }
0x9f: {  	s3 =	ssub.s32 $0x0, s20;
	[sflag:s22] =	ssyncset.done $0x0  }
0xa0: {  	[sflag:s22] =	ssyncadd.s32 s3;
	_ =	sdelay $0x1  }
0xa1: {  	s23 =	simm.s32 $0x1B8B  }
0xa2: {  	_ =	swait.ge [sflag:s23], $0x1  }
0xa3: {  	[sflag:s23] =	ssyncset.done $0x0  }
0xa4: {  	s25 =	simm.s32 $0x1B8E;
	s24 =	sld [smem:$0x3FFE];
	[sflag:s23] =	ssyncadd.s32 $0xFFFFFFFF  }
0xa5: {  	s26 =	simm.s32 $execute0_lowered;
	[smem:$0x3FD2] =	sst s25  }
0xa6: {  	s4 =	sshll.u32 s26, $0x1;
	_ =	strace $0x80000046;
	[dreg:$0x1] =	wrdreg $0xFFFFFFFF  }
0xa7: {  	s28 =	simm.s32 $_size_execute0_lowered;
	s2 =	sadd.s32 s2, s4;
	[dreg:$0x0] =	wrdreg $0x0  }
0xa8: {  	s4 =	sshll.u32 s28, $0x1;
	[dreg:$0x2] =	wrdreg s2  }
0xa9: {  	[dreg:$0x3] =	wrdreg s4  }
0xaa: {  	[dreg:$0x4] =	wrdreg $0xC0  }
0xab: {  	_ =	task [dreg:s6], $0x5FFFF  }
0xac: {  	[dreg:$0x1] =	wrdreg $0xFFFFFFFF  }
0xad: {  	[dreg:$0x0] =	wrdreg $0x60  }
0xae: {  	[dreg:$0x2] =	wrdreg s24  }
0xaf: {  	[dreg:$0x3] =	wrdreg $0xA9000  }
0xb0: {  	[dreg:$0x4] =	wrdreg $0x9  }
0xb1: {  	_ =	task.clear_ibuf [dreg:s6], $0x5FFFF;
	_ =	strace $0x90000046  }
0xb2: {  	s29 =	simm.s32 $0x9;
	_ =	strace $0x80000048  }
0xb3: {  	_ =	swait.ge [sflag:s29], $0x1  }
0xb4: {  	[sflag:s29] =	ssyncadd.s32 $0xFFFFFFFF  }
0xb5: {  	_ =	strace $0x90000048  }
0xb6: {  	_ =	sfence  }
0xb7: {  	s30 =	sld [smem:$0x0];
	_ =	sdelay $0x2  }
0xb8: {  	s31 =	sshll.u32 s1, $0xD;
	s1 =	sshrl.u32 s1, $0x2  }
0xb9: {  	s3 =	sand.u32 $0x4000, s31;
	s1 =	sadd.s32 s1, s30  }
0xba: {  	s0 =	sor.u32 s3, s0;
	s1 =	sshll.u32 s1, $0x11  }
0xbb: {  	s0 =	sor.u32 s1, s0  }
0xbc: {  	s0 =	sadd.s32 $0x8F2B, s0  }
0xbd: {  	[sflag:s0] =	ssyncadd.remote.s32 $0x1  }
0xbe: {  	_ =	sfence.sel $0xFFFF  }
0xbf: {  	[dreg:$0x0] =	wrdreg $0xFFFFFFFF;
	(pc) =	sbr.abs _section_cstart, $3  }
0xc0: {  	[dreg:$0x1] =	wrdreg $0xFFFFFFFF  }
0xc1: {  	_ =	task.clear_ibuf [dreg:s6], $0x2FFFF;
	_ =	strace $0x9FFFFFFF  }
0xc2: {  	(tm) =	ssettm $0x7FFFFFFF  }
0xc3: {  	_ =	shalt  }
tec
execute0_lowered:
.L_overlay_start_1:
0x0: {  	(tag) =	ssettag $0x1  }
0x1: {  	s0 =	srdreg.scid;
	s1 =	rddreg [dreg:$0x0]  }
0x2: {  	s8 =	stileid.u32;
	s2 =	rddreg [dreg:$0x1]  }
0x3: {  	s18 =	simm.s32 $0x2900;
	s19 =	simm.s32 $0x8;
	s20 =	simm.s32 $0x80  }
0x4: {  	s21 =	simm.s32 $0x7;
	s22 =	simm.s32 $0x5;
	s23 =	simm.s32 $0x6  }
0x5: {  	s24 =	simm.s32 $0x6900;
	s28 =	simm.s32 $0x3;
	s6 =	smul.u32 $0x2800, s8  }
0x6: {  	s29 =	simm.s32 $0x4;
	s0 =	sand.u32 $0x1, s0;
	s25 =	smul.u32 $0x50000, s8  }
0x7: {  	s16 =	sadd.s32 $0xE000, s1;
	s3 =	sshll.u32 s0, $0x4;
	s7 =	smul.u32 $0x28000, s0  }
0x8: {  	s0 =	ssub.s32 $0x2, s0;
	s4 =	sor.u32 s8, s3;
	s3 =	simm.s32 $0x0  }
0x9: {  	s30 =	sshrl.u32 s0, $0x1;
	s5 =	smul.u32 $0x2800, s4;
	[smem:$0x7FF] =	sst s3  }
0xa: {  	s4 =	sadd.s32 $0x18000, s1;
	s13 =	sadd.s32 s6, s7;
	s0 =	ssub.s32 s0, s30  }
0xb: {  	_ =	strace $0x80000047;
	s14 =	sor.u32 $0x180, s13;
	s15 =	sor.u32 $0x100, s13  }
0xc: {  	s11 =	sshrl.u32 s5, $0x3;
	s5 =	sshrl.u32 s25, $0x2;
	s31 =	sshrl.u32 s14, $0x3  }
0xd: {  	s17 =	sshrl.u32 s15, $0x3;
	s14 =	smax.u32 s0, $0x1;
	s25 =	simm.s32 $0x1  }
0xe: {  	s26 =	sadd.s32 s11, s1;
	s1 =	sadd.s32 s13, s1;
	s5 =	sadd.s32 s5, s2  }
0xf: {  	s11 =	sadd.s32 s16, s11;
	s15 =	sadd.s32 s31, s16;
	s16 =	sadd.s32 s17, s16  }
0x10: {  	s6 =	sadd.s32 $0x4000, s26;
	s7 =	sadd.s32 $0x4000, s5;
	s8 =	sadd.s32 $0x8000, s5  }
0x11: {  	s9 =	sadd.s32 $0xC000, s5;
	s10 =	sadd.s32 $0x10000, s5;
	s12 =	sadd.s32 $0x10, s11  }
0x12: {  	v0 =	vimm.f32 $0.0e+00;
	s13 =	sadd.s32 $0x3F200, s1;
	s26 =	simm.s32 $0x2;
	s1 =	simm.s32 $0x0  }
.LBB2_1:
0x13: {  	s0 =	simm.s32 $0x100  }
0x14: {  	[tilespmem:s0], [sflag:$0x7] =	stream.linear.gather [hbm4b:s6+s3], $0x2800, $0x38;
	[tilespmem:$0x1E900] =	vst v63  }
0x15: {  	s17 =	simm.s32 $0x200;
	s0 =	simm.s32 $0x0  }
.LBB2_2:
0x16: {  	p0 =	sne.s32 s17, $0xFE00;
	[tilespmem:s0+$0x2970] =	vst v0  }
0x17: {  	[tilespmem:s0+$0x2900] =	vst v0  }
0x18: {  	[tilespmem:s0+$0x2910] =	vst v0  }
.Ltmp0:
0x19: {  	[tilespmem:s0+$0x2920] =	vst v0;
	(pc) =	sbr.rel @p0 .LBB2_2-.Ltmp0, $4  }
0x1a: {  	[tilespmem:s0+$0x2930] =	vst v0  }
0x1b: {  	[tilespmem:s0+$0x2940] =	vst v0  }
0x1c: {  	[tilespmem:s0+$0x2950] =	vst v0  }
0x1d: {  	[tilespmem:s0+$0x2960] =	vst v0;
	s0 =	sshra.s32 s17, $0x2;
	s17 =	sadd.s32 $0x200, s17  }
0x1e: {  	[tilespmem:s0+$0x2970] =	vst v0  }
0x1f: {  	[tilespmem:s0+$0x2900] =	vst v0  }
0x20: {  	[tilespmem:s0+$0x2910] =	vst v0  }
0x21: {  	[tilespmem:s0+$0x2920] =	vst v0  }
0x22: {  	[tilespmem:s0+$0x2930] =	vst v0  }
0x23: {  	[tilespmem:s0+$0x2940] =	vst v0  }
0x24: {  	[tilespmem:s0+$0x2950] =	vst v0  }
0x25: {  	[tilespmem:s0+$0x2960] =	vst v0  }
0x26: {  	[spmem:s5] =	stream.linear.scatter [tilespmem:s18], [sflag:$0x8], $0x4000, $0x38;
	[tilespmem:$0x1E900] =	vst v63  }
0x27: {  	_ =	swait.ge [sflag:s19], $0x4000  }
0x28: {  	[sflag:s19] =	ssyncset.done $0x0  }
0x29: {  	[sflag:s19] =	ssyncadd.s32 $0xFFFFC000  }
0x2a: {  	[spmem:s7] =	stream.linear.scatter [tilespmem:s18], [sflag:$0x8], $0x4000, $0x38;
	[tilespmem:$0x1E900] =	vst v63  }
0x2b: {  	_ =	swait.ge [sflag:s19], $0x4000  }
0x2c: {  	[sflag:s19] =	ssyncset.done $0x0  }
0x2d: {  	[sflag:s19] =	ssyncadd.s32 $0xFFFFC000  }
0x2e: {  	[spmem:s8] =	stream.linear.scatter [tilespmem:s18], [sflag:$0x8], $0x4000, $0x38;
	[tilespmem:$0x1E900] =	vst v63  }
0x2f: {  	_ =	swait.ge [sflag:s19], $0x4000  }
0x30: {  	[sflag:s19] =	ssyncset.done $0x0  }
0x31: {  	[sflag:s19] =	ssyncadd.s32 $0xFFFFC000  }
0x32: {  	[spmem:s9] =	stream.linear.scatter [tilespmem:s18], [sflag:$0x8], $0x4000, $0x38;
	[tilespmem:$0x1E900] =	vst v63  }
0x33: {  	_ =	swait.ge [sflag:s19], $0x4000  }
0x34: {  	[sflag:s19] =	ssyncset.done $0x0  }
0x35: {  	[sflag:s19] =	ssyncadd.s32 $0xFFFFC000  }
0x36: {  	[spmem:s10] =	stream.linear.scatter [tilespmem:s18], [sflag:$0x8], $0x4000, $0x38;
	[tilespmem:$0x1E900] =	vst v63  }
0x37: {  	_ =	swait.ge [sflag:s19], $0x4000  }
0x38: {  	[sflag:s19] =	ssyncset.done $0x0  }
0x39: {  	[sflag:s19] =	ssyncadd.s32 $0xFFFFC000  }
0x3a: {  	s30 =	simm.s32 $0x0;
	[bflag:$0x0] =	sbarrier.arrive $0xFFFF  }
0x3b: {  	[tilespmem:s30], [sflag:$0x5] =	stream.linear.gather [hbm4b:s11+s30], $0x80, $0x38;
	[tilespmem:$0x1E900] =	vst v63  }
0x3c: {  	_ = 	snop  }
0x3d: {  	[tilespmem:s20], [sflag:$0x6] =	stream.linear.gather [hbm4b:s12+s30], $0x80, $0x38;
	[tilespmem:$0x1E900] =	vst v63  }
0x3e: {  	_ =	swait.ge [sflag:s21], $0x2800  }
0x3f: {  	[sflag:s21] =	ssyncset.done $0x0  }
0x40: {  	[sflag:s21] =	ssyncadd.s32 $0xFFFFD800  }
0x41: {  	_ =	swait.ge [sflag:s22], $0x80  }
0x42: {  	[sflag:s22] =	ssyncset.done $0x0  }
0x43: {  	[sflag:s22] =	ssyncadd.s32 $0xFFFFFF80  }
0x44: {  	[tilespmem:s18], [sflag:$0x1] =	stream.indirect.gather [hbm4b:s4+s20], $0x80, s30, s20, $0xb8;
	[tilespmem:$0x1E900] =	vst v63  }
0x45: {  	_ =	swait.ge [sflag:s23], $0x80  }
0x46: {  	[sflag:s23] =	ssyncset.done $0x0  }
0x47: {  	[sflag:s23] =	ssyncadd.s32 $0xFFFFFF80  }
0x48: {  	[tilespmem:s24], [sflag:$0x2] =	stream.indirect.gather [hbm4b:s4+s20], $0x80, s20, s20, $0xb8;
	[tilespmem:$0x1E900] =	vst v63  }
0x49: {  	_ =	swait.ge [sflag:s25], $0x4000  }
0x4a: {  	[sflag:s25] =	ssyncset.done $0x0  }
0x4b: {  	s31 =	simm.s32 $0x100;
	[sflag:s25] =	ssyncadd.s32 $0xFFFFC000  }
0x4c: {  	[spmem:s2] =	stream.indirect.scatter.add.f32 [tilespmem:s18], [sflag:$0x3], $0x80, s31, s20, $0xb8;
	[tilespmem:$0x1E900] =	vst v63  }
0x4d: {  	s17 =	sadd.s32 $0x0, s16  }
0x4e: {  	[tilespmem:s3], [sflag:$0x5] =	stream.linear.gather [hbm4b:s17+s3], $0x80, $0x38;
	[tilespmem:$0x1E900] =	vst v63  }
0x4f: {  	_ =	swait.ge [sflag:s26], $0x4000  }
0x50: {  	[sflag:s26] =	ssyncset.done $0x0  }
0x51: {  	s30 =	simm.s32 $0x180;
	[sflag:s26] =	ssyncadd.s32 $0xFFFFC000  }
0x52: {  	[spmem:s2] =	stream.indirect.scatter.add.f32 [tilespmem:s24], [sflag:$0x4], $0x80, s30, s20, $0xb8;
	[tilespmem:$0x1E900] =	vst v63  }
0x53: {  	s31 =	sadd.s32 $0x0, s15  }
0x54: {  	[tilespmem:s20], [sflag:$0x6] =	stream.linear.gather [hbm4b:s31+s3], $0x80, $0x38;
	[tilespmem:$0x1E900] =	vst v63  }
0x55: {  	_ =	swait.ge [sflag:s28], $0x4000  }
0x56: {  	[sflag:s28] =	ssyncset.done $0x0  }
0x57: {  	[sflag:s28] =	ssyncadd.s32 $0xFFFFC000  }
0x58: {  	_ =	swait.ge [sflag:s22], $0x80  }
0x59: {  	[sflag:s22] =	ssyncset.done $0x0  }
0x5a: {  	[sflag:s22] =	ssyncadd.s32 $0xFFFFFF80  }
0x5b: {  	[tilespmem:s18], [sflag:$0x1] =	stream.indirect.gather [hbm4b:s4+s20], $0x80, s3, s20, $0xb8;
	[tilespmem:$0x1E900] =	vst v63  }
0x5c: {  	_ =	swait.ge [sflag:s29], $0x4000  }
0x5d: {  	[sflag:s29] =	ssyncset.done $0x0  }
0x5e: {  	[sflag:s29] =	ssyncadd.s32 $0xFFFFC000  }
0x5f: {  	_ =	swait.ge [sflag:s23], $0x80  }
0x60: {  	[sflag:s23] =	ssyncset.done $0x0  }
0x61: {  	s0 =	simm.s32 $0x20;
	s17 =	simm.s32 $0x280;
	[sflag:s23] =	ssyncadd.s32 $0xFFFFFF80  }
.LBB2_4:
0x62: {  	[tilespmem:s24], [sflag:$0x2] =	stream.indirect.gather [hbm4b:s4+s20], $0x80, s20, s20, $0xb8;
	[tilespmem:$0x1E900] =	vst v63  }
0x63: {  	s30 =	smov.u32 s0  }
0x64: {  	p0 =	sne.s32 s0, $0x4C0;
	s0 =	sadd.s32 $0x20, s0;
	_ =	swait.ge [sflag:s25], $0x4000  }
0x65: {  	[sflag:s25] =	ssyncset.done $0x0  }
0x66: {  	s31 =	sadd.s32 $0xFFFFFF80, s17;
	[sflag:s25] =	ssyncadd.s32 $0xFFFFC000  }
0x67: {  	[spmem:s2] =	stream.indirect.scatter.add.f32 [tilespmem:s18], [sflag:$0x3], $0x80, s31, s20, $0xb8;
	[tilespmem:$0x1E900] =	vst v63  }
0x68: {  	s31 =	sadd.s32 s30, s16  }
0x69: {  	[tilespmem:s3], [sflag:$0x5] =	stream.linear.gather [hbm4b:s31+s3], $0x80, $0x38;
	[tilespmem:$0x1E900] =	vst v63  }
0x6a: {  	_ =	swait.ge [sflag:s26], $0x4000  }
0x6b: {  	[sflag:s26] =	ssyncset.done $0x0  }
0x6c: {  	[sflag:s26] =	ssyncadd.s32 $0xFFFFC000  }
0x6d: {  	[spmem:s2] =	stream.indirect.scatter.add.f32 [tilespmem:s24], [sflag:$0x4], $0x80, s17, s20, $0xb8;
	[tilespmem:$0x1E900] =	vst v63  }
0x6e: {  	s30 =	sadd.s32 s30, s15  }
0x6f: {  	[tilespmem:s20], [sflag:$0x6] =	stream.linear.gather [hbm4b:s30+s3], $0x80, $0x38;
	[tilespmem:$0x1E900] =	vst v63  }
0x70: {  	_ =	swait.ge [sflag:s28], $0x4000  }
0x71: {  	[sflag:s28] =	ssyncset.done $0x0  }
0x72: {  	[sflag:s28] =	ssyncadd.s32 $0xFFFFC000  }
0x73: {  	_ =	swait.ge [sflag:s22], $0x80  }
0x74: {  	[sflag:s22] =	ssyncset.done $0x0  }
0x75: {  	[sflag:s22] =	ssyncadd.s32 $0xFFFFFF80  }
0x76: {  	[tilespmem:s18], [sflag:$0x1] =	stream.indirect.gather [hbm4b:s4+s20], $0x80, s3, s20, $0xb8;
	[tilespmem:$0x1E900] =	vst v63  }
0x77: {  	_ =	swait.ge [sflag:s29], $0x4000  }
.Ltmp1:
0x78: {  	[sflag:s29] =	ssyncset.done $0x0;
	(pc) =	sbr.rel @p0 .LBB2_4-.Ltmp1, $4  }
0x79: {  	[sflag:s29] =	ssyncadd.s32 $0xFFFFC000  }
0x7a: {  	_ =	swait.ge [sflag:s23], $0x80  }
0x7b: {  	[sflag:s23] =	ssyncset.done $0x0  }
0x7c: {  	s17 =	sadd.s32 $0x100, s17;
	[sflag:s23] =	ssyncadd.s32 $0xFFFFFF80  }
0x7d: {  	[tilespmem:s24], [sflag:$0x2] =	stream.indirect.gather [hbm4b:s4+s20], $0x80, s20, s20, $0xb8;
	[tilespmem:$0x1E900] =	vst v63  }
0x7e: {  	_ =	swait.ge [sflag:s25], $0x4000  }
0x7f: {  	[sflag:s25] =	ssyncset.done $0x0  }
0x80: {  	s0 =	simm.s32 $0x2800;
	[sflag:s25] =	ssyncadd.s32 $0xFFFFC000  }
0x81: {  	[spmem:s2] =	stream.indirect.scatter.add.f32 [tilespmem:s18], [sflag:$0x3], $0x80, s0, s20, $0xb8;
	[tilespmem:$0x1E900] =	vst v63  }
0x82: {  	_ =	swait.ge [sflag:s26], $0x4000  }
0x83: {  	[sflag:s26] =	ssyncset.done $0x0  }
0x84: {  	s30 =	simm.s32 $0x2880;
	[sflag:s26] =	ssyncadd.s32 $0xFFFFC000  }
0x85: {  	[spmem:s2] =	stream.indirect.scatter.add.f32 [tilespmem:s24], [sflag:$0x4], $0x80, s30, s20, $0xb8;
	[tilespmem:$0x1E900] =	vst v63  }
0x86: {  	_ =	swait.ge [sflag:s28], $0x4000  }
0x87: {  	[sflag:s28] =	ssyncset.done $0x0  }
0x88: {  	[sflag:s28] =	ssyncadd.s32 $0xFFFFC000  }
0x89: {  	s31 =	stileid.u32;
	_ =	swait.ge [sflag:s29], $0x4000  }
0x8a: {  	s17 =	sshrl.u32 s5, $0x3;
	s1 =	sadd.s32 $0x1, s1;
	[sflag:s29] =	ssyncset.done $0x0  }
0x8b: {  	p0 =	sne.s32 s1, s14;
	s0 =	sshll.u32 s31, $0x6;
	[sflag:s29] =	ssyncadd.s32 $0xFFFFC000  }
.Ltmp2:
0x8c: {  	s0 =	sor.u32 $0x1C08, s0;
	[bflag:$0x0] =	sbarrier.arrive $0xFFFF;
	(pc) =	sbr.rel @p0 .LBB2_1-.Ltmp2, $4  }
0x8d: {  	[hbm:s13], [sflag:s0] =	dma.local [spmem:s17], $0x2800  }
0x8e: {  	_ =	swait.ge [sflag:s19], $0x2800  }
0x8f: {  	[sflag:s19] =	ssyncset.done $0x0  }
0x90: {  	[sflag:s19] =	ssyncadd.s32 $0xFFFFD800  }
0x91: {  	_ =	sfence.sel $0x180000  }
0x92: {  	[bflag:$0x0] =	sbarrier.arrive $0xFFFF  }
0x93: {  	_ =	strace $0x90000047  }
0x94: {  	s0 =	stileid.u32;
	[bflag:$0x2] =	sbarrier.arrive $0xFFFF  }
0x95: {  	p0 =	sne.s32 s0, $0x0;
	s0 =	rddreg [dreg:$0x2]  }
0x96: {  	s0 =	sadd.s32 @!p0 $0x100000, s0  }
0x97: {  	[sflag:s0] =	ssyncadd.tile.s32 @!p0 $0x1;
	_ =	shalt  }
.Lfunc_end2:
_tile_overlayer_lowered:
.L_overlay_start_2:
0x98: {  	(tag) =	ssettag $0x2  }
0x99: {  	s0 =	rddreg [dreg:$0x0];
	s2 =	stileid.u32  }
0x9a: {  	s1 =	rddreg [dreg:$0x1];
	p0 =	sne.s32 s2, $0x0  }
0x9b: {  	s3 =	rddreg [dreg:$0x2];
	[bflag:$0x3] =	sbarrier.arrive $0xFFFF;
	s2 =	simm.s32 @!p0 $0x1C08  }
0x9c: {  	[timem:s3], [sflag:s2] =	dma.local @!p0 [hbm:s0], s1  }
0x9d: {  	s0 =	simm.s32 @!p0 $0x8  }
0x9e: {  	_ =	swait.ge @!p0 [sflag:s0], s1  }
0x9f: {  	s1 =	ssub.s32 @!p0 $0x0, s1;
	[sflag:s0] =	ssyncset.done @!p0 $0x0  }
0xa0: {  	[sflag:s0] =	ssyncadd.s32 @!p0 s1  }
0xa1: {  	[bflag:$0x3] =	sbarrier.arrive $0xFFFF  }
0xa2: {  	_ =	shalt  }

// kernel: kernel.15.cloned.1.call-start
scs
__scs_entry_jumppad:
0x0: {  	(pc) =	sbr.rel $0x88, $3  }
0x1: {  	(tag) =	ssettag $0x0;
	lr =	simm.s32 $0x1  }
0x2: {  	[smem:$0x3F94] =	sst lr;
	_ =	strace $0xD0000000  }
0x3: {  	_ = 	snop  }
0x4: {  	_ = 	snop  }
0x5: {  	_ = 	snop  }
0x6: {  	_ = 	snop  }
0x7: {  	_ = 	snop  }
__scs_overlays_trampoline_lowered:
0x8: {  	[smem:$0x3FA3] =	sst s0  }
0x9: {  	[smem:$0x3FA4] =	sst s1  }
0xa: {  	[smem:$0x3FA5] =	sst s2  }
0xb: {  	[smem:$0x3FA6] =	sst s3  }
0xc: {  	[smem:$0x3FA7] =	sst s4  }
0xd: {  	[smem:$0x3FA8] =	sst s5  }
0xe: {  	[smem:$0x3FA9] =	sst s6  }
0xf: {  	[smem:$0x3FAA] =	sst s7  }
0x10: {  	[smem:$0x3FAB] =	sst s8  }
0x11: {  	[smem:$0x3FAC] =	sst s9;
	s0 =	simm.s32 @!p0 $0x0  }
0x12: {  	s1 =	sld [smem:$0x3F92];
	s0 =	simm.s32 @p0 $0x1  }
0x13: {  	[smem:$0x3FAD] =	sst s0;
	s0 =	simm.s32 @!p1 $0x0  }
0x14: {  	s2 =	sld [smem:$0x3F91];
	s0 =	simm.s32 @p1 $0x1  }
0x15: {  	[smem:$0x3FAE] =	sst s0;
	s0 =	simm.s32 @!p2 $0x0  }
0x16: {  	s3 =	sld [smem:$0x3FDB];
	s0 =	simm.s32 @p2 $0x1  }
0x17: {  	s4 =	simm.s32 $0x1BF5;
	[smem:$0x3FB0] =	sst s0  }
0x18: {  	s0 =	sld [smem:$0x3F93];
	_ =	swait.ge [sflag:s4], $0x0  }
0x19: {  	s7 =	sld [smem:$0x3F94]  }
0x1a: {  	s8 =	sadd.s32 $0xFFFFE003, lr  }
0x1b: {  	s9 =	sadd.s32 $0xFFFFFEF7, lr;
	s5 =	simm.s32 $0xFFFFFFFF;
	p2 =	slt.u32 s8, $0xFFFFF086  }
0x1c: {  	p1 =	slt.u32 s9, $0xF7A;
	s5 =	simm.s32 @!p2 $0x0  }
0x1d: {  	s5 =	simm.s32 @p1 $0x1;
	p0 =	seq.s32 s7, s2  }
0x1e: {  	s7 =	smul.u32 @!p0 $0xF7A, s2;
	p2 =	seq.s32 @!p0 s5, $0x0  }
0x1f: {  	s9 =	smul.u32 $0xF7A, s1;
	s8 =	simm.s32 @!p0 $0x1BF5;
	p2 =	por !p2, p0  }
0x20: {  	[sflag:s8] =	ssyncset.s32 @!p0 $0xFFFFF086;
	s6 =	sadd.s32 @!p0 s3, s7;
	s7 =	simm.s32 @!p0 $0x108  }
0x21: {  	s3 =	sadd.s32 s3, s9;
	s6 =	sadd.s32 @!p0 $0x88, s6;
	s7 =	simm.s32 @p2 $0x1082  }
0x22: {  	[simem:s7], [sflag:s8] =	dma.local @!p0 [hbm:s6], $0xF7A  }
0x23: {  	s9 =	sor.u32 $0xD0000000, s2;
	s6 =	simm.s32 $0x108;
	_ =	swait.ge @!p0 [sflag:s8], $0x0  }
0x24: {  	s3 =	sadd.s32 $0x88, s3;
	s6 =	simm.s32 @!p1 $0x1082;
	[sflag:s4] =	ssyncset.s32 $0xFFFFF086  }
0x25: {  	[simem:s6], [sflag:s4] =	dma.local [hbm:s3], $0xF7A  }
0x26: {  	[smem:$0x3F94] =	sst s1;
	(tag) =	ssettag s2;
	_ =	strace s9  }
0x27: {  	s1 =	sld [smem:$0x3FA4]  }
0x28: {  	s2 =	sld [smem:$0x3FA5]  }
0x29: {  	s4 =	sld [smem:$0x3FA7]  }
0x2a: {  	p0 =	seq.s32 s5, $0x0;
	s5 =	sld [smem:$0x3FA8]  }
0x2b: {  	s6 =	sld [smem:$0x3FA9]  }
0x2c: {  	s7 =	sld [smem:$0x3FAA]  }
0x2d: {  	s3 =	simm.s32 $0x108;
	s8 =	sld [smem:$0x3FAB]  }
0x2e: {  	s3 =	simm.s32 @!p0 $0x1082;
	s9 =	sld [smem:$0x3FAC]  }
0x2f: {  	lr =	sadd.s32 s0, s3;
	s0 =	sld [smem:$0x3FA3]  }
0x30: {  	s3 =	sld [smem:$0x3FA6]  }
0x31: {  	[smem:$0x3FAF] =	sst s10  }
0x32: {  	s10 =	sld [smem:$0x3FAD];
	_ =	sdelay $0x3  }
0x33: {  	p0 =	seq.s32 s10, $0x1;
	s10 =	sld [smem:$0x3FAF];
	_ =	sdelay $0x3  }
0x34: {  	[smem:$0x3FAF] =	sst s10  }
0x35: {  	s10 =	sld [smem:$0x3FAE];
	_ =	sdelay $0x3  }
0x36: {  	p1 =	seq.s32 s10, $0x1;
	s10 =	sld [smem:$0x3FAF];
	_ =	sdelay $0x3  }
0x37: {  	[smem:$0x3FAF] =	sst s10  }
0x38: {  	s10 =	sld [smem:$0x3FB0]  }
0x39: {  	_ = 	snop;
	(pc) =	sbr.ind lr, $3  }
0x3a: {  	_ = 	snop  }
0x3b: {  	_ = 	snop  }
0x3c: {  	p2 =	seq.s32 s10, $0x1;
	s10 =	sld [smem:$0x3FAF]  }
0x3d: {  	_ =	shalt  }
0x3e: {  	_ =	shalt  }
0x3f: {  	_ =	shalt  }
0x40: {  	_ =	shalt  }
0x41: {  	_ =	shalt  }
0x42: {  	_ =	shalt  }
0x43: {  	_ =	shalt  }
0x44: {  	_ =	shalt  }
0x45: {  	_ =	shalt  }
0x46: {  	_ =	shalt  }
0x47: {  	_ =	shalt  }
0x48: {  	_ =	shalt  }
0x49: {  	_ =	shalt  }
0x4a: {  	_ =	shalt  }
0x4b: {  	_ =	shalt  }
0x4c: {  	_ =	shalt  }
0x4d: {  	_ =	shalt  }
0x4e: {  	_ =	shalt  }
0x4f: {  	_ =	shalt  }
0x50: {  	_ =	shalt  }
0x51: {  	_ =	shalt  }
0x52: {  	_ =	shalt  }
0x53: {  	_ =	shalt  }
0x54: {  	_ =	shalt  }
0x55: {  	_ =	shalt  }
0x56: {  	_ =	shalt  }
0x57: {  	_ =	shalt  }
0x58: {  	_ =	shalt  }
0x59: {  	_ =	shalt  }
0x5a: {  	_ =	shalt  }
0x5b: {  	_ =	shalt  }
0x5c: {  	_ =	shalt  }
0x5d: {  	_ =	shalt  }
0x5e: {  	_ =	shalt  }
0x5f: {  	_ =	shalt  }
0x60: {  	_ =	shalt  }
0x61: {  	_ =	shalt  }
0x62: {  	_ =	shalt  }
0x63: {  	_ =	shalt  }
0x64: {  	_ =	shalt  }
0x65: {  	_ =	shalt  }
0x66: {  	_ =	shalt  }
0x67: {  	_ =	shalt  }
0x68: {  	_ =	shalt  }
0x69: {  	_ =	shalt  }
0x6a: {  	_ =	shalt  }
0x6b: {  	_ =	shalt  }
0x6c: {  	_ =	shalt  }
0x6d: {  	_ =	shalt  }
0x6e: {  	_ =	shalt  }
0x6f: {  	_ =	shalt  }
0x70: {  	_ =	shalt  }
0x71: {  	_ =	shalt  }
0x72: {  	_ =	shalt  }
0x73: {  	_ =	shalt  }
0x74: {  	_ =	shalt  }
0x75: {  	_ =	shalt  }
0x76: {  	_ =	shalt  }
0x77: {  	_ =	shalt  }
0x78: {  	_ =	shalt  }
0x79: {  	_ =	shalt  }
0x7a: {  	_ =	shalt  }
0x7b: {  	_ =	shalt  }
0x7c: {  	_ =	shalt  }
0x7d: {  	_ =	shalt  }
0x7e: {  	_ =	shalt  }
0x7f: {  	_ =	shalt  }
0x80: {  	_ =	shalt  }
0x81: {  	_ =	shalt  }
0x82: {  	_ =	shalt  }
0x83: {  	_ =	shalt  }
0x84: {  	_ =	shalt  }
0x85: {  	_ =	shalt  }
0x86: {  	_ =	shalt  }
0x87: {  	_ =	shalt  }
.Lfunc_end0:
.L_simem_size_0:
called_computation.1_lowered:
.L_overlay_start_0:
0x88: {  	s2 =	sld [smem:$0x3FD9]  }
0x89: {  	s3 =	sld [smem:$0x3FFE];
	_ =	sdelay $0x1  }
0x8a: {  	s1 =	srdreg.scid  }
0x8b: {  	s0 =	sand.u32 $0x1, s1  }
0x8c: {  	s16 =	sshll.u32 s0, $0xA;
	s2 =	sadd.s32 s3, s2  }
0x8d: {  	s2 =	sadd.s32 s2, s16  }
0x8e: {  	[smem:$0x3FBB] =	sst s2  }
0x8f: {  	_ = 	snop  }
0x90: {  	(tm) =	ssettm $0x1  }
0x91: {  	s17 =	sld [smem:$0x3FFB];
	_ =	sdelay $0x3  }
0x92: {  	_ =	strace s17  }
0x93: {  	s2 =	sld [smem:$0x3FFC];
	_ =	sdelay $0x3  }
0x94: {  	_ =	strace s2  }
0x95: {  	s2 =	sld [smem:$0x3FFD];
	_ =	sdelay $0x3  }
0x96: {  	_ =	strace s2  }
0x97: {  	_ =	strace $0x8FFFFFFF  }
0x98: {  	s18 =	sld [smem:$0x3FDB];
	_ =	sdelay $0x1  }
0x99: {  	s19 =	simm.s32 $_scs_section_size  }
0x9a: {  	s4 =	simm.s32 $_size__tile_overlayer_lowered;
	s5 =	simm.s32 $_tile_overlayer_lowered  }
0x9b: {  	s22 =	simm.s32 $0x1BFF;
	s21 =	sshll.u32 s5, $0x1;
	s2 =	sadd.s32 s19, s18  }
0x9c: {  	s6 =	simm.s32 $0x0;
	s20 =	sshll.u32 s4, $0x1;
	s4 =	sadd.s32 s21, s2  }
0x9d: {  	[timem:s6], [sflag:s22] =	dma.local [hbm:s4], s20  }
0x9e: {  	_ =	swait.ge [sflag:s22], s20  }
0x9f: {  	s3 =	ssub.s32 $0x0, s20;
	[sflag:s22] =	ssyncset.done $0x0  }
0xa0: {  	[sflag:s22] =	ssyncadd.s32 s3;
	_ =	sdelay $0x1  }
0xa1: {  	s23 =	simm.s32 $0x1B8B  }
0xa2: {  	_ =	swait.ge [sflag:s23], $0x1  }
0xa3: {  	[sflag:s23] =	ssyncset.done $0x0  }
0xa4: {  	s25 =	simm.s32 $0x1B8E;
	s24 =	sld [smem:$0x3FFE];
	[sflag:s23] =	ssyncadd.s32 $0xFFFFFFFF  }
0xa5: {  	s26 =	simm.s32 $execute0_lowered;
	[smem:$0x3FD2] =	sst s25  }
0xa6: {  	s4 =	sshll.u32 s26, $0x1;
	_ =	strace $0x80000049;
	[dreg:$0x1] =	wrdreg $0xFFFFFFFF  }
0xa7: {  	s28 =	simm.s32 $_size_execute0_lowered;
	s2 =	sadd.s32 s2, s4;
	[dreg:$0x0] =	wrdreg $0x0  }
0xa8: {  	s4 =	sshll.u32 s28, $0x1;
	[dreg:$0x2] =	wrdreg s2  }
0xa9: {  	[dreg:$0x3] =	wrdreg s4  }
0xaa: {  	[dreg:$0x4] =	wrdreg $0xC0  }
0xab: {  	_ =	task [dreg:s6], $0x5FFFF  }
0xac: {  	[dreg:$0x1] =	wrdreg $0xFFFFFFFF  }
0xad: {  	[dreg:$0x0] =	wrdreg $0x60  }
0xae: {  	[dreg:$0x2] =	wrdreg s24  }
0xaf: {  	[dreg:$0x3] =	wrdreg $0xA9000  }
0xb0: {  	[dreg:$0x4] =	wrdreg $0x9  }
0xb1: {  	_ =	task.clear_ibuf [dreg:s6], $0x5FFFF;
	_ =	strace $0x90000049  }
0xb2: {  	s29 =	simm.s32 $0x9;
	_ =	strace $0x8000004B  }
0xb3: {  	_ =	swait.ge [sflag:s29], $0x1  }
0xb4: {  	[sflag:s29] =	ssyncadd.s32 $0xFFFFFFFF  }
0xb5: {  	_ =	strace $0x9000004B  }
0xb6: {  	_ =	sfence  }
0xb7: {  	s30 =	sld [smem:$0x0];
	_ =	sdelay $0x2  }
0xb8: {  	s31 =	sshll.u32 s1, $0xD;
	s1 =	sshrl.u32 s1, $0x2  }
0xb9: {  	s3 =	sand.u32 $0x4000, s31;
	s1 =	sadd.s32 s1, s30  }
0xba: {  	s0 =	sor.u32 s3, s0;
	s1 =	sshll.u32 s1, $0x11  }
0xbb: {  	s0 =	sor.u32 s1, s0  }
0xbc: {  	s0 =	sadd.s32 $0x8F2B, s0  }
0xbd: {  	[sflag:s0] =	ssyncadd.remote.s32 $0x1  }
0xbe: {  	_ =	sfence.sel $0xFFFF  }
0xbf: {  	[dreg:$0x0] =	wrdreg $0xFFFFFFFF;
	(pc) =	sbr.abs _section_cstart, $3  }
0xc0: {  	[dreg:$0x1] =	wrdreg $0xFFFFFFFF  }
0xc1: {  	_ =	task.clear_ibuf [dreg:s6], $0x2FFFF;
	_ =	strace $0x9FFFFFFF  }
0xc2: {  	(tm) =	ssettm $0x7FFFFFFF  }
0xc3: {  	_ =	shalt  }
tec
execute0_lowered:
.L_overlay_start_1:
0x0: {  	(tag) =	ssettag $0x1  }
0x1: {  	s0 =	srdreg.scid;
	s1 =	rddreg [dreg:$0x0]  }
0x2: {  	s8 =	stileid.u32;
	s2 =	rddreg [dreg:$0x1]  }
0x3: {  	s18 =	simm.s32 $0x2900;
	s19 =	simm.s32 $0x8;
	s20 =	simm.s32 $0x80  }
0x4: {  	s21 =	simm.s32 $0x7;
	s22 =	simm.s32 $0x5;
	s23 =	simm.s32 $0x6  }
0x5: {  	s24 =	simm.s32 $0x6900;
	s28 =	simm.s32 $0x3;
	s6 =	smul.u32 $0x2800, s8  }
0x6: {  	s29 =	simm.s32 $0x4;
	s0 =	sand.u32 $0x1, s0;
	s25 =	smul.u32 $0x50000, s8  }
0x7: {  	s16 =	sadd.s32 $0xE000, s1;
	s3 =	sshll.u32 s0, $0x4;
	s7 =	smul.u32 $0x28000, s0  }
0x8: {  	s0 =	ssub.s32 $0x2, s0;
	s4 =	sor.u32 s8, s3;
	s3 =	simm.s32 $0x0  }
0x9: {  	s30 =	sshrl.u32 s0, $0x1;
	s5 =	smul.u32 $0x2800, s4;
	[smem:$0x7FF] =	sst s3  }
0xa: {  	s4 =	sadd.s32 $0x3F200, s1;
	s13 =	sadd.s32 s6, s7;
	s0 =	ssub.s32 s0, s30  }
0xb: {  	_ =	strace $0x8000004A;
	s14 =	sor.u32 $0x180, s13;
	s15 =	sor.u32 $0x100, s13  }
0xc: {  	s11 =	sshrl.u32 s5, $0x3;
	s5 =	sshrl.u32 s25, $0x2;
	s31 =	sshrl.u32 s14, $0x3  }
0xd: {  	s17 =	sshrl.u32 s15, $0x3;
	s14 =	smax.u32 s0, $0x1;
	s25 =	simm.s32 $0x1  }
0xe: {  	s26 =	sadd.s32 s11, s1;
	s1 =	sadd.s32 s13, s1;
	s5 =	sadd.s32 s5, s2  }
0xf: {  	s11 =	sadd.s32 s16, s11;
	s15 =	sadd.s32 s31, s16;
	s16 =	sadd.s32 s17, s16  }
0x10: {  	s6 =	sadd.s32 $0x4000, s26;
	s7 =	sadd.s32 $0x4000, s5;
	s8 =	sadd.s32 $0x8000, s5  }
0x11: {  	s9 =	sadd.s32 $0xC000, s5;
	s10 =	sadd.s32 $0x10000, s5;
	s12 =	sadd.s32 $0x10, s11  }
0x12: {  	v0 =	vimm.f32 $0.0e+00;
	s13 =	sadd.s32 $0x66400, s1;
	s26 =	simm.s32 $0x2;
	s1 =	simm.s32 $0x0  }
.LBB2_1:
0x13: {  	s0 =	simm.s32 $0x100  }
0x14: {  	[tilespmem:s0], [sflag:$0x7] =	stream.linear.gather [hbm4b:s6+s3], $0x2800, $0x38;
	[tilespmem:$0x1E900] =	vst v63  }
0x15: {  	s17 =	simm.s32 $0x200;
	s0 =	simm.s32 $0x0  }
.LBB2_2:
0x16: {  	p0 =	sne.s32 s17, $0xFE00;
	[tilespmem:s0+$0x2970] =	vst v0  }
0x17: {  	[tilespmem:s0+$0x2900] =	vst v0  }
0x18: {  	[tilespmem:s0+$0x2910] =	vst v0  }
.Ltmp0:
0x19: {  	[tilespmem:s0+$0x2920] =	vst v0;
	(pc) =	sbr.rel @p0 .LBB2_2-.Ltmp0, $4  }
0x1a: {  	[tilespmem:s0+$0x2930] =	vst v0  }
0x1b: {  	[tilespmem:s0+$0x2940] =	vst v0  }
0x1c: {  	[tilespmem:s0+$0x2950] =	vst v0  }
0x1d: {  	[tilespmem:s0+$0x2960] =	vst v0;
	s0 =	sshra.s32 s17, $0x2;
	s17 =	sadd.s32 $0x200, s17  }
0x1e: {  	[tilespmem:s0+$0x2970] =	vst v0  }
0x1f: {  	[tilespmem:s0+$0x2900] =	vst v0  }
0x20: {  	[tilespmem:s0+$0x2910] =	vst v0  }
0x21: {  	[tilespmem:s0+$0x2920] =	vst v0  }
0x22: {  	[tilespmem:s0+$0x2930] =	vst v0  }
0x23: {  	[tilespmem:s0+$0x2940] =	vst v0  }
0x24: {  	[tilespmem:s0+$0x2950] =	vst v0  }
0x25: {  	[tilespmem:s0+$0x2960] =	vst v0  }
0x26: {  	[spmem:s5] =	stream.linear.scatter [tilespmem:s18], [sflag:$0x8], $0x4000, $0x38;
	[tilespmem:$0x1E900] =	vst v63  }
0x27: {  	_ =	swait.ge [sflag:s19], $0x4000  }
0x28: {  	[sflag:s19] =	ssyncset.done $0x0  }
0x29: {  	[sflag:s19] =	ssyncadd.s32 $0xFFFFC000  }
0x2a: {  	[spmem:s7] =	stream.linear.scatter [tilespmem:s18], [sflag:$0x8], $0x4000, $0x38;
	[tilespmem:$0x1E900] =	vst v63  }
0x2b: {  	_ =	swait.ge [sflag:s19], $0x4000  }
0x2c: {  	[sflag:s19] =	ssyncset.done $0x0  }
0x2d: {  	[sflag:s19] =	ssyncadd.s32 $0xFFFFC000  }
0x2e: {  	[spmem:s8] =	stream.linear.scatter [tilespmem:s18], [sflag:$0x8], $0x4000, $0x38;
	[tilespmem:$0x1E900] =	vst v63  }
0x2f: {  	_ =	swait.ge [sflag:s19], $0x4000  }
0x30: {  	[sflag:s19] =	ssyncset.done $0x0  }
0x31: {  	[sflag:s19] =	ssyncadd.s32 $0xFFFFC000  }
0x32: {  	[spmem:s9] =	stream.linear.scatter [tilespmem:s18], [sflag:$0x8], $0x4000, $0x38;
	[tilespmem:$0x1E900] =	vst v63  }
0x33: {  	_ =	swait.ge [sflag:s19], $0x4000  }
0x34: {  	[sflag:s19] =	ssyncset.done $0x0  }
0x35: {  	[sflag:s19] =	ssyncadd.s32 $0xFFFFC000  }
0x36: {  	[spmem:s10] =	stream.linear.scatter [tilespmem:s18], [sflag:$0x8], $0x4000, $0x38;
	[tilespmem:$0x1E900] =	vst v63  }
0x37: {  	_ =	swait.ge [sflag:s19], $0x4000  }
0x38: {  	[sflag:s19] =	ssyncset.done $0x0  }
0x39: {  	[sflag:s19] =	ssyncadd.s32 $0xFFFFC000  }
0x3a: {  	s30 =	simm.s32 $0x0;
	[bflag:$0x0] =	sbarrier.arrive $0xFFFF  }
0x3b: {  	[tilespmem:s30], [sflag:$0x5] =	stream.linear.gather [hbm4b:s11+s30], $0x80, $0x38;
	[tilespmem:$0x1E900] =	vst v63  }
0x3c: {  	_ = 	snop  }
0x3d: {  	[tilespmem:s20], [sflag:$0x6] =	stream.linear.gather [hbm4b:s12+s30], $0x80, $0x38;
	[tilespmem:$0x1E900] =	vst v63  }
0x3e: {  	_ =	swait.ge [sflag:s21], $0x2800  }
0x3f: {  	[sflag:s21] =	ssyncset.done $0x0  }
0x40: {  	[sflag:s21] =	ssyncadd.s32 $0xFFFFD800  }
0x41: {  	_ =	swait.ge [sflag:s22], $0x80  }
0x42: {  	[sflag:s22] =	ssyncset.done $0x0  }
0x43: {  	[sflag:s22] =	ssyncadd.s32 $0xFFFFFF80  }
0x44: {  	[tilespmem:s18], [sflag:$0x1] =	stream.indirect.gather [hbm4b:s4+s20], $0x80, s30, s20, $0xb8;
	[tilespmem:$0x1E900] =	vst v63  }
0x45: {  	_ =	swait.ge [sflag:s23], $0x80  }
0x46: {  	[sflag:s23] =	ssyncset.done $0x0  }
0x47: {  	[sflag:s23] =	ssyncadd.s32 $0xFFFFFF80  }
0x48: {  	[tilespmem:s24], [sflag:$0x2] =	stream.indirect.gather [hbm4b:s4+s20], $0x80, s20, s20, $0xb8;
	[tilespmem:$0x1E900] =	vst v63  }
0x49: {  	_ =	swait.ge [sflag:s25], $0x4000  }
0x4a: {  	[sflag:s25] =	ssyncset.done $0x0  }
0x4b: {  	s31 =	simm.s32 $0x100;
	[sflag:s25] =	ssyncadd.s32 $0xFFFFC000  }
0x4c: {  	[spmem:s2] =	stream.indirect.scatter.add.f32 [tilespmem:s18], [sflag:$0x3], $0x80, s31, s20, $0xb8;
	[tilespmem:$0x1E900] =	vst v63  }
0x4d: {  	s17 =	sadd.s32 $0x0, s16  }
0x4e: {  	[tilespmem:s3], [sflag:$0x5] =	stream.linear.gather [hbm4b:s17+s3], $0x80, $0x38;
	[tilespmem:$0x1E900] =	vst v63  }
0x4f: {  	_ =	swait.ge [sflag:s26], $0x4000  }
0x50: {  	[sflag:s26] =	ssyncset.done $0x0  }
0x51: {  	s30 =	simm.s32 $0x180;
	[sflag:s26] =	ssyncadd.s32 $0xFFFFC000  }
0x52: {  	[spmem:s2] =	stream.indirect.scatter.add.f32 [tilespmem:s24], [sflag:$0x4], $0x80, s30, s20, $0xb8;
	[tilespmem:$0x1E900] =	vst v63  }
0x53: {  	s31 =	sadd.s32 $0x0, s15  }
0x54: {  	[tilespmem:s20], [sflag:$0x6] =	stream.linear.gather [hbm4b:s31+s3], $0x80, $0x38;
	[tilespmem:$0x1E900] =	vst v63  }
0x55: {  	_ =	swait.ge [sflag:s28], $0x4000  }
0x56: {  	[sflag:s28] =	ssyncset.done $0x0  }
0x57: {  	[sflag:s28] =	ssyncadd.s32 $0xFFFFC000  }
0x58: {  	_ =	swait.ge [sflag:s22], $0x80  }
0x59: {  	[sflag:s22] =	ssyncset.done $0x0  }
0x5a: {  	[sflag:s22] =	ssyncadd.s32 $0xFFFFFF80  }
0x5b: {  	[tilespmem:s18], [sflag:$0x1] =	stream.indirect.gather [hbm4b:s4+s20], $0x80, s3, s20, $0xb8;
	[tilespmem:$0x1E900] =	vst v63  }
0x5c: {  	_ =	swait.ge [sflag:s29], $0x4000  }
0x5d: {  	[sflag:s29] =	ssyncset.done $0x0  }
0x5e: {  	[sflag:s29] =	ssyncadd.s32 $0xFFFFC000  }
0x5f: {  	_ =	swait.ge [sflag:s23], $0x80  }
0x60: {  	[sflag:s23] =	ssyncset.done $0x0  }
0x61: {  	s0 =	simm.s32 $0x20;
	s17 =	simm.s32 $0x280;
	[sflag:s23] =	ssyncadd.s32 $0xFFFFFF80  }
.LBB2_4:
0x62: {  	[tilespmem:s24], [sflag:$0x2] =	stream.indirect.gather [hbm4b:s4+s20], $0x80, s20, s20, $0xb8;
	[tilespmem:$0x1E900] =	vst v63  }
0x63: {  	s30 =	smov.u32 s0  }
0x64: {  	p0 =	sne.s32 s0, $0x4C0;
	s0 =	sadd.s32 $0x20, s0;
	_ =	swait.ge [sflag:s25], $0x4000  }
0x65: {  	[sflag:s25] =	ssyncset.done $0x0  }
0x66: {  	s31 =	sadd.s32 $0xFFFFFF80, s17;
	[sflag:s25] =	ssyncadd.s32 $0xFFFFC000  }
0x67: {  	[spmem:s2] =	stream.indirect.scatter.add.f32 [tilespmem:s18], [sflag:$0x3], $0x80, s31, s20, $0xb8;
	[tilespmem:$0x1E900] =	vst v63  }
0x68: {  	s31 =	sadd.s32 s30, s16  }
0x69: {  	[tilespmem:s3], [sflag:$0x5] =	stream.linear.gather [hbm4b:s31+s3], $0x80, $0x38;
	[tilespmem:$0x1E900] =	vst v63  }
0x6a: {  	_ =	swait.ge [sflag:s26], $0x4000  }
0x6b: {  	[sflag:s26] =	ssyncset.done $0x0  }
0x6c: {  	[sflag:s26] =	ssyncadd.s32 $0xFFFFC000  }
0x6d: {  	[spmem:s2] =	stream.indirect.scatter.add.f32 [tilespmem:s24], [sflag:$0x4], $0x80, s17, s20, $0xb8;
	[tilespmem:$0x1E900] =	vst v63  }
0x6e: {  	s30 =	sadd.s32 s30, s15  }
0x6f: {  	[tilespmem:s20], [sflag:$0x6] =	stream.linear.gather [hbm4b:s30+s3], $0x80, $0x38;
	[tilespmem:$0x1E900] =	vst v63  }
0x70: {  	_ =	swait.ge [sflag:s28], $0x4000  }
0x71: {  	[sflag:s28] =	ssyncset.done $0x0  }
0x72: {  	[sflag:s28] =	ssyncadd.s32 $0xFFFFC000  }
0x73: {  	_ =	swait.ge [sflag:s22], $0x80  }
0x74: {  	[sflag:s22] =	ssyncset.done $0x0  }
0x75: {  	[sflag:s22] =	ssyncadd.s32 $0xFFFFFF80  }
0x76: {  	[tilespmem:s18], [sflag:$0x1] =	stream.indirect.gather [hbm4b:s4+s20], $0x80, s3, s20, $0xb8;
	[tilespmem:$0x1E900] =	vst v63  }
0x77: {  	_ =	swait.ge [sflag:s29], $0x4000  }
.Ltmp1:
0x78: {  	[sflag:s29] =	ssyncset.done $0x0;
	(pc) =	sbr.rel @p0 .LBB2_4-.Ltmp1, $4  }
0x79: {  	[sflag:s29] =	ssyncadd.s32 $0xFFFFC000  }
0x7a: {  	_ =	swait.ge [sflag:s23], $0x80  }
0x7b: {  	[sflag:s23] =	ssyncset.done $0x0  }
0x7c: {  	s17 =	sadd.s32 $0x100, s17;
	[sflag:s23] =	ssyncadd.s32 $0xFFFFFF80  }
0x7d: {  	[tilespmem:s24], [sflag:$0x2] =	stream.indirect.gather [hbm4b:s4+s20], $0x80, s20, s20, $0xb8;
	[tilespmem:$0x1E900] =	vst v63  }
0x7e: {  	_ =	swait.ge [sflag:s25], $0x4000  }
0x7f: {  	[sflag:s25] =	ssyncset.done $0x0  }
0x80: {  	s0 =	simm.s32 $0x2800;
	[sflag:s25] =	ssyncadd.s32 $0xFFFFC000  }
0x81: {  	[spmem:s2] =	stream.indirect.scatter.add.f32 [tilespmem:s18], [sflag:$0x3], $0x80, s0, s20, $0xb8;
	[tilespmem:$0x1E900] =	vst v63  }
0x82: {  	_ =	swait.ge [sflag:s26], $0x4000  }
0x83: {  	[sflag:s26] =	ssyncset.done $0x0  }
0x84: {  	s30 =	simm.s32 $0x2880;
	[sflag:s26] =	ssyncadd.s32 $0xFFFFC000  }
0x85: {  	[spmem:s2] =	stream.indirect.scatter.add.f32 [tilespmem:s24], [sflag:$0x4], $0x80, s30, s20, $0xb8;
	[tilespmem:$0x1E900] =	vst v63  }
0x86: {  	_ =	swait.ge [sflag:s28], $0x4000  }
0x87: {  	[sflag:s28] =	ssyncset.done $0x0  }
0x88: {  	[sflag:s28] =	ssyncadd.s32 $0xFFFFC000  }
0x89: {  	s31 =	stileid.u32;
	_ =	swait.ge [sflag:s29], $0x4000  }
0x8a: {  	s17 =	sshrl.u32 s5, $0x3;
	s1 =	sadd.s32 $0x1, s1;
	[sflag:s29] =	ssyncset.done $0x0  }
0x8b: {  	p0 =	sne.s32 s1, s14;
	s0 =	sshll.u32 s31, $0x6;
	[sflag:s29] =	ssyncadd.s32 $0xFFFFC000  }
.Ltmp2:
0x8c: {  	s0 =	sor.u32 $0x1C08, s0;
	[bflag:$0x0] =	sbarrier.arrive $0xFFFF;
	(pc) =	sbr.rel @p0 .LBB2_1-.Ltmp2, $4  }
0x8d: {  	[hbm:s13], [sflag:s0] =	dma.local [spmem:s17], $0x2800  }
0x8e: {  	_ =	swait.ge [sflag:s19], $0x2800  }
0x8f: {  	[sflag:s19] =	ssyncset.done $0x0  }
0x90: {  	[sflag:s19] =	ssyncadd.s32 $0xFFFFD800  }
0x91: {  	_ =	sfence.sel $0x180000  }
0x92: {  	[bflag:$0x0] =	sbarrier.arrive $0xFFFF  }
0x93: {  	_ =	strace $0x9000004A  }
0x94: {  	s0 =	stileid.u32;
	[bflag:$0x2] =	sbarrier.arrive $0xFFFF  }
0x95: {  	p0 =	sne.s32 s0, $0x0;
	s0 =	rddreg [dreg:$0x2]  }
0x96: {  	s0 =	sadd.s32 @!p0 $0x100000, s0  }
0x97: {  	[sflag:s0] =	ssyncadd.tile.s32 @!p0 $0x1;
	_ =	shalt  }
.Lfunc_end2:
_tile_overlayer_lowered:
.L_overlay_start_2:
0x98: {  	(tag) =	ssettag $0x2  }
0x99: {  	s0 =	rddreg [dreg:$0x0];
	s2 =	stileid.u32  }
0x9a: {  	s1 =	rddreg [dreg:$0x1];
	p0 =	sne.s32 s2, $0x0  }
0x9b: {  	s3 =	rddreg [dreg:$0x2];
	[bflag:$0x3] =	sbarrier.arrive $0xFFFF;
	s2 =	simm.s32 @!p0 $0x1C08  }
0x9c: {  	[timem:s3], [sflag:s2] =	dma.local @!p0 [hbm:s0], s1  }
0x9d: {  	s0 =	simm.s32 @!p0 $0x8  }
0x9e: {  	_ =	swait.ge @!p0 [sflag:s0], s1  }
0x9f: {  	s1 =	ssub.s32 @!p0 $0x0, s1;
	[sflag:s0] =	ssyncset.done @!p0 $0x0  }
0xa0: {  	[sflag:s0] =	ssyncadd.s32 @!p0 s1  }
0xa1: {  	[bflag:$0x3] =	sbarrier.arrive $0xFFFF  }
0xa2: {  	_ =	shalt  }

// kernel: kernel.18.cloned.1.call-start
scs
__scs_entry_jumppad:
0x0: {  	(pc) =	sbr.rel $0x88, $3  }
0x1: {  	(tag) =	ssettag $0x0;
	lr =	simm.s32 $0x1  }
0x2: {  	[smem:$0x3F94] =	sst lr;
	_ =	strace $0xD0000000  }
0x3: {  	_ = 	snop  }
0x4: {  	_ = 	snop  }
0x5: {  	_ = 	snop  }
0x6: {  	_ = 	snop  }
0x7: {  	_ = 	snop  }
__scs_overlays_trampoline_lowered:
0x8: {  	[smem:$0x3FA3] =	sst s0  }
0x9: {  	[smem:$0x3FA4] =	sst s1  }
0xa: {  	[smem:$0x3FA5] =	sst s2  }
0xb: {  	[smem:$0x3FA6] =	sst s3  }
0xc: {  	[smem:$0x3FA7] =	sst s4  }
0xd: {  	[smem:$0x3FA8] =	sst s5  }
0xe: {  	[smem:$0x3FA9] =	sst s6  }
0xf: {  	[smem:$0x3FAA] =	sst s7  }
0x10: {  	[smem:$0x3FAB] =	sst s8  }
0x11: {  	[smem:$0x3FAC] =	sst s9;
	s0 =	simm.s32 @!p0 $0x0  }
0x12: {  	s1 =	sld [smem:$0x3F92];
	s0 =	simm.s32 @p0 $0x1  }
0x13: {  	[smem:$0x3FAD] =	sst s0;
	s0 =	simm.s32 @!p1 $0x0  }
0x14: {  	s2 =	sld [smem:$0x3F91];
	s0 =	simm.s32 @p1 $0x1  }
0x15: {  	[smem:$0x3FAE] =	sst s0;
	s0 =	simm.s32 @!p2 $0x0  }
0x16: {  	s3 =	sld [smem:$0x3FDB];
	s0 =	simm.s32 @p2 $0x1  }
0x17: {  	s4 =	simm.s32 $0x1BF5;
	[smem:$0x3FB0] =	sst s0  }
0x18: {  	s0 =	sld [smem:$0x3F93];
	_ =	swait.ge [sflag:s4], $0x0  }
0x19: {  	s7 =	sld [smem:$0x3F94]  }
0x1a: {  	s8 =	sadd.s32 $0xFFFFE003, lr  }
0x1b: {  	s9 =	sadd.s32 $0xFFFFFEF7, lr;
	s5 =	simm.s32 $0xFFFFFFFF;
	p2 =	slt.u32 s8, $0xFFFFF086  }
0x1c: {  	p1 =	slt.u32 s9, $0xF7A;
	s5 =	simm.s32 @!p2 $0x0  }
0x1d: {  	s5 =	simm.s32 @p1 $0x1;
	p0 =	seq.s32 s7, s2  }
0x1e: {  	s7 =	smul.u32 @!p0 $0xF7A, s2;
	p2 =	seq.s32 @!p0 s5, $0x0  }
0x1f: {  	s9 =	smul.u32 $0xF7A, s1;
	s8 =	simm.s32 @!p0 $0x1BF5;
	p2 =	por !p2, p0  }
0x20: {  	[sflag:s8] =	ssyncset.s32 @!p0 $0xFFFFF086;
	s6 =	sadd.s32 @!p0 s3, s7;
	s7 =	simm.s32 @!p0 $0x108  }
0x21: {  	s3 =	sadd.s32 s3, s9;
	s6 =	sadd.s32 @!p0 $0x88, s6;
	s7 =	simm.s32 @p2 $0x1082  }
0x22: {  	[simem:s7], [sflag:s8] =	dma.local @!p0 [hbm:s6], $0xF7A  }
0x23: {  	s9 =	sor.u32 $0xD0000000, s2;
	s6 =	simm.s32 $0x108;
	_ =	swait.ge @!p0 [sflag:s8], $0x0  }
0x24: {  	s3 =	sadd.s32 $0x88, s3;
	s6 =	simm.s32 @!p1 $0x1082;
	[sflag:s4] =	ssyncset.s32 $0xFFFFF086  }
0x25: {  	[simem:s6], [sflag:s4] =	dma.local [hbm:s3], $0xF7A  }
0x26: {  	[smem:$0x3F94] =	sst s1;
	(tag) =	ssettag s2;
	_ =	strace s9  }
0x27: {  	s1 =	sld [smem:$0x3FA4]  }
0x28: {  	s2 =	sld [smem:$0x3FA5]  }
0x29: {  	s4 =	sld [smem:$0x3FA7]  }
0x2a: {  	p0 =	seq.s32 s5, $0x0;
	s5 =	sld [smem:$0x3FA8]  }
0x2b: {  	s6 =	sld [smem:$0x3FA9]  }
0x2c: {  	s7 =	sld [smem:$0x3FAA]  }
0x2d: {  	s3 =	simm.s32 $0x108;
	s8 =	sld [smem:$0x3FAB]  }
0x2e: {  	s3 =	simm.s32 @!p0 $0x1082;
	s9 =	sld [smem:$0x3FAC]  }
0x2f: {  	lr =	sadd.s32 s0, s3;
	s0 =	sld [smem:$0x3FA3]  }
0x30: {  	s3 =	sld [smem:$0x3FA6]  }
0x31: {  	[smem:$0x3FAF] =	sst s10  }
0x32: {  	s10 =	sld [smem:$0x3FAD];
	_ =	sdelay $0x3  }
0x33: {  	p0 =	seq.s32 s10, $0x1;
	s10 =	sld [smem:$0x3FAF];
	_ =	sdelay $0x3  }
0x34: {  	[smem:$0x3FAF] =	sst s10  }
0x35: {  	s10 =	sld [smem:$0x3FAE];
	_ =	sdelay $0x3  }
0x36: {  	p1 =	seq.s32 s10, $0x1;
	s10 =	sld [smem:$0x3FAF];
	_ =	sdelay $0x3  }
0x37: {  	[smem:$0x3FAF] =	sst s10  }
0x38: {  	s10 =	sld [smem:$0x3FB0]  }
0x39: {  	_ = 	snop;
	(pc) =	sbr.ind lr, $3  }
0x3a: {  	_ = 	snop  }
0x3b: {  	_ = 	snop  }
0x3c: {  	p2 =	seq.s32 s10, $0x1;
	s10 =	sld [smem:$0x3FAF]  }
0x3d: {  	_ =	shalt  }
0x3e: {  	_ =	shalt  }
0x3f: {  	_ =	shalt  }
0x40: {  	_ =	shalt  }
0x41: {  	_ =	shalt  }
0x42: {  	_ =	shalt  }
0x43: {  	_ =	shalt  }
0x44: {  	_ =	shalt  }
0x45: {  	_ =	shalt  }
0x46: {  	_ =	shalt  }
0x47: {  	_ =	shalt  }
0x48: {  	_ =	shalt  }
0x49: {  	_ =	shalt  }
0x4a: {  	_ =	shalt  }
0x4b: {  	_ =	shalt  }
0x4c: {  	_ =	shalt  }
0x4d: {  	_ =	shalt  }
0x4e: {  	_ =	shalt  }
0x4f: {  	_ =	shalt  }
0x50: {  	_ =	shalt  }
0x51: {  	_ =	shalt  }
0x52: {  	_ =	shalt  }
0x53: {  	_ =	shalt  }
0x54: {  	_ =	shalt  }
0x55: {  	_ =	shalt  }
0x56: {  	_ =	shalt  }
0x57: {  	_ =	shalt  }
0x58: {  	_ =	shalt  }
0x59: {  	_ =	shalt  }
0x5a: {  	_ =	shalt  }
0x5b: {  	_ =	shalt  }
0x5c: {  	_ =	shalt  }
0x5d: {  	_ =	shalt  }
0x5e: {  	_ =	shalt  }
0x5f: {  	_ =	shalt  }
0x60: {  	_ =	shalt  }
0x61: {  	_ =	shalt  }
0x62: {  	_ =	shalt  }
0x63: {  	_ =	shalt  }
0x64: {  	_ =	shalt  }
0x65: {  	_ =	shalt  }
0x66: {  	_ =	shalt  }
0x67: {  	_ =	shalt  }
0x68: {  	_ =	shalt  }
0x69: {  	_ =	shalt  }
0x6a: {  	_ =	shalt  }
0x6b: {  	_ =	shalt  }
0x6c: {  	_ =	shalt  }
0x6d: {  	_ =	shalt  }
0x6e: {  	_ =	shalt  }
0x6f: {  	_ =	shalt  }
0x70: {  	_ =	shalt  }
0x71: {  	_ =	shalt  }
0x72: {  	_ =	shalt  }
0x73: {  	_ =	shalt  }
0x74: {  	_ =	shalt  }
0x75: {  	_ =	shalt  }
0x76: {  	_ =	shalt  }
0x77: {  	_ =	shalt  }
0x78: {  	_ =	shalt  }
0x79: {  	_ =	shalt  }
0x7a: {  	_ =	shalt  }
0x7b: {  	_ =	shalt  }
0x7c: {  	_ =	shalt  }
0x7d: {  	_ =	shalt  }
0x7e: {  	_ =	shalt  }
0x7f: {  	_ =	shalt  }
0x80: {  	_ =	shalt  }
0x81: {  	_ =	shalt  }
0x82: {  	_ =	shalt  }
0x83: {  	_ =	shalt  }
0x84: {  	_ =	shalt  }
0x85: {  	_ =	shalt  }
0x86: {  	_ =	shalt  }
0x87: {  	_ =	shalt  }
.Lfunc_end0:
.L_simem_size_0:
called_computation.2_lowered:
.L_overlay_start_0:
0x88: {  	s2 =	sld [smem:$0x3FD9]  }
0x89: {  	s3 =	sld [smem:$0x3FFE];
	_ =	sdelay $0x1  }
0x8a: {  	s1 =	srdreg.scid  }
0x8b: {  	s0 =	sand.u32 $0x1, s1  }
0x8c: {  	s16 =	sshll.u32 s0, $0xA;
	s2 =	sadd.s32 s3, s2  }
0x8d: {  	s2 =	sadd.s32 s2, s16  }
0x8e: {  	[smem:$0x3FBB] =	sst s2  }
0x8f: {  	_ = 	snop  }
0x90: {  	(tm) =	ssettm $0x1  }
0x91: {  	s17 =	sld [smem:$0x3FFB];
	_ =	sdelay $0x3  }
0x92: {  	_ =	strace s17  }
0x93: {  	s2 =	sld [smem:$0x3FFC];
	_ =	sdelay $0x3  }
0x94: {  	_ =	strace s2  }
0x95: {  	s2 =	sld [smem:$0x3FFD];
	_ =	sdelay $0x3  }
0x96: {  	_ =	strace s2  }
0x97: {  	_ =	strace $0x8FFFFFFF  }
0x98: {  	s18 =	sld [smem:$0x3FDB];
	_ =	sdelay $0x1  }
0x99: {  	s19 =	simm.s32 $_scs_section_size  }
0x9a: {  	s4 =	simm.s32 $_size__tile_overlayer_lowered;
	s5 =	simm.s32 $_tile_overlayer_lowered  }
0x9b: {  	s22 =	simm.s32 $0x1BFF;
	s21 =	sshll.u32 s5, $0x1;
	s2 =	sadd.s32 s19, s18  }
0x9c: {  	s6 =	simm.s32 $0x0;
	s20 =	sshll.u32 s4, $0x1;
	s4 =	sadd.s32 s21, s2  }
0x9d: {  	[timem:s6], [sflag:s22] =	dma.local [hbm:s4], s20  }
0x9e: {  	_ =	swait.ge [sflag:s22], s20  }
0x9f: {  	s3 =	ssub.s32 $0x0, s20;
	[sflag:s22] =	ssyncset.done $0x0  }
0xa0: {  	[sflag:s22] =	ssyncadd.s32 s3;
	_ =	sdelay $0x1  }
0xa1: {  	s23 =	simm.s32 $0x1B8B  }
0xa2: {  	_ =	swait.ge [sflag:s23], $0x1  }
0xa3: {  	[sflag:s23] =	ssyncset.done $0x0  }
0xa4: {  	s25 =	simm.s32 $0x1B8E;
	s24 =	sld [smem:$0x3FFE];
	[sflag:s23] =	ssyncadd.s32 $0xFFFFFFFF  }
0xa5: {  	s26 =	simm.s32 $execute0_lowered;
	[smem:$0x3FD2] =	sst s25  }
0xa6: {  	s4 =	sshll.u32 s26, $0x1;
	_ =	strace $0x8000004C;
	[dreg:$0x1] =	wrdreg $0xFFFFFFFF  }
0xa7: {  	s28 =	simm.s32 $_size_execute0_lowered;
	s2 =	sadd.s32 s2, s4;
	[dreg:$0x0] =	wrdreg $0x0  }
0xa8: {  	s4 =	sshll.u32 s28, $0x1;
	[dreg:$0x2] =	wrdreg s2  }
0xa9: {  	[dreg:$0x3] =	wrdreg s4  }
0xaa: {  	[dreg:$0x4] =	wrdreg $0xC0  }
0xab: {  	_ =	task [dreg:s6], $0x5FFFF  }
0xac: {  	[dreg:$0x1] =	wrdreg $0xFFFFFFFF  }
0xad: {  	[dreg:$0x0] =	wrdreg $0x60  }
0xae: {  	[dreg:$0x2] =	wrdreg s24  }
0xaf: {  	[dreg:$0x3] =	wrdreg $0xA9000  }
0xb0: {  	[dreg:$0x4] =	wrdreg $0x9  }
0xb1: {  	_ =	task.clear_ibuf [dreg:s6], $0x5FFFF;
	_ =	strace $0x9000004C  }
0xb2: {  	s29 =	simm.s32 $0x9;
	_ =	strace $0x8000004E  }
0xb3: {  	_ =	swait.ge [sflag:s29], $0x1  }
0xb4: {  	[sflag:s29] =	ssyncadd.s32 $0xFFFFFFFF  }
0xb5: {  	_ =	strace $0x9000004E  }
0xb6: {  	_ =	sfence  }
0xb7: {  	s30 =	sld [smem:$0x0];
	_ =	sdelay $0x2  }
0xb8: {  	s31 =	sshll.u32 s1, $0xD;
	s1 =	sshrl.u32 s1, $0x2  }
0xb9: {  	s3 =	sand.u32 $0x4000, s31;
	s1 =	sadd.s32 s1, s30  }
0xba: {  	s0 =	sor.u32 s3, s0;
	s1 =	sshll.u32 s1, $0x11  }
0xbb: {  	s0 =	sor.u32 s1, s0  }
0xbc: {  	s0 =	sadd.s32 $0x8F2B, s0  }
0xbd: {  	[sflag:s0] =	ssyncadd.remote.s32 $0x1  }
0xbe: {  	_ =	sfence.sel $0xFFFF  }
0xbf: {  	[dreg:$0x0] =	wrdreg $0xFFFFFFFF;
	(pc) =	sbr.abs _section_cstart, $3  }
0xc0: {  	[dreg:$0x1] =	wrdreg $0xFFFFFFFF  }
0xc1: {  	_ =	task.clear_ibuf [dreg:s6], $0x2FFFF;
	_ =	strace $0x9FFFFFFF  }
0xc2: {  	(tm) =	ssettm $0x7FFFFFFF  }
0xc3: {  	_ =	shalt  }
tec
execute0_lowered:
.L_overlay_start_1:
0x0: {  	(tag) =	ssettag $0x1  }
0x1: {  	s0 =	srdreg.scid;
	s1 =	rddreg [dreg:$0x0]  }
0x2: {  	s8 =	stileid.u32;
	s2 =	rddreg [dreg:$0x1]  }
0x3: {  	s18 =	simm.s32 $0x2900;
	s19 =	simm.s32 $0x8;
	s20 =	simm.s32 $0x80  }
0x4: {  	s21 =	simm.s32 $0x7;
	s22 =	simm.s32 $0x5;
	s23 =	simm.s32 $0x6  }
0x5: {  	s24 =	simm.s32 $0x6900;
	s28 =	simm.s32 $0x3;
	s6 =	smul.u32 $0x2800, s8  }
0x6: {  	s29 =	simm.s32 $0x4;
	s0 =	sand.u32 $0x1, s0;
	s25 =	smul.u32 $0x50000, s8  }
0x7: {  	s16 =	sadd.s32 $0xE000, s1;
	s3 =	sshll.u32 s0, $0x4;
	s7 =	smul.u32 $0x28000, s0  }
0x8: {  	s0 =	ssub.s32 $0x2, s0;
	s4 =	sor.u32 s8, s3;
	s3 =	simm.s32 $0x0  }
0x9: {  	s30 =	sshrl.u32 s0, $0x1;
	s5 =	smul.u32 $0x2800, s4;
	[smem:$0x7FF] =	sst s3  }
0xa: {  	s4 =	sadd.s32 $0x3F200, s1;
	s13 =	sadd.s32 s6, s7;
	s0 =	ssub.s32 s0, s30  }
0xb: {  	_ =	strace $0x8000004D;
	s14 =	sor.u32 $0x180, s13;
	s15 =	sor.u32 $0x100, s13  }
0xc: {  	s11 =	sshrl.u32 s5, $0x3;
	s5 =	sshrl.u32 s25, $0x2;
	s31 =	sshrl.u32 s14, $0x3  }
0xd: {  	s17 =	sshrl.u32 s15, $0x3;
	s14 =	smax.u32 s0, $0x1;
	s25 =	simm.s32 $0x1  }
0xe: {  	s26 =	sadd.s32 s11, s1;
	s1 =	sadd.s32 s13, s1;
	s5 =	sadd.s32 s5, s2  }
0xf: {  	s11 =	sadd.s32 s16, s11;
	s15 =	sadd.s32 s31, s16;
	s16 =	sadd.s32 s17, s16  }
0x10: {  	s6 =	sadd.s32 $0x4000, s26;
	s7 =	sadd.s32 $0x4000, s5;
	s8 =	sadd.s32 $0x8000, s5  }
0x11: {  	s9 =	sadd.s32 $0xC000, s5;
	s10 =	sadd.s32 $0x10000, s5;
	s12 =	sadd.s32 $0x10, s11  }
0x12: {  	v0 =	vimm.f32 $0.0e+00;
	s13 =	sadd.s32 $0x66400, s1;
	s26 =	simm.s32 $0x2;
	s1 =	simm.s32 $0x0  }
.LBB2_1:
0x13: {  	s0 =	simm.s32 $0x100  }
0x14: {  	[tilespmem:s0], [sflag:$0x7] =	stream.linear.gather [hbm4b:s6+s3], $0x2800, $0x38;
	[tilespmem:$0x1E900] =	vst v63  }
0x15: {  	s17 =	simm.s32 $0x200;
	s0 =	simm.s32 $0x0  }
.LBB2_2:
0x16: {  	p0 =	sne.s32 s17, $0xFE00;
	[tilespmem:s0+$0x2970] =	vst v0  }
0x17: {  	[tilespmem:s0+$0x2900] =	vst v0  }
0x18: {  	[tilespmem:s0+$0x2910] =	vst v0  }
.Ltmp0:
0x19: {  	[tilespmem:s0+$0x2920] =	vst v0;
	(pc) =	sbr.rel @p0 .LBB2_2-.Ltmp0, $4  }
0x1a: {  	[tilespmem:s0+$0x2930] =	vst v0  }
0x1b: {  	[tilespmem:s0+$0x2940] =	vst v0  }
0x1c: {  	[tilespmem:s0+$0x2950] =	vst v0  }
0x1d: {  	[tilespmem:s0+$0x2960] =	vst v0;
	s0 =	sshra.s32 s17, $0x2;
	s17 =	sadd.s32 $0x200, s17  }
0x1e: {  	[tilespmem:s0+$0x2970] =	vst v0  }
0x1f: {  	[tilespmem:s0+$0x2900] =	vst v0  }
0x20: {  	[tilespmem:s0+$0x2910] =	vst v0  }
0x21: {  	[tilespmem:s0+$0x2920] =	vst v0  }
0x22: {  	[tilespmem:s0+$0x2930] =	vst v0  }
0x23: {  	[tilespmem:s0+$0x2940] =	vst v0  }
0x24: {  	[tilespmem:s0+$0x2950] =	vst v0  }
0x25: {  	[tilespmem:s0+$0x2960] =	vst v0  }
0x26: {  	[spmem:s5] =	stream.linear.scatter [tilespmem:s18], [sflag:$0x8], $0x4000, $0x38;
	[tilespmem:$0x1E900] =	vst v63  }
0x27: {  	_ =	swait.ge [sflag:s19], $0x4000  }
0x28: {  	[sflag:s19] =	ssyncset.done $0x0  }
0x29: {  	[sflag:s19] =	ssyncadd.s32 $0xFFFFC000  }
0x2a: {  	[spmem:s7] =	stream.linear.scatter [tilespmem:s18], [sflag:$0x8], $0x4000, $0x38;
	[tilespmem:$0x1E900] =	vst v63  }
0x2b: {  	_ =	swait.ge [sflag:s19], $0x4000  }
0x2c: {  	[sflag:s19] =	ssyncset.done $0x0  }
0x2d: {  	[sflag:s19] =	ssyncadd.s32 $0xFFFFC000  }
0x2e: {  	[spmem:s8] =	stream.linear.scatter [tilespmem:s18], [sflag:$0x8], $0x4000, $0x38;
	[tilespmem:$0x1E900] =	vst v63  }
0x2f: {  	_ =	swait.ge [sflag:s19], $0x4000  }
0x30: {  	[sflag:s19] =	ssyncset.done $0x0  }
0x31: {  	[sflag:s19] =	ssyncadd.s32 $0xFFFFC000  }
0x32: {  	[spmem:s9] =	stream.linear.scatter [tilespmem:s18], [sflag:$0x8], $0x4000, $0x38;
	[tilespmem:$0x1E900] =	vst v63  }
0x33: {  	_ =	swait.ge [sflag:s19], $0x4000  }
0x34: {  	[sflag:s19] =	ssyncset.done $0x0  }
0x35: {  	[sflag:s19] =	ssyncadd.s32 $0xFFFFC000  }
0x36: {  	[spmem:s10] =	stream.linear.scatter [tilespmem:s18], [sflag:$0x8], $0x4000, $0x38;
	[tilespmem:$0x1E900] =	vst v63  }
0x37: {  	_ =	swait.ge [sflag:s19], $0x4000  }
0x38: {  	[sflag:s19] =	ssyncset.done $0x0  }
0x39: {  	[sflag:s19] =	ssyncadd.s32 $0xFFFFC000  }
0x3a: {  	s30 =	simm.s32 $0x0;
	[bflag:$0x0] =	sbarrier.arrive $0xFFFF  }
0x3b: {  	[tilespmem:s30], [sflag:$0x5] =	stream.linear.gather [hbm4b:s11+s30], $0x80, $0x38;
	[tilespmem:$0x1E900] =	vst v63  }
0x3c: {  	_ = 	snop  }
0x3d: {  	[tilespmem:s20], [sflag:$0x6] =	stream.linear.gather [hbm4b:s12+s30], $0x80, $0x38;
	[tilespmem:$0x1E900] =	vst v63  }
0x3e: {  	_ =	swait.ge [sflag:s21], $0x2800  }
0x3f: {  	[sflag:s21] =	ssyncset.done $0x0  }
0x40: {  	[sflag:s21] =	ssyncadd.s32 $0xFFFFD800  }
0x41: {  	_ =	swait.ge [sflag:s22], $0x80  }
0x42: {  	[sflag:s22] =	ssyncset.done $0x0  }
0x43: {  	[sflag:s22] =	ssyncadd.s32 $0xFFFFFF80  }
0x44: {  	[tilespmem:s18], [sflag:$0x1] =	stream.indirect.gather [hbm4b:s4+s20], $0x80, s30, s20, $0xb8;
	[tilespmem:$0x1E900] =	vst v63  }
0x45: {  	_ =	swait.ge [sflag:s23], $0x80  }
0x46: {  	[sflag:s23] =	ssyncset.done $0x0  }
0x47: {  	[sflag:s23] =	ssyncadd.s32 $0xFFFFFF80  }
0x48: {  	[tilespmem:s24], [sflag:$0x2] =	stream.indirect.gather [hbm4b:s4+s20], $0x80, s20, s20, $0xb8;
	[tilespmem:$0x1E900] =	vst v63  }
0x49: {  	_ =	swait.ge [sflag:s25], $0x4000  }
0x4a: {  	[sflag:s25] =	ssyncset.done $0x0  }
0x4b: {  	s31 =	simm.s32 $0x100;
	[sflag:s25] =	ssyncadd.s32 $0xFFFFC000  }
0x4c: {  	[spmem:s2] =	stream.indirect.scatter.add.f32 [tilespmem:s18], [sflag:$0x3], $0x80, s31, s20, $0xb8;
	[tilespmem:$0x1E900] =	vst v63  }
0x4d: {  	s17 =	sadd.s32 $0x0, s16  }
0x4e: {  	[tilespmem:s3], [sflag:$0x5] =	stream.linear.gather [hbm4b:s17+s3], $0x80, $0x38;
	[tilespmem:$0x1E900] =	vst v63  }
0x4f: {  	_ =	swait.ge [sflag:s26], $0x4000  }
0x50: {  	[sflag:s26] =	ssyncset.done $0x0  }
0x51: {  	s30 =	simm.s32 $0x180;
	[sflag:s26] =	ssyncadd.s32 $0xFFFFC000  }
0x52: {  	[spmem:s2] =	stream.indirect.scatter.add.f32 [tilespmem:s24], [sflag:$0x4], $0x80, s30, s20, $0xb8;
	[tilespmem:$0x1E900] =	vst v63  }
0x53: {  	s31 =	sadd.s32 $0x0, s15  }
0x54: {  	[tilespmem:s20], [sflag:$0x6] =	stream.linear.gather [hbm4b:s31+s3], $0x80, $0x38;
	[tilespmem:$0x1E900] =	vst v63  }
0x55: {  	_ =	swait.ge [sflag:s28], $0x4000  }
0x56: {  	[sflag:s28] =	ssyncset.done $0x0  }
0x57: {  	[sflag:s28] =	ssyncadd.s32 $0xFFFFC000  }
0x58: {  	_ =	swait.ge [sflag:s22], $0x80  }
0x59: {  	[sflag:s22] =	ssyncset.done $0x0  }
0x5a: {  	[sflag:s22] =	ssyncadd.s32 $0xFFFFFF80  }
0x5b: {  	[tilespmem:s18], [sflag:$0x1] =	stream.indirect.gather [hbm4b:s4+s20], $0x80, s3, s20, $0xb8;
	[tilespmem:$0x1E900] =	vst v63  }
0x5c: {  	_ =	swait.ge [sflag:s29], $0x4000  }
0x5d: {  	[sflag:s29] =	ssyncset.done $0x0  }
0x5e: {  	[sflag:s29] =	ssyncadd.s32 $0xFFFFC000  }
0x5f: {  	_ =	swait.ge [sflag:s23], $0x80  }
0x60: {  	[sflag:s23] =	ssyncset.done $0x0  }
0x61: {  	s0 =	simm.s32 $0x20;
	s17 =	simm.s32 $0x280;
	[sflag:s23] =	ssyncadd.s32 $0xFFFFFF80  }
.LBB2_4:
0x62: {  	[tilespmem:s24], [sflag:$0x2] =	stream.indirect.gather [hbm4b:s4+s20], $0x80, s20, s20, $0xb8;
	[tilespmem:$0x1E900] =	vst v63  }
0x63: {  	s30 =	smov.u32 s0  }
0x64: {  	p0 =	sne.s32 s0, $0x4C0;
	s0 =	sadd.s32 $0x20, s0;
	_ =	swait.ge [sflag:s25], $0x4000  }
0x65: {  	[sflag:s25] =	ssyncset.done $0x0  }
0x66: {  	s31 =	sadd.s32 $0xFFFFFF80, s17;
	[sflag:s25] =	ssyncadd.s32 $0xFFFFC000  }
0x67: {  	[spmem:s2] =	stream.indirect.scatter.add.f32 [tilespmem:s18], [sflag:$0x3], $0x80, s31, s20, $0xb8;
	[tilespmem:$0x1E900] =	vst v63  }
0x68: {  	s31 =	sadd.s32 s30, s16  }
0x69: {  	[tilespmem:s3], [sflag:$0x5] =	stream.linear.gather [hbm4b:s31+s3], $0x80, $0x38;
	[tilespmem:$0x1E900] =	vst v63  }
0x6a: {  	_ =	swait.ge [sflag:s26], $0x4000  }
0x6b: {  	[sflag:s26] =	ssyncset.done $0x0  }
0x6c: {  	[sflag:s26] =	ssyncadd.s32 $0xFFFFC000  }
0x6d: {  	[spmem:s2] =	stream.indirect.scatter.add.f32 [tilespmem:s24], [sflag:$0x4], $0x80, s17, s20, $0xb8;
	[tilespmem:$0x1E900] =	vst v63  }
0x6e: {  	s30 =	sadd.s32 s30, s15  }
0x6f: {  	[tilespmem:s20], [sflag:$0x6] =	stream.linear.gather [hbm4b:s30+s3], $0x80, $0x38;
	[tilespmem:$0x1E900] =	vst v63  }
0x70: {  	_ =	swait.ge [sflag:s28], $0x4000  }
0x71: {  	[sflag:s28] =	ssyncset.done $0x0  }
0x72: {  	[sflag:s28] =	ssyncadd.s32 $0xFFFFC000  }
0x73: {  	_ =	swait.ge [sflag:s22], $0x80  }
0x74: {  	[sflag:s22] =	ssyncset.done $0x0  }
0x75: {  	[sflag:s22] =	ssyncadd.s32 $0xFFFFFF80  }
0x76: {  	[tilespmem:s18], [sflag:$0x1] =	stream.indirect.gather [hbm4b:s4+s20], $0x80, s3, s20, $0xb8;
	[tilespmem:$0x1E900] =	vst v63  }
0x77: {  	_ =	swait.ge [sflag:s29], $0x4000  }
.Ltmp1:
0x78: {  	[sflag:s29] =	ssyncset.done $0x0;
	(pc) =	sbr.rel @p0 .LBB2_4-.Ltmp1, $4  }
0x79: {  	[sflag:s29] =	ssyncadd.s32 $0xFFFFC000  }
0x7a: {  	_ =	swait.ge [sflag:s23], $0x80  }
0x7b: {  	[sflag:s23] =	ssyncset.done $0x0  }
0x7c: {  	s17 =	sadd.s32 $0x100, s17;
	[sflag:s23] =	ssyncadd.s32 $0xFFFFFF80  }
0x7d: {  	[tilespmem:s24], [sflag:$0x2] =	stream.indirect.gather [hbm4b:s4+s20], $0x80, s20, s20, $0xb8;
	[tilespmem:$0x1E900] =	vst v63  }
0x7e: {  	_ =	swait.ge [sflag:s25], $0x4000  }
0x7f: {  	[sflag:s25] =	ssyncset.done $0x0  }
0x80: {  	s0 =	simm.s32 $0x2800;
	[sflag:s25] =	ssyncadd.s32 $0xFFFFC000  }
0x81: {  	[spmem:s2] =	stream.indirect.scatter.add.f32 [tilespmem:s18], [sflag:$0x3], $0x80, s0, s20, $0xb8;
	[tilespmem:$0x1E900] =	vst v63  }
0x82: {  	_ =	swait.ge [sflag:s26], $0x4000  }
0x83: {  	[sflag:s26] =	ssyncset.done $0x0  }
0x84: {  	s30 =	simm.s32 $0x2880;
	[sflag:s26] =	ssyncadd.s32 $0xFFFFC000  }
0x85: {  	[spmem:s2] =	stream.indirect.scatter.add.f32 [tilespmem:s24], [sflag:$0x4], $0x80, s30, s20, $0xb8;
	[tilespmem:$0x1E900] =	vst v63  }
0x86: {  	_ =	swait.ge [sflag:s28], $0x4000  }
0x87: {  	[sflag:s28] =	ssyncset.done $0x0  }
0x88: {  	[sflag:s28] =	ssyncadd.s32 $0xFFFFC000  }
0x89: {  	s31 =	stileid.u32;
	_ =	swait.ge [sflag:s29], $0x4000  }
0x8a: {  	s17 =	sshrl.u32 s5, $0x3;
	s1 =	sadd.s32 $0x1, s1;
	[sflag:s29] =	ssyncset.done $0x0  }
0x8b: {  	p0 =	sne.s32 s1, s14;
	s0 =	sshll.u32 s31, $0x6;
	[sflag:s29] =	ssyncadd.s32 $0xFFFFC000  }
.Ltmp2:
0x8c: {  	s0 =	sor.u32 $0x1C08, s0;
	[bflag:$0x0] =	sbarrier.arrive $0xFFFF;
	(pc) =	sbr.rel @p0 .LBB2_1-.Ltmp2, $4  }
0x8d: {  	[hbm:s13], [sflag:s0] =	dma.local [spmem:s17], $0x2800  }
0x8e: {  	_ =	swait.ge [sflag:s19], $0x2800  }
0x8f: {  	[sflag:s19] =	ssyncset.done $0x0  }
0x90: {  	[sflag:s19] =	ssyncadd.s32 $0xFFFFD800  }
0x91: {  	_ =	sfence.sel $0x180000  }
0x92: {  	[bflag:$0x0] =	sbarrier.arrive $0xFFFF  }
0x93: {  	_ =	strace $0x9000004D  }
0x94: {  	s0 =	stileid.u32;
	[bflag:$0x2] =	sbarrier.arrive $0xFFFF  }
0x95: {  	p0 =	sne.s32 s0, $0x0;
	s0 =	rddreg [dreg:$0x2]  }
0x96: {  	s0 =	sadd.s32 @!p0 $0x100000, s0  }
0x97: {  	[sflag:s0] =	ssyncadd.tile.s32 @!p0 $0x1;
	_ =	shalt  }
.Lfunc_end2:
_tile_overlayer_lowered:
.L_overlay_start_2:
0x98: {  	(tag) =	ssettag $0x2  }
0x99: {  	s0 =	rddreg [dreg:$0x0];
	s2 =	stileid.u32  }
0x9a: {  	s1 =	rddreg [dreg:$0x1];
	p0 =	sne.s32 s2, $0x0  }
0x9b: {  	s3 =	rddreg [dreg:$0x2];
	[bflag:$0x3] =	sbarrier.arrive $0xFFFF;
	s2 =	simm.s32 @!p0 $0x1C08  }
0x9c: {  	[timem:s3], [sflag:s2] =	dma.local @!p0 [hbm:s0], s1  }
0x9d: {  	s0 =	simm.s32 @!p0 $0x8  }
0x9e: {  	_ =	swait.ge @!p0 [sflag:s0], s1  }
0x9f: {  	s1 =	ssub.s32 @!p0 $0x0, s1;
	[sflag:s0] =	ssyncset.done @!p0 $0x0  }
0xa0: {  	[sflag:s0] =	ssyncadd.s32 @!p0 s1  }
0xa1: {  	[bflag:$0x3] =	sbarrier.arrive $0xFFFF  }
0xa2: {  	_ =	shalt  }

// kernel: kernel.21.cloned.1.call-start
scs
__scs_entry_jumppad:
0x0: {  	(pc) =	sbr.rel $0x88, $3  }
0x1: {  	(tag) =	ssettag $0x0;
	lr =	simm.s32 $0x1  }
0x2: {  	[smem:$0x3F94] =	sst lr;
	_ =	strace $0xD0000000  }
0x3: {  	_ = 	snop  }
0x4: {  	_ = 	snop  }
0x5: {  	_ = 	snop  }
0x6: {  	_ = 	snop  }
0x7: {  	_ = 	snop  }
__scs_overlays_trampoline_lowered:
0x8: {  	[smem:$0x3FA3] =	sst s0  }
0x9: {  	[smem:$0x3FA4] =	sst s1  }
0xa: {  	[smem:$0x3FA5] =	sst s2  }
0xb: {  	[smem:$0x3FA6] =	sst s3  }
0xc: {  	[smem:$0x3FA7] =	sst s4  }
0xd: {  	[smem:$0x3FA8] =	sst s5  }
0xe: {  	[smem:$0x3FA9] =	sst s6  }
0xf: {  	[smem:$0x3FAA] =	sst s7  }
0x10: {  	[smem:$0x3FAB] =	sst s8  }
0x11: {  	[smem:$0x3FAC] =	sst s9;
	s0 =	simm.s32 @!p0 $0x0  }
0x12: {  	s1 =	sld [smem:$0x3F92];
	s0 =	simm.s32 @p0 $0x1  }
0x13: {  	[smem:$0x3FAD] =	sst s0;
	s0 =	simm.s32 @!p1 $0x0  }
0x14: {  	s2 =	sld [smem:$0x3F91];
	s0 =	simm.s32 @p1 $0x1  }
0x15: {  	[smem:$0x3FAE] =	sst s0;
	s0 =	simm.s32 @!p2 $0x0  }
0x16: {  	s3 =	sld [smem:$0x3FDB];
	s0 =	simm.s32 @p2 $0x1  }
0x17: {  	s4 =	simm.s32 $0x1BF5;
	[smem:$0x3FB0] =	sst s0  }
0x18: {  	s0 =	sld [smem:$0x3F93];
	_ =	swait.ge [sflag:s4], $0x0  }
0x19: {  	s7 =	sld [smem:$0x3F94]  }
0x1a: {  	s8 =	sadd.s32 $0xFFFFE003, lr  }
0x1b: {  	s9 =	sadd.s32 $0xFFFFFEF7, lr;
	s5 =	simm.s32 $0xFFFFFFFF;
	p2 =	slt.u32 s8, $0xFFFFF086  }
0x1c: {  	p1 =	slt.u32 s9, $0xF7A;
	s5 =	simm.s32 @!p2 $0x0  }
0x1d: {  	s5 =	simm.s32 @p1 $0x1;
	p0 =	seq.s32 s7, s2  }
0x1e: {  	s7 =	smul.u32 @!p0 $0xF7A, s2;
	p2 =	seq.s32 @!p0 s5, $0x0  }
0x1f: {  	s9 =	smul.u32 $0xF7A, s1;
	s8 =	simm.s32 @!p0 $0x1BF5;
	p2 =	por !p2, p0  }
0x20: {  	[sflag:s8] =	ssyncset.s32 @!p0 $0xFFFFF086;
	s6 =	sadd.s32 @!p0 s3, s7;
	s7 =	simm.s32 @!p0 $0x108  }
0x21: {  	s3 =	sadd.s32 s3, s9;
	s6 =	sadd.s32 @!p0 $0x88, s6;
	s7 =	simm.s32 @p2 $0x1082  }
0x22: {  	[simem:s7], [sflag:s8] =	dma.local @!p0 [hbm:s6], $0xF7A  }
0x23: {  	s9 =	sor.u32 $0xD0000000, s2;
	s6 =	simm.s32 $0x108;
	_ =	swait.ge @!p0 [sflag:s8], $0x0  }
0x24: {  	s3 =	sadd.s32 $0x88, s3;
	s6 =	simm.s32 @!p1 $0x1082;
	[sflag:s4] =	ssyncset.s32 $0xFFFFF086  }
0x25: {  	[simem:s6], [sflag:s4] =	dma.local [hbm:s3], $0xF7A  }
0x26: {  	[smem:$0x3F94] =	sst s1;
	(tag) =	ssettag s2;
	_ =	strace s9  }
0x27: {  	s1 =	sld [smem:$0x3FA4]  }
0x28: {  	s2 =	sld [smem:$0x3FA5]  }
0x29: {  	s4 =	sld [smem:$0x3FA7]  }
0x2a: {  	p0 =	seq.s32 s5, $0x0;
	s5 =	sld [smem:$0x3FA8]  }
0x2b: {  	s6 =	sld [smem:$0x3FA9]  }
0x2c: {  	s7 =	sld [smem:$0x3FAA]  }
0x2d: {  	s3 =	simm.s32 $0x108;
	s8 =	sld [smem:$0x3FAB]  }
0x2e: {  	s3 =	simm.s32 @!p0 $0x1082;
	s9 =	sld [smem:$0x3FAC]  }
0x2f: {  	lr =	sadd.s32 s0, s3;
	s0 =	sld [smem:$0x3FA3]  }
0x30: {  	s3 =	sld [smem:$0x3FA6]  }
0x31: {  	[smem:$0x3FAF] =	sst s10  }
0x32: {  	s10 =	sld [smem:$0x3FAD];
	_ =	sdelay $0x3  }
0x33: {  	p0 =	seq.s32 s10, $0x1;
	s10 =	sld [smem:$0x3FAF];
	_ =	sdelay $0x3  }
0x34: {  	[smem:$0x3FAF] =	sst s10  }
0x35: {  	s10 =	sld [smem:$0x3FAE];
	_ =	sdelay $0x3  }
0x36: {  	p1 =	seq.s32 s10, $0x1;
	s10 =	sld [smem:$0x3FAF];
	_ =	sdelay $0x3  }
0x37: {  	[smem:$0x3FAF] =	sst s10  }
0x38: {  	s10 =	sld [smem:$0x3FB0]  }
0x39: {  	_ = 	snop;
	(pc) =	sbr.ind lr, $3  }
0x3a: {  	_ = 	snop  }
0x3b: {  	_ = 	snop  }
0x3c: {  	p2 =	seq.s32 s10, $0x1;
	s10 =	sld [smem:$0x3FAF]  }
0x3d: {  	_ =	shalt  }
0x3e: {  	_ =	shalt  }
0x3f: {  	_ =	shalt  }
0x40: {  	_ =	shalt  }
0x41: {  	_ =	shalt  }
0x42: {  	_ =	shalt  }
0x43: {  	_ =	shalt  }
0x44: {  	_ =	shalt  }
0x45: {  	_ =	shalt  }
0x46: {  	_ =	shalt  }
0x47: {  	_ =	shalt  }
0x48: {  	_ =	shalt  }
0x49: {  	_ =	shalt  }
0x4a: {  	_ =	shalt  }
0x4b: {  	_ =	shalt  }
0x4c: {  	_ =	shalt  }
0x4d: {  	_ =	shalt  }
0x4e: {  	_ =	shalt  }
0x4f: {  	_ =	shalt  }
0x50: {  	_ =	shalt  }
0x51: {  	_ =	shalt  }
0x52: {  	_ =	shalt  }
0x53: {  	_ =	shalt  }
0x54: {  	_ =	shalt  }
0x55: {  	_ =	shalt  }
0x56: {  	_ =	shalt  }
0x57: {  	_ =	shalt  }
0x58: {  	_ =	shalt  }
0x59: {  	_ =	shalt  }
0x5a: {  	_ =	shalt  }
0x5b: {  	_ =	shalt  }
0x5c: {  	_ =	shalt  }
0x5d: {  	_ =	shalt  }
0x5e: {  	_ =	shalt  }
0x5f: {  	_ =	shalt  }
0x60: {  	_ =	shalt  }
0x61: {  	_ =	shalt  }
0x62: {  	_ =	shalt  }
0x63: {  	_ =	shalt  }
0x64: {  	_ =	shalt  }
0x65: {  	_ =	shalt  }
0x66: {  	_ =	shalt  }
0x67: {  	_ =	shalt  }
0x68: {  	_ =	shalt  }
0x69: {  	_ =	shalt  }
0x6a: {  	_ =	shalt  }
0x6b: {  	_ =	shalt  }
0x6c: {  	_ =	shalt  }
0x6d: {  	_ =	shalt  }
0x6e: {  	_ =	shalt  }
0x6f: {  	_ =	shalt  }
0x70: {  	_ =	shalt  }
0x71: {  	_ =	shalt  }
0x72: {  	_ =	shalt  }
0x73: {  	_ =	shalt  }
0x74: {  	_ =	shalt  }
0x75: {  	_ =	shalt  }
0x76: {  	_ =	shalt  }
0x77: {  	_ =	shalt  }
0x78: {  	_ =	shalt  }
0x79: {  	_ =	shalt  }
0x7a: {  	_ =	shalt  }
0x7b: {  	_ =	shalt  }
0x7c: {  	_ =	shalt  }
0x7d: {  	_ =	shalt  }
0x7e: {  	_ =	shalt  }
0x7f: {  	_ =	shalt  }
0x80: {  	_ =	shalt  }
0x81: {  	_ =	shalt  }
0x82: {  	_ =	shalt  }
0x83: {  	_ =	shalt  }
0x84: {  	_ =	shalt  }
0x85: {  	_ =	shalt  }
0x86: {  	_ =	shalt  }
0x87: {  	_ =	shalt  }
.Lfunc_end0:
.L_simem_size_0:
called_computation.3_lowered:
.L_overlay_start_0:
0x88: {  	s2 =	sld [smem:$0x3FD9]  }
0x89: {  	s3 =	sld [smem:$0x3FFE];
	_ =	sdelay $0x1  }
0x8a: {  	s1 =	srdreg.scid  }
0x8b: {  	s0 =	sand.u32 $0x1, s1  }
0x8c: {  	s16 =	sshll.u32 s0, $0xA;
	s2 =	sadd.s32 s3, s2  }
0x8d: {  	s2 =	sadd.s32 s2, s16  }
0x8e: {  	[smem:$0x3FBB] =	sst s2  }
0x8f: {  	_ = 	snop  }
0x90: {  	(tm) =	ssettm $0x1  }
0x91: {  	s17 =	sld [smem:$0x3FFB];
	_ =	sdelay $0x3  }
0x92: {  	_ =	strace s17  }
0x93: {  	s2 =	sld [smem:$0x3FFC];
	_ =	sdelay $0x3  }
0x94: {  	_ =	strace s2  }
0x95: {  	s2 =	sld [smem:$0x3FFD];
	_ =	sdelay $0x3  }
0x96: {  	_ =	strace s2  }
0x97: {  	_ =	strace $0x8FFFFFFF  }
0x98: {  	s18 =	sld [smem:$0x3FDB];
	_ =	sdelay $0x1  }
0x99: {  	s19 =	simm.s32 $_scs_section_size  }
0x9a: {  	s4 =	simm.s32 $_size__tile_overlayer_lowered;
	s5 =	simm.s32 $_tile_overlayer_lowered  }
0x9b: {  	s22 =	simm.s32 $0x1BFF;
	s21 =	sshll.u32 s5, $0x1;
	s2 =	sadd.s32 s19, s18  }
0x9c: {  	s6 =	simm.s32 $0x0;
	s20 =	sshll.u32 s4, $0x1;
	s4 =	sadd.s32 s21, s2  }
0x9d: {  	[timem:s6], [sflag:s22] =	dma.local [hbm:s4], s20  }
0x9e: {  	_ =	swait.ge [sflag:s22], s20  }
0x9f: {  	s3 =	ssub.s32 $0x0, s20;
	[sflag:s22] =	ssyncset.done $0x0  }
0xa0: {  	[sflag:s22] =	ssyncadd.s32 s3;
	_ =	sdelay $0x1  }
0xa1: {  	s23 =	simm.s32 $0x1B8B  }
0xa2: {  	_ =	swait.ge [sflag:s23], $0x1  }
0xa3: {  	[sflag:s23] =	ssyncset.done $0x0  }
0xa4: {  	s25 =	simm.s32 $0x1B8E;
	s24 =	sld [smem:$0x3FFE];
	[sflag:s23] =	ssyncadd.s32 $0xFFFFFFFF  }
0xa5: {  	s26 =	simm.s32 $execute0_lowered;
	[smem:$0x3FD2] =	sst s25  }
0xa6: {  	s4 =	sshll.u32 s26, $0x1;
	_ =	strace $0x8000004F;
	[dreg:$0x1] =	wrdreg $0xFFFFFFFF  }
0xa7: {  	s28 =	simm.s32 $_size_execute0_lowered;
	s2 =	sadd.s32 s2, s4;
	[dreg:$0x0] =	wrdreg $0x0  }
0xa8: {  	s4 =	sshll.u32 s28, $0x1;
	[dreg:$0x2] =	wrdreg s2  }
0xa9: {  	[dreg:$0x3] =	wrdreg s4  }
0xaa: {  	[dreg:$0x4] =	wrdreg $0xC0  }
0xab: {  	_ =	task [dreg:s6], $0x5FFFF  }
0xac: {  	[dreg:$0x1] =	wrdreg $0xFFFFFFFF  }
0xad: {  	[dreg:$0x0] =	wrdreg $0x60  }
0xae: {  	[dreg:$0x2] =	wrdreg s24  }
0xaf: {  	[dreg:$0x3] =	wrdreg $0xA9000  }
0xb0: {  	[dreg:$0x4] =	wrdreg $0x9  }
0xb1: {  	_ =	task.clear_ibuf [dreg:s6], $0x5FFFF;
	_ =	strace $0x9000004F  }
0xb2: {  	s29 =	simm.s32 $0x9;
	_ =	strace $0x80000051  }
0xb3: {  	_ =	swait.ge [sflag:s29], $0x1  }
0xb4: {  	[sflag:s29] =	ssyncadd.s32 $0xFFFFFFFF  }
0xb5: {  	_ =	strace $0x90000051  }
0xb6: {  	_ =	sfence  }
0xb7: {  	s30 =	sld [smem:$0x0];
	_ =	sdelay $0x2  }
0xb8: {  	s31 =	sshll.u32 s1, $0xD;
	s1 =	sshrl.u32 s1, $0x2  }
0xb9: {  	s3 =	sand.u32 $0x4000, s31;
	s1 =	sadd.s32 s1, s30  }
0xba: {  	s0 =	sor.u32 s3, s0;
	s1 =	sshll.u32 s1, $0x11  }
0xbb: {  	s0 =	sor.u32 s1, s0  }
0xbc: {  	s0 =	sadd.s32 $0x8F2B, s0  }
0xbd: {  	[sflag:s0] =	ssyncadd.remote.s32 $0x1  }
0xbe: {  	_ =	sfence.sel $0xFFFF  }
0xbf: {  	[dreg:$0x0] =	wrdreg $0xFFFFFFFF;
	(pc) =	sbr.abs _section_cstart, $3  }
0xc0: {  	[dreg:$0x1] =	wrdreg $0xFFFFFFFF  }
0xc1: {  	_ =	task.clear_ibuf [dreg:s6], $0x2FFFF;
	_ =	strace $0x9FFFFFFF  }
0xc2: {  	(tm) =	ssettm $0x7FFFFFFF  }
0xc3: {  	_ =	shalt  }
tec
execute0_lowered:
.L_overlay_start_1:
0x0: {  	(tag) =	ssettag $0x1  }
0x1: {  	s0 =	srdreg.scid;
	s1 =	rddreg [dreg:$0x0]  }
0x2: {  	s8 =	stileid.u32;
	s2 =	rddreg [dreg:$0x1]  }
0x3: {  	s18 =	simm.s32 $0x2900;
	s19 =	simm.s32 $0x8;
	s20 =	simm.s32 $0x80  }
0x4: {  	s21 =	simm.s32 $0x7;
	s22 =	simm.s32 $0x5;
	s23 =	simm.s32 $0x6  }
0x5: {  	s24 =	simm.s32 $0x6900;
	s28 =	simm.s32 $0x3;
	s6 =	smul.u32 $0x2800, s8  }
0x6: {  	s29 =	simm.s32 $0x4;
	s0 =	sand.u32 $0x1, s0;
	s25 =	smul.u32 $0x50000, s8  }
0x7: {  	s16 =	sadd.s32 $0xE000, s1;
	s3 =	sshll.u32 s0, $0x4;
	s7 =	smul.u32 $0x28000, s0  }
0x8: {  	s0 =	ssub.s32 $0x2, s0;
	s4 =	sor.u32 s8, s3;
	s3 =	simm.s32 $0x0  }
0x9: {  	s30 =	sshrl.u32 s0, $0x1;
	s5 =	smul.u32 $0x2800, s4;
	[smem:$0x7FF] =	sst s3  }
0xa: {  	s4 =	sadd.s32 $0x3F200, s1;
	s13 =	sadd.s32 s6, s7;
	s0 =	ssub.s32 s0, s30  }
0xb: {  	_ =	strace $0x80000050;
	s14 =	sor.u32 $0x180, s13;
	s15 =	sor.u32 $0x100, s13  }
0xc: {  	s11 =	sshrl.u32 s5, $0x3;
	s5 =	sshrl.u32 s25, $0x2;
	s31 =	sshrl.u32 s14, $0x3  }
0xd: {  	s17 =	sshrl.u32 s15, $0x3;
	s14 =	smax.u32 s0, $0x1;
	s25 =	simm.s32 $0x1  }
0xe: {  	s26 =	sadd.s32 s11, s1;
	s1 =	sadd.s32 s13, s1;
	s5 =	sadd.s32 s5, s2  }
0xf: {  	s11 =	sadd.s32 s16, s11;
	s15 =	sadd.s32 s31, s16;
	s16 =	sadd.s32 s17, s16  }
0x10: {  	s6 =	sadd.s32 $0x4000, s26;
	s7 =	sadd.s32 $0x4000, s5;
	s8 =	sadd.s32 $0x8000, s5  }
0x11: {  	s9 =	sadd.s32 $0xC000, s5;
	s10 =	sadd.s32 $0x10000, s5;
	s12 =	sadd.s32 $0x10, s11  }
0x12: {  	v0 =	vimm.f32 $0.0e+00;
	s13 =	sadd.s32 $0x66400, s1;
	s26 =	simm.s32 $0x2;
	s1 =	simm.s32 $0x0  }
.LBB2_1:
0x13: {  	s0 =	simm.s32 $0x100  }
0x14: {  	[tilespmem:s0], [sflag:$0x7] =	stream.linear.gather [hbm4b:s6+s3], $0x2800, $0x38;
	[tilespmem:$0x1E900] =	vst v63  }
0x15: {  	s17 =	simm.s32 $0x200;
	s0 =	simm.s32 $0x0  }
.LBB2_2:
0x16: {  	p0 =	sne.s32 s17, $0xFE00;
	[tilespmem:s0+$0x2970] =	vst v0  }
0x17: {  	[tilespmem:s0+$0x2900] =	vst v0  }
0x18: {  	[tilespmem:s0+$0x2910] =	vst v0  }
.Ltmp0:
0x19: {  	[tilespmem:s0+$0x2920] =	vst v0;
	(pc) =	sbr.rel @p0 .LBB2_2-.Ltmp0, $4  }
0x1a: {  	[tilespmem:s0+$0x2930] =	vst v0  }
0x1b: {  	[tilespmem:s0+$0x2940] =	vst v0  }
0x1c: {  	[tilespmem:s0+$0x2950] =	vst v0  }
0x1d: {  	[tilespmem:s0+$0x2960] =	vst v0;
	s0 =	sshra.s32 s17, $0x2;
	s17 =	sadd.s32 $0x200, s17  }
0x1e: {  	[tilespmem:s0+$0x2970] =	vst v0  }
0x1f: {  	[tilespmem:s0+$0x2900] =	vst v0  }
0x20: {  	[tilespmem:s0+$0x2910] =	vst v0  }
0x21: {  	[tilespmem:s0+$0x2920] =	vst v0  }
0x22: {  	[tilespmem:s0+$0x2930] =	vst v0  }
0x23: {  	[tilespmem:s0+$0x2940] =	vst v0  }
0x24: {  	[tilespmem:s0+$0x2950] =	vst v0  }
0x25: {  	[tilespmem:s0+$0x2960] =	vst v0  }
0x26: {  	[spmem:s5] =	stream.linear.scatter [tilespmem:s18], [sflag:$0x8], $0x4000, $0x38;
	[tilespmem:$0x1E900] =	vst v63  }
0x27: {  	_ =	swait.ge [sflag:s19], $0x4000  }
0x28: {  	[sflag:s19] =	ssyncset.done $0x0  }
0x29: {  	[sflag:s19] =	ssyncadd.s32 $0xFFFFC000  }
0x2a: {  	[spmem:s7] =	stream.linear.scatter [tilespmem:s18], [sflag:$0x8], $0x4000, $0x38;
	[tilespmem:$0x1E900] =	vst v63  }
0x2b: {  	_ =	swait.ge [sflag:s19], $0x4000  }
0x2c: {  	[sflag:s19] =	ssyncset.done $0x0  }
0x2d: {  	[sflag:s19] =	ssyncadd.s32 $0xFFFFC000  }
0x2e: {  	[spmem:s8] =	stream.linear.scatter [tilespmem:s18], [sflag:$0x8], $0x4000, $0x38;
	[tilespmem:$0x1E900] =	vst v63  }
0x2f: {  	_ =	swait.ge [sflag:s19], $0x4000  }
0x30: {  	[sflag:s19] =	ssyncset.done $0x0  }
0x31: {  	[sflag:s19] =	ssyncadd.s32 $0xFFFFC000  }
0x32: {  	[spmem:s9] =	stream.linear.scatter [tilespmem:s18], [sflag:$0x8], $0x4000, $0x38;
	[tilespmem:$0x1E900] =	vst v63  }
0x33: {  	_ =	swait.ge [sflag:s19], $0x4000  }
0x34: {  	[sflag:s19] =	ssyncset.done $0x0  }
0x35: {  	[sflag:s19] =	ssyncadd.s32 $0xFFFFC000  }
0x36: {  	[spmem:s10] =	stream.linear.scatter [tilespmem:s18], [sflag:$0x8], $0x4000, $0x38;
	[tilespmem:$0x1E900] =	vst v63  }
0x37: {  	_ =	swait.ge [sflag:s19], $0x4000  }
0x38: {  	[sflag:s19] =	ssyncset.done $0x0  }
0x39: {  	[sflag:s19] =	ssyncadd.s32 $0xFFFFC000  }
0x3a: {  	s30 =	simm.s32 $0x0;
	[bflag:$0x0] =	sbarrier.arrive $0xFFFF  }
0x3b: {  	[tilespmem:s30], [sflag:$0x5] =	stream.linear.gather [hbm4b:s11+s30], $0x80, $0x38;
	[tilespmem:$0x1E900] =	vst v63  }
0x3c: {  	_ = 	snop  }
0x3d: {  	[tilespmem:s20], [sflag:$0x6] =	stream.linear.gather [hbm4b:s12+s30], $0x80, $0x38;
	[tilespmem:$0x1E900] =	vst v63  }
0x3e: {  	_ =	swait.ge [sflag:s21], $0x2800  }
0x3f: {  	[sflag:s21] =	ssyncset.done $0x0  }
0x40: {  	[sflag:s21] =	ssyncadd.s32 $0xFFFFD800  }
0x41: {  	_ =	swait.ge [sflag:s22], $0x80  }
0x42: {  	[sflag:s22] =	ssyncset.done $0x0  }
0x43: {  	[sflag:s22] =	ssyncadd.s32 $0xFFFFFF80  }
0x44: {  	[tilespmem:s18], [sflag:$0x1] =	stream.indirect.gather [hbm4b:s4+s20], $0x80, s30, s20, $0xb8;
	[tilespmem:$0x1E900] =	vst v63  }
0x45: {  	_ =	swait.ge [sflag:s23], $0x80  }
0x46: {  	[sflag:s23] =	ssyncset.done $0x0  }
0x47: {  	[sflag:s23] =	ssyncadd.s32 $0xFFFFFF80  }
0x48: {  	[tilespmem:s24], [sflag:$0x2] =	stream.indirect.gather [hbm4b:s4+s20], $0x80, s20, s20, $0xb8;
	[tilespmem:$0x1E900] =	vst v63  }
0x49: {  	_ =	swait.ge [sflag:s25], $0x4000  }
0x4a: {  	[sflag:s25] =	ssyncset.done $0x0  }
0x4b: {  	s31 =	simm.s32 $0x100;
	[sflag:s25] =	ssyncadd.s32 $0xFFFFC000  }
0x4c: {  	[spmem:s2] =	stream.indirect.scatter.add.f32 [tilespmem:s18], [sflag:$0x3], $0x80, s31, s20, $0xb8;
	[tilespmem:$0x1E900] =	vst v63  }
0x4d: {  	s17 =	sadd.s32 $0x0, s16  }
0x4e: {  	[tilespmem:s3], [sflag:$0x5] =	stream.linear.gather [hbm4b:s17+s3], $0x80, $0x38;
	[tilespmem:$0x1E900] =	vst v63  }
0x4f: {  	_ =	swait.ge [sflag:s26], $0x4000  }
0x50: {  	[sflag:s26] =	ssyncset.done $0x0  }
0x51: {  	s30 =	simm.s32 $0x180;
	[sflag:s26] =	ssyncadd.s32 $0xFFFFC000  }
0x52: {  	[spmem:s2] =	stream.indirect.scatter.add.f32 [tilespmem:s24], [sflag:$0x4], $0x80, s30, s20, $0xb8;
	[tilespmem:$0x1E900] =	vst v63  }
0x53: {  	s31 =	sadd.s32 $0x0, s15  }
0x54: {  	[tilespmem:s20], [sflag:$0x6] =	stream.linear.gather [hbm4b:s31+s3], $0x80, $0x38;
	[tilespmem:$0x1E900] =	vst v63  }
0x55: {  	_ =	swait.ge [sflag:s28], $0x4000  }
0x56: {  	[sflag:s28] =	ssyncset.done $0x0  }
0x57: {  	[sflag:s28] =	ssyncadd.s32 $0xFFFFC000  }
0x58: {  	_ =	swait.ge [sflag:s22], $0x80  }
0x59: {  	[sflag:s22] =	ssyncset.done $0x0  }
0x5a: {  	[sflag:s22] =	ssyncadd.s32 $0xFFFFFF80  }
0x5b: {  	[tilespmem:s18], [sflag:$0x1] =	stream.indirect.gather [hbm4b:s4+s20], $0x80, s3, s20, $0xb8;
	[tilespmem:$0x1E900] =	vst v63  }
0x5c: {  	_ =	swait.ge [sflag:s29], $0x4000  }
0x5d: {  	[sflag:s29] =	ssyncset.done $0x0  }
0x5e: {  	[sflag:s29] =	ssyncadd.s32 $0xFFFFC000  }
0x5f: {  	_ =	swait.ge [sflag:s23], $0x80  }
0x60: {  	[sflag:s23] =	ssyncset.done $0x0  }
0x61: {  	s0 =	simm.s32 $0x20;
	s17 =	simm.s32 $0x280;
	[sflag:s23] =	ssyncadd.s32 $0xFFFFFF80  }
.LBB2_4:
0x62: {  	[tilespmem:s24], [sflag:$0x2] =	stream.indirect.gather [hbm4b:s4+s20], $0x80, s20, s20, $0xb8;
	[tilespmem:$0x1E900] =	vst v63  }
0x63: {  	s30 =	smov.u32 s0  }
0x64: {  	p0 =	sne.s32 s0, $0x4C0;
	s0 =	sadd.s32 $0x20, s0;
	_ =	swait.ge [sflag:s25], $0x4000  }
0x65: {  	[sflag:s25] =	ssyncset.done $0x0  }
0x66: {  	s31 =	sadd.s32 $0xFFFFFF80, s17;
	[sflag:s25] =	ssyncadd.s32 $0xFFFFC000  }
0x67: {  	[spmem:s2] =	stream.indirect.scatter.add.f32 [tilespmem:s18], [sflag:$0x3], $0x80, s31, s20, $0xb8;
	[tilespmem:$0x1E900] =	vst v63  }
0x68: {  	s31 =	sadd.s32 s30, s16  }
0x69: {  	[tilespmem:s3], [sflag:$0x5] =	stream.linear.gather [hbm4b:s31+s3], $0x80, $0x38;
	[tilespmem:$0x1E900] =	vst v63  }
0x6a: {  	_ =	swait.ge [sflag:s26], $0x4000  }
0x6b: {  	[sflag:s26] =	ssyncset.done $0x0  }
0x6c: {  	[sflag:s26] =	ssyncadd.s32 $0xFFFFC000  }
0x6d: {  	[spmem:s2] =	stream.indirect.scatter.add.f32 [tilespmem:s24], [sflag:$0x4], $0x80, s17, s20, $0xb8;
	[tilespmem:$0x1E900] =	vst v63  }
0x6e: {  	s30 =	sadd.s32 s30, s15  }
0x6f: {  	[tilespmem:s20], [sflag:$0x6] =	stream.linear.gather [hbm4b:s30+s3], $0x80, $0x38;
	[tilespmem:$0x1E900] =	vst v63  }
0x70: {  	_ =	swait.ge [sflag:s28], $0x4000  }
0x71: {  	[sflag:s28] =	ssyncset.done $0x0  }
0x72: {  	[sflag:s28] =	ssyncadd.s32 $0xFFFFC000  }
0x73: {  	_ =	swait.ge [sflag:s22], $0x80  }
0x74: {  	[sflag:s22] =	ssyncset.done $0x0  }
0x75: {  	[sflag:s22] =	ssyncadd.s32 $0xFFFFFF80  }
0x76: {  	[tilespmem:s18], [sflag:$0x1] =	stream.indirect.gather [hbm4b:s4+s20], $0x80, s3, s20, $0xb8;
	[tilespmem:$0x1E900] =	vst v63  }
0x77: {  	_ =	swait.ge [sflag:s29], $0x4000  }
.Ltmp1:
0x78: {  	[sflag:s29] =	ssyncset.done $0x0;
	(pc) =	sbr.rel @p0 .LBB2_4-.Ltmp1, $4  }
0x79: {  	[sflag:s29] =	ssyncadd.s32 $0xFFFFC000  }
0x7a: {  	_ =	swait.ge [sflag:s23], $0x80  }
0x7b: {  	[sflag:s23] =	ssyncset.done $0x0  }
0x7c: {  	s17 =	sadd.s32 $0x100, s17;
	[sflag:s23] =	ssyncadd.s32 $0xFFFFFF80  }
0x7d: {  	[tilespmem:s24], [sflag:$0x2] =	stream.indirect.gather [hbm4b:s4+s20], $0x80, s20, s20, $0xb8;
	[tilespmem:$0x1E900] =	vst v63  }
0x7e: {  	_ =	swait.ge [sflag:s25], $0x4000  }
0x7f: {  	[sflag:s25] =	ssyncset.done $0x0  }
0x80: {  	s0 =	simm.s32 $0x2800;
	[sflag:s25] =	ssyncadd.s32 $0xFFFFC000  }
0x81: {  	[spmem:s2] =	stream.indirect.scatter.add.f32 [tilespmem:s18], [sflag:$0x3], $0x80, s0, s20, $0xb8;
	[tilespmem:$0x1E900] =	vst v63  }
0x82: {  	_ =	swait.ge [sflag:s26], $0x4000  }
0x83: {  	[sflag:s26] =	ssyncset.done $0x0  }
0x84: {  	s30 =	simm.s32 $0x2880;
	[sflag:s26] =	ssyncadd.s32 $0xFFFFC000  }
0x85: {  	[spmem:s2] =	stream.indirect.scatter.add.f32 [tilespmem:s24], [sflag:$0x4], $0x80, s30, s20, $0xb8;
	[tilespmem:$0x1E900] =	vst v63  }
0x86: {  	_ =	swait.ge [sflag:s28], $0x4000  }
0x87: {  	[sflag:s28] =	ssyncset.done $0x0  }
0x88: {  	[sflag:s28] =	ssyncadd.s32 $0xFFFFC000  }
0x89: {  	s31 =	stileid.u32;
	_ =	swait.ge [sflag:s29], $0x4000  }
0x8a: {  	s17 =	sshrl.u32 s5, $0x3;
	s1 =	sadd.s32 $0x1, s1;
	[sflag:s29] =	ssyncset.done $0x0  }
0x8b: {  	p0 =	sne.s32 s1, s14;
	s0 =	sshll.u32 s31, $0x6;
	[sflag:s29] =	ssyncadd.s32 $0xFFFFC000  }
.Ltmp2:
0x8c: {  	s0 =	sor.u32 $0x1C08, s0;
	[bflag:$0x0] =	sbarrier.arrive $0xFFFF;
	(pc) =	sbr.rel @p0 .LBB2_1-.Ltmp2, $4  }
0x8d: {  	[hbm:s13], [sflag:s0] =	dma.local [spmem:s17], $0x2800  }
0x8e: {  	_ =	swait.ge [sflag:s19], $0x2800  }
0x8f: {  	[sflag:s19] =	ssyncset.done $0x0  }
0x90: {  	[sflag:s19] =	ssyncadd.s32 $0xFFFFD800  }
0x91: {  	_ =	sfence.sel $0x180000  }
0x92: {  	[bflag:$0x0] =	sbarrier.arrive $0xFFFF  }
0x93: {  	_ =	strace $0x90000050  }
0x94: {  	s0 =	stileid.u32;
	[bflag:$0x2] =	sbarrier.arrive $0xFFFF  }
0x95: {  	p0 =	sne.s32 s0, $0x0;
	s0 =	rddreg [dreg:$0x2]  }
0x96: {  	s0 =	sadd.s32 @!p0 $0x100000, s0  }
0x97: {  	[sflag:s0] =	ssyncadd.tile.s32 @!p0 $0x1;
	_ =	shalt  }
.Lfunc_end2:
_tile_overlayer_lowered:
.L_overlay_start_2:
0x98: {  	(tag) =	ssettag $0x2  }
0x99: {  	s0 =	rddreg [dreg:$0x0];
	s2 =	stileid.u32  }
0x9a: {  	s1 =	rddreg [dreg:$0x1];
	p0 =	sne.s32 s2, $0x0  }
0x9b: {  	s3 =	rddreg [dreg:$0x2];
	[bflag:$0x3] =	sbarrier.arrive $0xFFFF;
	s2 =	simm.s32 @!p0 $0x1C08  }
0x9c: {  	[timem:s3], [sflag:s2] =	dma.local @!p0 [hbm:s0], s1  }
0x9d: {  	s0 =	simm.s32 @!p0 $0x8  }
0x9e: {  	_ =	swait.ge @!p0 [sflag:s0], s1  }
0x9f: {  	s1 =	ssub.s32 @!p0 $0x0, s1;
	[sflag:s0] =	ssyncset.done @!p0 $0x0  }
0xa0: {  	[sflag:s0] =	ssyncadd.s32 @!p0 s1  }
0xa1: {  	[bflag:$0x3] =	sbarrier.arrive $0xFFFF  }
0xa2: {  	_ =	shalt  }

</sc_bundles>
